<compile_context>
chip_gen: v7x
topology: tpu7x:2x2x1
jax: 0.10.2.dev20260603
libtpu: 0.0.44.dev20260713+nightly
codegen_flags: <defaults>
</compile_context>

<pallas_src>
import jax
import jax.numpy as jnp
from jax import lax
from jax.experimental import pallas as pl
from jax.experimental.pallas import tpu as pltpu
from jax.experimental.pallas import tpu_sc as plsc

N_NODES = 10000
E = 160000
D = 256
DQ = 64
GENE_NUM = 2000
NC = 2
NS = 16
ET = E // NS
CH = 80
NCHUNK = ET // CH
N_PAD = 10240
RT = N_PAD // NS
APAD = 2048


def _sc_kernel(h4, src2, dst3, ew2, cell, alpha_p,
               zsum, zcnt, ones_h, outsum, outcnt,
               src_v, dstix_v, ew_v, cell_v, alpha_v, s_v, gidx0_v, gidx1_v,
               rows_a, rows_b, ones_v, acc_sp, cnt_sp, gsemA, gsemB,
               ssem, csem):
    c = lax.axis_index("c")
    s = lax.axis_index("s")

    pltpu.sync_copy(src2.at[s], src_v)
    pltpu.sync_copy(dst3.at[s], dstix_v)
    pltpu.sync_copy(ew2.at[s], ew_v)
    pltpu.sync_copy(cell, cell_v)
    pltpu.sync_copy(alpha_p, alpha_v)

    r0 = s * RT

    pltpu.sync_copy(ones_h, ones_v)

    def p0(j, carry):
        for k in range(CH // 16):
            off = j * CH + k * 16
            src16 = src_v[pl.ds(off, 16)]
            dst16 = dstix_v[j, pl.ds(k * 16, 16)]
            sid = plsc.load_gather(cell_v, [src16])
            did = plsc.load_gather(cell_v, [dst16])
            idx = jnp.full((16,), GENE_NUM + 1, jnp.int32)
            idx = jnp.where((sid >= 0) & (did < 0), sid, idx)
            idx = jnp.where((did >= 0) & (sid < 0), did, idx)
            idx = jnp.where((did >= 0) & (sid >= 0),
                            jnp.full((16,), GENE_NUM, jnp.int32), idx)
            a16 = plsc.load_gather(alpha_v, [idx])
            s_v[pl.ds(off, 16)] = a16 * ew_v[pl.ds(off, 16)]
            g0 = src16 * 4 + c * 2
            gidx0_v[j, pl.ds(k * 16, 16)] = g0
            gidx1_v[j, pl.ds(k * 16, 16)] = g0 + 1
        return carry
    lax.fori_loop(0, NCHUNK, p0, 0)

    for p in range(2):
        pltpu.sync_copy(zsum, acc_sp.at[pl.ds(r0, RT)])
        if p == 0:
            pltpu.sync_copy(zcnt, cnt_sp.at[pl.ds(r0, RT)])
        plsc.subcore_barrier()

        gix = gidx0_v if p == 0 else gidx1_v

        def scale_buf(buf, j):
            base = j * CH

            def srow(r4, carry2):
                for u in range(4):
                    r = r4 * 4 + u
                    sbc = plsc.load_gather(
                        s_v, [jnp.full((16,), base + r, jnp.int32)])
                    for q in range(DQ // 16):
                        buf[r, pl.ds(q * 16, 16)] = (
                            buf[r, pl.ds(q * 16, 16)] * sbc)
                return carry2
            lax.fori_loop(0, CH // 4, srow, 0)

        def fire_scatter(buf, j):
            pltpu.async_copy(buf, acc_sp.at[dstix_v.at[j]], ssem, add=True)
            if p == 0:
                pltpu.async_copy(ones_v, cnt_sp.at[dstix_v.at[j]], csem,
                                 add=True)

        def wait_scatter(buf, j):
            pltpu.make_async_copy(buf, acc_sp.at[dstix_v.at[j]], ssem).wait()
            if p == 0:
                pltpu.make_async_copy(ones_v, cnt_sp.at[dstix_v.at[j]],
                                      csem).wait()

        pltpu.async_copy(h4.at[gix.at[0]], rows_a, gsemA)

        def p1(g, carry):
            ja = 2 * g
            jb = 2 * g + 1

            @pl.when(g > 0)
            def _():
                wait_scatter(rows_b, jb - 2)
            pltpu.async_copy(h4.at[gix.at[jb]], rows_b, gsemB)
            pltpu.make_async_copy(h4.at[gix.at[ja]], rows_a, gsemA).wait()
            scale_buf(rows_a, ja)
            fire_scatter(rows_a, ja)
            pltpu.make_async_copy(h4.at[gix.at[jb]], rows_b, gsemB).wait()
            scale_buf(rows_b, jb)
            wait_scatter(rows_a, ja)
            jn = jnp.minimum(ja + 2, NCHUNK - 1)
            pltpu.async_copy(h4.at[gix.at[jn]], rows_a, gsemA)
            fire_scatter(rows_b, jb)
            return carry
        lax.fori_loop(0, (NCHUNK - 1) // 2, p1, 0)

        jt = NCHUNK - 1
        pltpu.make_async_copy(h4.at[gix.at[jt]], rows_a, gsemA).wait()
        scale_buf(rows_a, jt)
        wait_scatter(rows_b, jt - 1)
        fire_scatter(rows_a, jt)
        wait_scatter(rows_a, jt)

        plsc.subcore_barrier()
        pltpu.sync_copy(acc_sp.at[pl.ds(r0, RT)],
                        outsum.at[c, p, pl.ds(r0, RT)])
        if p == 0:
            pltpu.sync_copy(cnt_sp.at[pl.ds(r0, RT)],
                            outcnt.at[c, pl.ds(r0, RT)])


def _sc_aggregate(h4, src2, dst3, ew2, cell, alpha_p, zsum, zcnt, ones_h):
    mesh = plsc.VectorSubcoreMesh(core_axis_name="c", subcore_axis_name="s")
    return pl.kernel(
        _sc_kernel,
        out_type=[
            jax.ShapeDtypeStruct((NC, 2, N_PAD, DQ), jnp.float32),
            jax.ShapeDtypeStruct((NC, N_PAD, 8), jnp.float32),
        ],
        mesh=mesh,
        compiler_params=pltpu.CompilerParams(needs_layout_passes=False, use_tc_tiling_on_sc=False),
        scratch_types=[
            pltpu.VMEM((ET,), jnp.int32),
            pltpu.VMEM((NCHUNK, CH), jnp.int32),
            pltpu.VMEM((ET,), jnp.float32),
            pltpu.VMEM((N_NODES,), jnp.int32),
            pltpu.VMEM((APAD,), jnp.float32),
            pltpu.VMEM((ET,), jnp.float32),
            pltpu.VMEM((NCHUNK, CH), jnp.int32),
            pltpu.VMEM((NCHUNK, CH), jnp.int32),
            pltpu.VMEM((CH, DQ), jnp.float32),
            pltpu.VMEM((CH, DQ), jnp.float32),
            pltpu.VMEM((CH, 8), jnp.float32),
            pltpu.VMEM_SHARED((N_PAD, DQ), jnp.float32),
            pltpu.VMEM_SHARED((N_PAD, 8), jnp.float32),
            pltpu.SemaphoreType.DMA,
            pltpu.SemaphoreType.DMA,
            pltpu.SemaphoreType.DMA,
            pltpu.SemaphoreType.DMA,
        ],
    )(h4, src2, dst3, ew2, cell, alpha_p, zsum, zcnt, ones_h)


BR = 2000


def _tc_kernel(acc_ref, cnt_ref, w_ref, b_ref, g_ref, be_ref, o_ref):
    nb = jnp.concatenate(
        [acc_ref[0, 0], acc_ref[0, 1], acc_ref[1, 0], acc_ref[1, 1]],
        axis=1)
    cntcol = cnt_ref[0][:, 0:1]
    neigh = jnp.where(cntcol > 0.0, nb / jnp.maximum(cntcol, 1.0), 0.0)
    z = lax.dot_general(neigh, w_ref[...], (((1,), (1,)), ((), ())),
                        preferred_element_type=jnp.float32)
    z = z + b_ref[...]
    z = jnp.maximum(z, 0.0)
    mu = jnp.mean(z, axis=1, keepdims=True)
    var = jnp.mean((z - mu) ** 2, axis=1, keepdims=True)
    o_ref[...] = (z - mu) / jnp.sqrt(var + 1e-5) * g_ref[...] + be_ref[...]


def _tc_tail(outsum, outcnt, W, b2, g2, be2):
    grid = (N_NODES // BR,)
    return pl.pallas_call(
        _tc_kernel,
        grid=grid,
        in_specs=[
            pl.BlockSpec((NC, 2, BR, DQ), lambda i: (0, 0, i, 0)),
            pl.BlockSpec((1, BR, 8), lambda i: (0, i, 0)),
            pl.BlockSpec((D, D), lambda i: (0, 0)),
            pl.BlockSpec((1, D), lambda i: (0, 0)),
            pl.BlockSpec((1, D), lambda i: (0, 0)),
            pl.BlockSpec((1, D), lambda i: (0, 0)),
        ],
        out_specs=pl.BlockSpec((BR, D), lambda i: (i, 0)),
        out_shape=jax.ShapeDtypeStruct((N_NODES, D), jnp.float32),
    )(outsum, outcnt, W, b2, g2, be2)


@jax.jit
def kernel(h, edge_index, cell_id, edge_weight, alpha, W, b, gamma, beta):
    h4 = h.reshape(4 * N_NODES, DQ)
    src2 = edge_index[0].reshape(NS, ET)
    dst3 = edge_index[1].reshape(NS, NCHUNK, CH)
    ew2 = edge_weight.reshape(NS, ET)
    alpha_p = jnp.zeros((APAD,), jnp.float32).at[: alpha.shape[0]].set(alpha)
    zsum = jnp.zeros((RT, DQ), jnp.float32)
    zcnt = jnp.zeros((RT, 8), jnp.float32)
    ones_h = jnp.ones((CH, 8), jnp.float32)

    outsum, outcnt = _sc_aggregate(h4, src2, dst3, ew2, cell_id, alpha_p,
                                   zsum, zcnt, ones_h)

    b2 = b.reshape(1, D)
    g2 = gamma.reshape(1, D)
    be2 = beta.reshape(1, D)
    return _tc_tail(outsum, outcnt, W, b2, g2, be2)

# --- scband reference (transcript-rebuilt; emitter-appended) ---
"""Pipeline reference for scband-adaptive-sage-3762391351790 (READ-ONLY COPY).

The authoritative reference and input builder live on the scoring server;
editing this copy changes nothing except your own understanding.
"""

import jax, jax.numpy as jnp
import numpy as np

N_NODES = 10000
N_DST = 10000
E = 160000
D_IN = 256
D_OUT = 256
GENE_NUM = 2000


def setup_inputs(seed: int = 0) -> dict:
    key = jax.random.key(seed)
    ks = jax.random.split(key, 12)
    h = jax.random.normal(ks[0], (N_NODES, D_IN), dtype=jnp.float32)
    src = jax.random.randint(ks[1], (E,), 0, N_NODES, dtype=jnp.int32)
    dst = jax.random.randint(ks[2], (E,), 0, N_DST, dtype=jnp.int32)
    edge_index = jnp.stack([src, dst], axis=0)
    raw = jax.random.randint(ks[3], (N_NODES,), 0, 2 * GENE_NUM, dtype=jnp.int32)
    cell_id = jnp.where(raw < GENE_NUM, raw, -1)  # genes: id in [0, GENE_NUM); cells: -1
    edge_weight = jax.random.uniform(ks[4], (E,), dtype=jnp.float32)
    alpha = 1.0 + 0.1 * jax.random.normal(ks[5], (GENE_NUM + 2,), dtype=jnp.float32)
    gain = float(np.sqrt(2.0))
    bound = gain * float(np.sqrt(6.0 / (D_IN + D_OUT)))
    W = jax.random.uniform(ks[6], (D_OUT, D_IN), minval=-bound, maxval=bound, dtype=jnp.float32)
    b = jnp.zeros((D_OUT,), dtype=jnp.float32)
    gamma = jnp.ones((D_OUT,), dtype=jnp.float32)
    beta = jnp.zeros((D_OUT,), dtype=jnp.float32)
    return {"h": h, "edge_index": edge_index, "cell_id": cell_id, "edge_weight": edge_weight,
            "alpha": alpha, "W": W, "b": b, "gamma": gamma, "beta": beta}


def _layer_norm(z, gamma, beta):
    mu = jnp.mean(z, axis=-1, keepdims=True)
    var = jnp.mean((z - mu) ** 2, axis=-1, keepdims=True)
    return (z - mu) / jnp.sqrt(var + 1e-5) * gamma + beta


def reference(h, edge_index, cell_id, edge_weight, alpha, W, b, gamma, beta):
    src = edge_index[0]
    dst = edge_index[1]
    src_id = cell_id[src]
    dst_id = cell_id[dst]
    # message_func: select per-edge alpha index
    idx = jnp.full((E,), GENE_NUM + 1, dtype=jnp.int32)
    idx = jnp.where((src_id >= 0) & (dst_id < 0), src_id.astype(jnp.int32), idx)
    idx = jnp.where((dst_id >= 0) & (src_id < 0), dst_id.astype(jnp.int32), idx)
    idx = jnp.where((dst_id >= 0) & (src_id >= 0), GENE_NUM, idx)
    m = h[src] * alpha[idx][:, None] * edge_weight[:, None]
    # dgl.function.mean('m', 'neigh')
    msum = jax.ops.segment_sum(m, dst, num_segments=N_DST)
    cnt = jax.ops.segment_sum(jnp.ones((E,), dtype=jnp.float32), dst, num_segments=N_DST)
    neigh = jnp.where(cnt[:, None] > 0, msum / jnp.maximum(cnt, 1.0)[:, None], 0.0)
    z = neigh  # aggregated dst representation (dropout = identity at inference)
    z = z @ W.T + b
    z = jax.nn.relu(z)
    z = _layer_norm(z, gamma, beta)
    return z

if __name__ == "__main__":
    import jax
    _d = setup_inputs()
    print(jax.jit(kernel)(*tuple(_d.values())))

</pallas_src>

<mosaic_0001>
#map = affine_map<(d0, d1) -> (0, 0)>
#map1 = affine_map<(d0, d1) -> (0, 0, 0)>
#map2 = affine_map<(d0, d1) -> (0)>
#map3 = affine_map<(d0, d1) -> (0, 0, 0, 0)>
module attributes {stable_mosaic.version = 14 : i64} {
  func.func @_sc_kernel(%arg0: i32, %arg1: i32, %arg2: memref<40000x64xf32, #tpu.memory_space<hbm>>, %arg3: memref<16x10000xi32, #tpu.memory_space<hbm>>, %arg4: memref<16x125x80xi32, #tpu.memory_space<hbm>>, %arg5: memref<16x10000xf32, #tpu.memory_space<hbm>>, %arg6: memref<10000xi32, #tpu.memory_space<hbm>>, %arg7: memref<2048xf32, #tpu.memory_space<hbm>>, %arg8: memref<640x64xf32, #tpu.memory_space<hbm>>, %arg9: memref<640x8xf32, #tpu.memory_space<hbm>>, %arg10: memref<80x8xf32, #tpu.memory_space<hbm>>, %arg11: memref<2x2x10240x64xf32, #tpu.memory_space<hbm>>, %arg12: memref<2x10240x8xf32, #tpu.memory_space<hbm>>, %arg13: memref<10000xi32, #tpu.memory_space<vmem>>, %arg14: memref<125x80xi32, #tpu.memory_space<vmem>>, %arg15: memref<10000xf32, #tpu.memory_space<vmem>>, %arg16: memref<10000xi32, #tpu.memory_space<vmem>>, %arg17: memref<2048xf32, #tpu.memory_space<vmem>>, %arg18: memref<10000xf32, #tpu.memory_space<vmem>>, %arg19: memref<125x80xi32, #tpu.memory_space<vmem>>, %arg20: memref<125x80xi32, #tpu.memory_space<vmem>>, %arg21: memref<80x64xf32, #tpu.memory_space<vmem>>, %arg22: memref<80x64xf32, #tpu.memory_space<vmem>>, %arg23: memref<80x8xf32, #tpu.memory_space<vmem>>, %arg24: memref<10240x64xf32, #tpu.memory_space<vmem_shared>>, %arg25: memref<10240x8xf32, #tpu.memory_space<vmem_shared>>, %arg26: memref<!tpu.dma_semaphore, #tpu.memory_space<semaphore_mem>>, %arg27: memref<!tpu.dma_semaphore, #tpu.memory_space<semaphore_mem>>, %arg28: memref<!tpu.dma_semaphore, #tpu.memory_space<semaphore_mem>>, %arg29: memref<!tpu.dma_semaphore, #tpu.memory_space<semaphore_mem>>) attributes {dimension_semantics = [#tpu.dimension_semantics<core_parallel>, #tpu.dimension_semantics<subcore_parallel>], iteration_bounds = array<i64: 2, 16>, scalar_prefetch = 0 : i64, scratch_operands = 17 : i64, tpu.core_type = #tpu.core_type<sc_vector_subcore>, window_params = [{transform_indices = #map}, {transform_indices = #map}, {transform_indices = #map1}, {transform_indices = #map}, {transform_indices = #map2}, {transform_indices = #map2}, {transform_indices = #map}, {transform_indices = #map}, {transform_indices = #map}, {transform_indices = #map3}, {transform_indices = #map1}]} {
    "tpu.region"() ({
      %run_scoped3A_123 = tpu.sem_alloc : memref<!tpu.dma_semaphore, #tpu.memory_space<semaphore_mem>>
      %dma_start3A_124 = arith.constant 0 : i32
      %dma_start3A_125 = tpu.memref_slice %arg3[%arg1, %dma_start3A_124] : memref<16x10000xi32, #tpu.memory_space<hbm>> -> memref<1x10000xi32, #tpu.memory_space<hbm>>
      %dma_start3A_126 = tpu.memref_squeeze %dma_start3A_125 : memref<1x10000xi32, #tpu.memory_space<hbm>> -> memref<10000xi32, #tpu.memory_space<hbm>>
      %dma_start3A_127 = arith.constant 0 : i32
      %dma_start3A_128 = tpu.memref_slice %arg3[%arg1, %dma_start3A_127] : memref<16x10000xi32, #tpu.memory_space<hbm>> -> memref<1x10000xi32, #tpu.memory_space<hbm>>
      %dma_start3A_129 = tpu.memref_squeeze %dma_start3A_128 : memref<1x10000xi32, #tpu.memory_space<hbm>> -> memref<10000xi32, #tpu.memory_space<hbm>>
      tpu.enqueue_dma source(%dma_start3A_129 : memref<10000xi32, #tpu.memory_space<hbm>>) target(%arg13 : memref<10000xi32, #tpu.memory_space<vmem>>) target_semaphore(%run_scoped3A_123 : memref<!tpu.dma_semaphore, #tpu.memory_space<semaphore_mem>>)
      %dma_wait3A_130 = arith.constant 0 : i32
      %dma_wait3A_131 = tpu.memref_slice %arg3[%arg1, %dma_wait3A_130] : memref<16x10000xi32, #tpu.memory_space<hbm>> -> memref<1x10000xi32, #tpu.memory_space<hbm>>
      %dma_wait3A_132 = tpu.memref_squeeze %dma_wait3A_131 : memref<1x10000xi32, #tpu.memory_space<hbm>> -> memref<10000xi32, #tpu.memory_space<hbm>>
      %dma_wait3A_133 = arith.constant 0 : i32
      %dma_wait3A_134 = tpu.memref_slice %arg3[%arg1, %dma_wait3A_133] : memref<16x10000xi32, #tpu.memory_space<hbm>> -> memref<1x10000xi32, #tpu.memory_space<hbm>>
      %dma_wait3A_135 = tpu.memref_squeeze %dma_wait3A_134 : memref<1x10000xi32, #tpu.memory_space<hbm>> -> memref<10000xi32, #tpu.memory_space<hbm>>
      tpu.wait_dma2 semaphore(%run_scoped3A_123 : memref<!tpu.dma_semaphore, #tpu.memory_space<semaphore_mem>>) src(%dma_wait3A_135 : memref<10000xi32, #tpu.memory_space<hbm>>) dst(%arg13 : memref<10000xi32, #tpu.memory_space<vmem>>)
      tpu.yield
    }) : () -> ()
    "tpu.region"() ({
      %run_scoped3A_123 = tpu.sem_alloc : memref<!tpu.dma_semaphore, #tpu.memory_space<semaphore_mem>>
      %dma_start3A_124 = arith.constant 0 : i32
      %dma_start3A_125 = arith.constant 0 : i32
      %dma_start3A_126 = tpu.memref_slice %arg4[%arg1, %dma_start3A_124, %dma_start3A_125] : memref<16x125x80xi32, #tpu.memory_space<hbm>> -> memref<1x125x80xi32, #tpu.memory_space<hbm>>
      %dma_start3A_127 = tpu.memref_squeeze %dma_start3A_126 : memref<1x125x80xi32, #tpu.memory_space<hbm>> -> memref<125x80xi32, #tpu.memory_space<hbm>>
      %dma_start3A_128 = arith.constant 0 : i32
      %dma_start3A_129 = arith.constant 0 : i32
      %dma_start3A_130 = tpu.memref_slice %arg4[%arg1, %dma_start3A_128, %dma_start3A_129] : memref<16x125x80xi32, #tpu.memory_space<hbm>> -> memref<1x125x80xi32, #tpu.memory_space<hbm>>
      %dma_start3A_131 = tpu.memref_squeeze %dma_start3A_130 : memref<1x125x80xi32, #tpu.memory_space<hbm>> -> memref<125x80xi32, #tpu.memory_space<hbm>>
      tpu.enqueue_dma source(%dma_start3A_131 : memref<125x80xi32, #tpu.memory_space<hbm>>) target(%arg14 : memref<125x80xi32, #tpu.memory_space<vmem>>) target_semaphore(%run_scoped3A_123 : memref<!tpu.dma_semaphore, #tpu.memory_space<semaphore_mem>>)
      %dma_wait3A_132 = arith.constant 0 : i32
      %dma_wait3A_133 = arith.constant 0 : i32
      %dma_wait3A_134 = tpu.memref_slice %arg4[%arg1, %dma_wait3A_132, %dma_wait3A_133] : memref<16x125x80xi32, #tpu.memory_space<hbm>> -> memref<1x125x80xi32, #tpu.memory_space<hbm>>
      %dma_wait3A_135 = tpu.memref_squeeze %dma_wait3A_134 : memref<1x125x80xi32, #tpu.memory_space<hbm>> -> memref<125x80xi32, #tpu.memory_space<hbm>>
      %dma_wait3A_136 = arith.constant 0 : i32
      %dma_wait3A_137 = arith.constant 0 : i32
      %dma_wait3A_138 = tpu.memref_slice %arg4[%arg1, %dma_wait3A_136, %dma_wait3A_137] : memref<16x125x80xi32, #tpu.memory_space<hbm>> -> memref<1x125x80xi32, #tpu.memory_space<hbm>>
      %dma_wait3A_139 = tpu.memref_squeeze %dma_wait3A_138 : memref<1x125x80xi32, #tpu.memory_space<hbm>> -> memref<125x80xi32, #tpu.memory_space<hbm>>
      tpu.wait_dma2 semaphore(%run_scoped3A_123 : memref<!tpu.dma_semaphore, #tpu.memory_space<semaphore_mem>>) src(%dma_wait3A_139 : memref<125x80xi32, #tpu.memory_space<hbm>>) dst(%arg14 : memref<125x80xi32, #tpu.memory_space<vmem>>)
      tpu.yield
    }) : () -> ()
    "tpu.region"() ({
      %run_scoped3A_123 = tpu.sem_alloc : memref<!tpu.dma_semaphore, #tpu.memory_space<semaphore_mem>>
      %dma_start3A_124 = arith.constant 0 : i32
      %dma_start3A_125 = tpu.memref_slice %arg5[%arg1, %dma_start3A_124] : memref<16x10000xf32, #tpu.memory_space<hbm>> -> memref<1x10000xf32, #tpu.memory_space<hbm>>
      %dma_start3A_126 = tpu.memref_squeeze %dma_start3A_125 : memref<1x10000xf32, #tpu.memory_space<hbm>> -> memref<10000xf32, #tpu.memory_space<hbm>>
      %dma_start3A_127 = arith.constant 0 : i32
      %dma_start3A_128 = tpu.memref_slice %arg5[%arg1, %dma_start3A_127] : memref<16x10000xf32, #tpu.memory_space<hbm>> -> memref<1x10000xf32, #tpu.memory_space<hbm>>
      %dma_start3A_129 = tpu.memref_squeeze %dma_start3A_128 : memref<1x10000xf32, #tpu.memory_space<hbm>> -> memref<10000xf32, #tpu.memory_space<hbm>>
      tpu.enqueue_dma source(%dma_start3A_129 : memref<10000xf32, #tpu.memory_space<hbm>>) target(%arg15 : memref<10000xf32, #tpu.memory_space<vmem>>) target_semaphore(%run_scoped3A_123 : memref<!tpu.dma_semaphore, #tpu.memory_space<semaphore_mem>>)
      %dma_wait3A_130 = arith.constant 0 : i32
      %dma_wait3A_131 = tpu.memref_slice %arg5[%arg1, %dma_wait3A_130] : memref<16x10000xf32, #tpu.memory_space<hbm>> -> memref<1x10000xf32, #tpu.memory_space<hbm>>
      %dma_wait3A_132 = tpu.memref_squeeze %dma_wait3A_131 : memref<1x10000xf32, #tpu.memory_space<hbm>> -> memref<10000xf32, #tpu.memory_space<hbm>>
      %dma_wait3A_133 = arith.constant 0 : i32
      %dma_wait3A_134 = tpu.memref_slice %arg5[%arg1, %dma_wait3A_133] : memref<16x10000xf32, #tpu.memory_space<hbm>> -> memref<1x10000xf32, #tpu.memory_space<hbm>>
      %dma_wait3A_135 = tpu.memref_squeeze %dma_wait3A_134 : memref<1x10000xf32, #tpu.memory_space<hbm>> -> memref<10000xf32, #tpu.memory_space<hbm>>
      tpu.wait_dma2 semaphore(%run_scoped3A_123 : memref<!tpu.dma_semaphore, #tpu.memory_space<semaphore_mem>>) src(%dma_wait3A_135 : memref<10000xf32, #tpu.memory_space<hbm>>) dst(%arg15 : memref<10000xf32, #tpu.memory_space<vmem>>)
      tpu.yield
    }) : () -> ()
    "tpu.region"() ({
      %run_scoped3A_123 = tpu.sem_alloc : memref<!tpu.dma_semaphore, #tpu.memory_space<semaphore_mem>>
      tpu.enqueue_dma source(%arg6 : memref<10000xi32, #tpu.memory_space<hbm>>) target(%arg16 : memref<10000xi32, #tpu.memory_space<vmem>>) target_semaphore(%run_scoped3A_123 : memref<!tpu.dma_semaphore, #tpu.memory_space<semaphore_mem>>)
      tpu.wait_dma2 semaphore(%run_scoped3A_123 : memref<!tpu.dma_semaphore, #tpu.memory_space<semaphore_mem>>) src(%arg6 : memref<10000xi32, #tpu.memory_space<hbm>>) dst(%arg16 : memref<10000xi32, #tpu.memory_space<vmem>>)
      tpu.yield
    }) : () -> ()
    "tpu.region"() ({
      %run_scoped3A_123 = tpu.sem_alloc : memref<!tpu.dma_semaphore, #tpu.memory_space<semaphore_mem>>
      tpu.enqueue_dma source(%arg7 : memref<2048xf32, #tpu.memory_space<hbm>>) target(%arg17 : memref<2048xf32, #tpu.memory_space<vmem>>) target_semaphore(%run_scoped3A_123 : memref<!tpu.dma_semaphore, #tpu.memory_space<semaphore_mem>>)
      tpu.wait_dma2 semaphore(%run_scoped3A_123 : memref<!tpu.dma_semaphore, #tpu.memory_space<semaphore_mem>>) src(%arg7 : memref<2048xf32, #tpu.memory_space<hbm>>) dst(%arg17 : memref<2048xf32, #tpu.memory_space<vmem>>)
      tpu.yield
    }) : () -> ()
    %mul3A = arith.constant 640 : i32
    %mul3A_0 = arith.muli %arg1, %mul3A : i32
    "tpu.region"() ({
      %run_scoped3A_123 = tpu.sem_alloc : memref<!tpu.dma_semaphore, #tpu.memory_space<semaphore_mem>>
      tpu.enqueue_dma source(%arg10 : memref<80x8xf32, #tpu.memory_space<hbm>>) target(%arg23 : memref<80x8xf32, #tpu.memory_space<vmem>>) target_semaphore(%run_scoped3A_123 : memref<!tpu.dma_semaphore, #tpu.memory_space<semaphore_mem>>)
      tpu.wait_dma2 semaphore(%run_scoped3A_123 : memref<!tpu.dma_semaphore, #tpu.memory_space<semaphore_mem>>) src(%arg10 : memref<80x8xf32, #tpu.memory_space<hbm>>) dst(%arg23 : memref<80x8xf32, #tpu.memory_space<vmem>>)
      tpu.yield
    }) : () -> ()
    %scan3A = arith.constant 0 : i32
    %scan3A_1 = arith.constant 0 : i32
    %scan3A_2 = arith.constant 125 : i32
    %scan3A_3 = arith.addi %scan3A_1, %scan3A_2 : i32
    %scan3A_4 = arith.constant 1 : i32
    scf.for %scan3A_123 = %scan3A_1 to %scan3A_3 step %scan3A_4  : i32 {
      %mul3A_124 = arith.constant 80 : i32
      %mul3A_125 = arith.muli %scan3A_123, %mul3A_124 : i32
      %add3A = arith.constant 0 : i32
      %add3A_126 = arith.addi %mul3A_125, %add3A : i32
      %get3A = arith.index_cast %add3A_126 : i32 to index
      %get3A_127 = tpu.vector_load %arg13[%get3A] {strides = array<i32>} : memref<10000xi32, #tpu.memory_space<vmem>>, vector<16xi32>,
      %get3A_128 = arith.index_cast %scan3A_123 : i32 to index
      %get3A_129 = arith.constant 0 : index
      %get3A_130 = tpu.vector_load %arg14[%get3A_128, %get3A_129] {strides = array<i32>} : memref<125x80xi32, #tpu.memory_space<vmem>>, vector<16xi32>,
      %gather3A = tpu.vector_load_idx %arg16[%get3A_127] : memref<10000xi32, #tpu.memory_space<vmem>>[vector<16xi32>], vector<16xi32>,
      %gather3A_131 = tpu.vector_load_idx %arg16[%get3A_130] : memref<10000xi32, #tpu.memory_space<vmem>>[vector<16xi32>], vector<16xi32>,
      %broadcast_in_dim3A = arith.constant 2001 : i32
      %broadcast_in_dim3A_132 = vector.broadcast %broadcast_in_dim3A : i32 to vector<16xi32>
      %ge3A = arith.constant 0 : i32
      %ge3A_133 = vector.broadcast %ge3A : i32 to vector<16xi32>
      %ge3A_134 = arith.cmpi sge, %gather3A, %ge3A_133 : vector<16xi32>
      %lt3A = arith.constant 0 : i32
      %lt3A_135 = vector.broadcast %lt3A : i32 to vector<16xi32>
      %lt3A_136 = arith.cmpi slt, %gather3A_131, %lt3A_135 : vector<16xi32>
      %and3A = arith.andi %ge3A_134, %lt3A_136 : vector<16xi1>
      %select_n3A = arith.select %and3A, %gather3A, %broadcast_in_dim3A_132 : vector<16xi1>, vector<16xi32>
      %ge3A_137 = arith.constant 0 : i32
      %ge3A_138 = vector.broadcast %ge3A_137 : i32 to vector<16xi32>
      %ge3A_139 = arith.cmpi sge, %gather3A_131, %ge3A_138 : vector<16xi32>
      %lt3A_140 = arith.constant 0 : i32
      %lt3A_141 = vector.broadcast %lt3A_140 : i32 to vector<16xi32>
      %lt3A_142 = arith.cmpi slt, %gather3A, %lt3A_141 : vector<16xi32>
      %and3A_143 = arith.andi %ge3A_139, %lt3A_142 : vector<16xi1>
      %select_n3A_144 = arith.select %and3A_143, %gather3A_131, %select_n3A : vector<16xi1>, vector<16xi32>
      %ge3A_145 = arith.constant 0 : i32
      %ge3A_146 = vector.broadcast %ge3A_145 : i32 to vector<16xi32>
      %ge3A_147 = arith.cmpi sge, %gather3A_131, %ge3A_146 : vector<16xi32>
      %ge3A_148 = arith.constant 0 : i32
      %ge3A_149 = vector.broadcast %ge3A_148 : i32 to vector<16xi32>
      %ge3A_150 = arith.cmpi sge, %gather3A, %ge3A_149 : vector<16xi32>
      %and3A_151 = arith.andi %ge3A_147, %ge3A_150 : vector<16xi1>
      %broadcast_in_dim3A_152 = arith.constant 2000 : i32
      %broadcast_in_dim3A_153 = vector.broadcast %broadcast_in_dim3A_152 : i32 to vector<16xi32>
      %select_n3A_154 = arith.select %and3A_151, %broadcast_in_dim3A_153, %select_n3A_144 : vector<16xi1>, vector<16xi32>
      %gather3A_155 = tpu.vector_load_idx %arg17[%select_n3A_154] : memref<2048xf32, #tpu.memory_space<vmem>>[vector<16xi32>], vector<16xf32>,
      %get3A_156 = arith.index_cast %add3A_126 : i32 to index
      %get3A_157 = tpu.vector_load %arg15[%get3A_156] {strides = array<i32>} : memref<10000xf32, #tpu.memory_space<vmem>>, vector<16xf32>,
      %mul3A_158 = arith.mulf %gather3A_155, %get3A_157 : vector<16xf32>
      %swap3A = arith.index_cast %add3A_126 : i32 to index
      %swap3A_159 = tpu.vector_load %arg18[%swap3A] {strides = array<i32>} : memref<10000xf32, #tpu.memory_space<vmem>>, vector<16xf32>,
      tpu.vector_store %arg18[%swap3A], %mul3A_158 {strides = array<i32>} : memref<10000xf32, #tpu.memory_space<vmem>>, vector<16xf32>,
      %mul3A_160 = arith.constant 4 : i32
      %mul3A_161 = vector.broadcast %mul3A_160 : i32 to vector<16xi32>
      %mul3A_162 = arith.muli %get3A_127, %mul3A_161 : vector<16xi32>
      %mul3A_163 = arith.constant 2 : i32
      %mul3A_164 = arith.muli %arg0, %mul3A_163 : i32
      %add3A_165 = vector.broadcast %mul3A_164 : i32 to vector<16xi32>
      %add3A_166 = arith.addi %mul3A_162, %add3A_165 : vector<16xi32>
      %swap3A_167 = arith.index_cast %scan3A_123 : i32 to index
      %swap3A_168 = arith.constant 0 : index
      %swap3A_169 = tpu.vector_load %arg19[%swap3A_167, %swap3A_168] {strides = array<i32>} : memref<125x80xi32, #tpu.memory_space<vmem>>, vector<16xi32>,
      tpu.vector_store %arg19[%swap3A_167, %swap3A_168], %add3A_166 {strides = array<i32>} : memref<125x80xi32, #tpu.memory_space<vmem>>, vector<16xi32>,
      %add3A_170 = arith.constant 1 : i32
      %add3A_171 = vector.broadcast %add3A_170 : i32 to vector<16xi32>
      %add3A_172 = arith.addi %add3A_166, %add3A_171 : vector<16xi32>
      %swap3A_173 = arith.index_cast %scan3A_123 : i32 to index
      %swap3A_174 = arith.constant 0 : index
      %swap3A_175 = tpu.vector_load %arg20[%swap3A_173, %swap3A_174] {strides = array<i32>} : memref<125x80xi32, #tpu.memory_space<vmem>>, vector<16xi32>,
      tpu.vector_store %arg20[%swap3A_173, %swap3A_174], %add3A_172 {strides = array<i32>} : memref<125x80xi32, #tpu.memory_space<vmem>>, vector<16xi32>,
      %mul3A_176 = arith.constant 80 : i32
      %mul3A_177 = arith.muli %scan3A_123, %mul3A_176 : i32
      %add3A_178 = arith.constant 16 : i32
      %add3A_179 = arith.addi %mul3A_177, %add3A_178 : i32
      %get3A_180 = arith.index_cast %add3A_179 : i32 to index
      %get3A_181 = tpu.vector_load %arg13[%get3A_180] {strides = array<i32>} : memref<10000xi32, #tpu.memory_space<vmem>>, vector<16xi32>,
      %get3A_182 = arith.index_cast %scan3A_123 : i32 to index
      %get3A_183 = arith.constant 16 : index
      %get3A_184 = tpu.vector_load %arg14[%get3A_182, %get3A_183] {strides = array<i32>} : memref<125x80xi32, #tpu.memory_space<vmem>>, vector<16xi32>,
      %gather3A_185 = tpu.vector_load_idx %arg16[%get3A_181] : memref<10000xi32, #tpu.memory_space<vmem>>[vector<16xi32>], vector<16xi32>,
      %gather3A_186 = tpu.vector_load_idx %arg16[%get3A_184] : memref<10000xi32, #tpu.memory_space<vmem>>[vector<16xi32>], vector<16xi32>,
      %broadcast_in_dim3A_187 = arith.constant 2001 : i32
      %broadcast_in_dim3A_188 = vector.broadcast %broadcast_in_dim3A_187 : i32 to vector<16xi32>
      %ge3A_189 = arith.constant 0 : i32
      %ge3A_190 = vector.broadcast %ge3A_189 : i32 to vector<16xi32>
      %ge3A_191 = arith.cmpi sge, %gather3A_185, %ge3A_190 : vector<16xi32>
      %lt3A_192 = arith.constant 0 : i32
      %lt3A_193 = vector.broadcast %lt3A_192 : i32 to vector<16xi32>
      %lt3A_194 = arith.cmpi slt, %gather3A_186, %lt3A_193 : vector<16xi32>
      %and3A_195 = arith.andi %ge3A_191, %lt3A_194 : vector<16xi1>
      %select_n3A_196 = arith.select %and3A_195, %gather3A_185, %broadcast_in_dim3A_188 : vector<16xi1>, vector<16xi32>
      %ge3A_197 = arith.constant 0 : i32
      %ge3A_198 = vector.broadcast %ge3A_197 : i32 to vector<16xi32>
      %ge3A_199 = arith.cmpi sge, %gather3A_186, %ge3A_198 : vector<16xi32>
      %lt3A_200 = arith.constant 0 : i32
      %lt3A_201 = vector.broadcast %lt3A_200 : i32 to vector<16xi32>
      %lt3A_202 = arith.cmpi slt, %gather3A_185, %lt3A_201 : vector<16xi32>
      %and3A_203 = arith.andi %ge3A_199, %lt3A_202 : vector<16xi1>
      %select_n3A_204 = arith.select %and3A_203, %gather3A_186, %select_n3A_196 : vector<16xi1>, vector<16xi32>
      %ge3A_205 = arith.constant 0 : i32
      %ge3A_206 = vector.broadcast %ge3A_205 : i32 to vector<16xi32>
      %ge3A_207 = arith.cmpi sge, %gather3A_186, %ge3A_206 : vector<16xi32>
      %ge3A_208 = arith.constant 0 : i32
      %ge3A_209 = vector.broadcast %ge3A_208 : i32 to vector<16xi32>
      %ge3A_210 = arith.cmpi sge, %gather3A_185, %ge3A_209 : vector<16xi32>
      %and3A_211 = arith.andi %ge3A_207, %ge3A_210 : vector<16xi1>
      %broadcast_in_dim3A_212 = arith.constant 2000 : i32
      %broadcast_in_dim3A_213 = vector.broadcast %broadcast_in_dim3A_212 : i32 to vector<16xi32>
      %select_n3A_214 = arith.select %and3A_211, %broadcast_in_dim3A_213, %select_n3A_204 : vector<16xi1>, vector<16xi32>
      %gather3A_215 = tpu.vector_load_idx %arg17[%select_n3A_214] : memref<2048xf32, #tpu.memory_space<vmem>>[vector<16xi32>], vector<16xf32>,
      %get3A_216 = arith.index_cast %add3A_179 : i32 to index
      %get3A_217 = tpu.vector_load %arg15[%get3A_216] {strides = array<i32>} : memref<10000xf32, #tpu.memory_space<vmem>>, vector<16xf32>,
      %mul3A_218 = arith.mulf %gather3A_215, %get3A_217 : vector<16xf32>
      %swap3A_219 = arith.index_cast %add3A_179 : i32 to index
      %swap3A_220 = tpu.vector_load %arg18[%swap3A_219] {strides = array<i32>} : memref<10000xf32, #tpu.memory_space<vmem>>, vector<16xf32>,
      tpu.vector_store %arg18[%swap3A_219], %mul3A_218 {strides = array<i32>} : memref<10000xf32, #tpu.memory_space<vmem>>, vector<16xf32>,
      %mul3A_221 = arith.constant 4 : i32
      %mul3A_222 = vector.broadcast %mul3A_221 : i32 to vector<16xi32>
      %mul3A_223 = arith.muli %get3A_181, %mul3A_222 : vector<16xi32>
      %mul3A_224 = arith.constant 2 : i32
      %mul3A_225 = arith.muli %arg0, %mul3A_224 : i32
      %add3A_226 = vector.broadcast %mul3A_225 : i32 to vector<16xi32>
      %add3A_227 = arith.addi %mul3A_223, %add3A_226 : vector<16xi32>
      %swap3A_228 = arith.index_cast %scan3A_123 : i32 to index
      %swap3A_229 = arith.constant 16 : index
      %swap3A_230 = tpu.vector_load %arg19[%swap3A_228, %swap3A_229] {strides = array<i32>} : memref<125x80xi32, #tpu.memory_space<vmem>>, vector<16xi32>,
      tpu.vector_store %arg19[%swap3A_228, %swap3A_229], %add3A_227 {strides = array<i32>} : memref<125x80xi32, #tpu.memory_space<vmem>>, vector<16xi32>,
      %add3A_231 = arith.constant 1 : i32
      %add3A_232 = vector.broadcast %add3A_231 : i32 to vector<16xi32>
      %add3A_233 = arith.addi %add3A_227, %add3A_232 : vector<16xi32>
      %swap3A_234 = arith.index_cast %scan3A_123 : i32 to index
      %swap3A_235 = arith.constant 16 : index
      %swap3A_236 = tpu.vector_load %arg20[%swap3A_234, %swap3A_235] {strides = array<i32>} : memref<125x80xi32, #tpu.memory_space<vmem>>, vector<16xi32>,
      tpu.vector_store %arg20[%swap3A_234, %swap3A_235], %add3A_233 {strides = array<i32>} : memref<125x80xi32, #tpu.memory_space<vmem>>, vector<16xi32>,
      %mul3A_237 = arith.constant 80 : i32
      %mul3A_238 = arith.muli %scan3A_123, %mul3A_237 : i32
      %add3A_239 = arith.constant 32 : i32
      %add3A_240 = arith.addi %mul3A_238, %add3A_239 : i32
      %get3A_241 = arith.index_cast %add3A_240 : i32 to index
      %get3A_242 = tpu.vector_load %arg13[%get3A_241] {strides = array<i32>} : memref<10000xi32, #tpu.memory_space<vmem>>, vector<16xi32>,
      %get3A_243 = arith.index_cast %scan3A_123 : i32 to index
      %get3A_244 = arith.constant 32 : index
      %get3A_245 = tpu.vector_load %arg14[%get3A_243, %get3A_244] {strides = array<i32>} : memref<125x80xi32, #tpu.memory_space<vmem>>, vector<16xi32>,
      %gather3A_246 = tpu.vector_load_idx %arg16[%get3A_242] : memref<10000xi32, #tpu.memory_space<vmem>>[vector<16xi32>], vector<16xi32>,
      %gather3A_247 = tpu.vector_load_idx %arg16[%get3A_245] : memref<10000xi32, #tpu.memory_space<vmem>>[vector<16xi32>], vector<16xi32>,
      %broadcast_in_dim3A_248 = arith.constant 2001 : i32
      %broadcast_in_dim3A_249 = vector.broadcast %broadcast_in_dim3A_248 : i32 to vector<16xi32>
      %ge3A_250 = arith.constant 0 : i32
      %ge3A_251 = vector.broadcast %ge3A_250 : i32 to vector<16xi32>
      %ge3A_252 = arith.cmpi sge, %gather3A_246, %ge3A_251 : vector<16xi32>
      %lt3A_253 = arith.constant 0 : i32
      %lt3A_254 = vector.broadcast %lt3A_253 : i32 to vector<16xi32>
      %lt3A_255 = arith.cmpi slt, %gather3A_247, %lt3A_254 : vector<16xi32>
      %and3A_256 = arith.andi %ge3A_252, %lt3A_255 : vector<16xi1>
      %select_n3A_257 = arith.select %and3A_256, %gather3A_246, %broadcast_in_dim3A_249 : vector<16xi1>, vector<16xi32>
      %ge3A_258 = arith.constant 0 : i32
      %ge3A_259 = vector.broadcast %ge3A_258 : i32 to vector<16xi32>
      %ge3A_260 = arith.cmpi sge, %gather3A_247, %ge3A_259 : vector<16xi32>
      %lt3A_261 = arith.constant 0 : i32
      %lt3A_262 = vector.broadcast %lt3A_261 : i32 to vector<16xi32>
      %lt3A_263 = arith.cmpi slt, %gather3A_246, %lt3A_262 : vector<16xi32>
      %and3A_264 = arith.andi %ge3A_260, %lt3A_263 : vector<16xi1>
      %select_n3A_265 = arith.select %and3A_264, %gather3A_247, %select_n3A_257 : vector<16xi1>, vector<16xi32>
      %ge3A_266 = arith.constant 0 : i32
      %ge3A_267 = vector.broadcast %ge3A_266 : i32 to vector<16xi32>
      %ge3A_268 = arith.cmpi sge, %gather3A_247, %ge3A_267 : vector<16xi32>
      %ge3A_269 = arith.constant 0 : i32
      %ge3A_270 = vector.broadcast %ge3A_269 : i32 to vector<16xi32>
      %ge3A_271 = arith.cmpi sge, %gather3A_246, %ge3A_270 : vector<16xi32>
      %and3A_272 = arith.andi %ge3A_268, %ge3A_271 : vector<16xi1>
      %broadcast_in_dim3A_273 = arith.constant 2000 : i32
      %broadcast_in_dim3A_274 = vector.broadcast %broadcast_in_dim3A_273 : i32 to vector<16xi32>
      %select_n3A_275 = arith.select %and3A_272, %broadcast_in_dim3A_274, %select_n3A_265 : vector<16xi1>, vector<16xi32>
      %gather3A_276 = tpu.vector_load_idx %arg17[%select_n3A_275] : memref<2048xf32, #tpu.memory_space<vmem>>[vector<16xi32>], vector<16xf32>,
      %get3A_277 = arith.index_cast %add3A_240 : i32 to index
      %get3A_278 = tpu.vector_load %arg15[%get3A_277] {strides = array<i32>} : memref<10000xf32, #tpu.memory_space<vmem>>, vector<16xf32>,
      %mul3A_279 = arith.mulf %gather3A_276, %get3A_278 : vector<16xf32>
      %swap3A_280 = arith.index_cast %add3A_240 : i32 to index
      %swap3A_281 = tpu.vector_load %arg18[%swap3A_280] {strides = array<i32>} : memref<10000xf32, #tpu.memory_space<vmem>>, vector<16xf32>,
      tpu.vector_store %arg18[%swap3A_280], %mul3A_279 {strides = array<i32>} : memref<10000xf32, #tpu.memory_space<vmem>>, vector<16xf32>,
      %mul3A_282 = arith.constant 4 : i32
      %mul3A_283 = vector.broadcast %mul3A_282 : i32 to vector<16xi32>
      %mul3A_284 = arith.muli %get3A_242, %mul3A_283 : vector<16xi32>
      %mul3A_285 = arith.constant 2 : i32
      %mul3A_286 = arith.muli %arg0, %mul3A_285 : i32
      %add3A_287 = vector.broadcast %mul3A_286 : i32 to vector<16xi32>
      %add3A_288 = arith.addi %mul3A_284, %add3A_287 : vector<16xi32>
      %swap3A_289 = arith.index_cast %scan3A_123 : i32 to index
      %swap3A_290 = arith.constant 32 : index
      %swap3A_291 = tpu.vector_load %arg19[%swap3A_289, %swap3A_290] {strides = array<i32>} : memref<125x80xi32, #tpu.memory_space<vmem>>, vector<16xi32>,
      tpu.vector_store %arg19[%swap3A_289, %swap3A_290], %add3A_288 {strides = array<i32>} : memref<125x80xi32, #tpu.memory_space<vmem>>, vector<16xi32>,
      %add3A_292 = arith.constant 1 : i32
      %add3A_293 = vector.broadcast %add3A_292 : i32 to vector<16xi32>
      %add3A_294 = arith.addi %add3A_288, %add3A_293 : vector<16xi32>
      %swap3A_295 = arith.index_cast %scan3A_123 : i32 to index
      %swap3A_296 = arith.constant 32 : index
      %swap3A_297 = tpu.vector_load %arg20[%swap3A_295, %swap3A_296] {strides = array<i32>} : memref<125x80xi32, #tpu.memory_space<vmem>>, vector<16xi32>,
      tpu.vector_store %arg20[%swap3A_295, %swap3A_296], %add3A_294 {strides = array<i32>} : memref<125x80xi32, #tpu.memory_space<vmem>>, vector<16xi32>,
      %mul3A_298 = arith.constant 80 : i32
      %mul3A_299 = arith.muli %scan3A_123, %mul3A_298 : i32
      %add3A_300 = arith.constant 48 : i32
      %add3A_301 = arith.addi %mul3A_299, %add3A_300 : i32
      %get3A_302 = arith.index_cast %add3A_301 : i32 to index
      %get3A_303 = tpu.vector_load %arg13[%get3A_302] {strides = array<i32>} : memref<10000xi32, #tpu.memory_space<vmem>>, vector<16xi32>,
      %get3A_304 = arith.index_cast %scan3A_123 : i32 to index
      %get3A_305 = arith.constant 48 : index
      %get3A_306 = tpu.vector_load %arg14[%get3A_304, %get3A_305] {strides = array<i32>} : memref<125x80xi32, #tpu.memory_space<vmem>>, vector<16xi32>,
      %gather3A_307 = tpu.vector_load_idx %arg16[%get3A_303] : memref<10000xi32, #tpu.memory_space<vmem>>[vector<16xi32>], vector<16xi32>,
      %gather3A_308 = tpu.vector_load_idx %arg16[%get3A_306] : memref<10000xi32, #tpu.memory_space<vmem>>[vector<16xi32>], vector<16xi32>,
      %broadcast_in_dim3A_309 = arith.constant 2001 : i32
      %broadcast_in_dim3A_310 = vector.broadcast %broadcast_in_dim3A_309 : i32 to vector<16xi32>
      %ge3A_311 = arith.constant 0 : i32
      %ge3A_312 = vector.broadcast %ge3A_311 : i32 to vector<16xi32>
      %ge3A_313 = arith.cmpi sge, %gather3A_307, %ge3A_312 : vector<16xi32>
      %lt3A_314 = arith.constant 0 : i32
      %lt3A_315 = vector.broadcast %lt3A_314 : i32 to vector<16xi32>
      %lt3A_316 = arith.cmpi slt, %gather3A_308, %lt3A_315 : vector<16xi32>
      %and3A_317 = arith.andi %ge3A_313, %lt3A_316 : vector<16xi1>
      %select_n3A_318 = arith.select %and3A_317, %gather3A_307, %broadcast_in_dim3A_310 : vector<16xi1>, vector<16xi32>
      %ge3A_319 = arith.constant 0 : i32
      %ge3A_320 = vector.broadcast %ge3A_319 : i32 to vector<16xi32>
      %ge3A_321 = arith.cmpi sge, %gather3A_308, %ge3A_320 : vector<16xi32>
      %lt3A_322 = arith.constant 0 : i32
      %lt3A_323 = vector.broadcast %lt3A_322 : i32 to vector<16xi32>
      %lt3A_324 = arith.cmpi slt, %gather3A_307, %lt3A_323 : vector<16xi32>
      %and3A_325 = arith.andi %ge3A_321, %lt3A_324 : vector<16xi1>
      %select_n3A_326 = arith.select %and3A_325, %gather3A_308, %select_n3A_318 : vector<16xi1>, vector<16xi32>
      %ge3A_327 = arith.constant 0 : i32
      %ge3A_328 = vector.broadcast %ge3A_327 : i32 to vector<16xi32>
      %ge3A_329 = arith.cmpi sge, %gather3A_308, %ge3A_328 : vector<16xi32>
      %ge3A_330 = arith.constant 0 : i32
      %ge3A_331 = vector.broadcast %ge3A_330 : i32 to vector<16xi32>
      %ge3A_332 = arith.cmpi sge, %gather3A_307, %ge3A_331 : vector<16xi32>
      %and3A_333 = arith.andi %ge3A_329, %ge3A_332 : vector<16xi1>
      %broadcast_in_dim3A_334 = arith.constant 2000 : i32
      %broadcast_in_dim3A_335 = vector.broadcast %broadcast_in_dim3A_334 : i32 to vector<16xi32>
      %select_n3A_336 = arith.select %and3A_333, %broadcast_in_dim3A_335, %select_n3A_326 : vector<16xi1>, vector<16xi32>
      %gather3A_337 = tpu.vector_load_idx %arg17[%select_n3A_336] : memref<2048xf32, #tpu.memory_space<vmem>>[vector<16xi32>], vector<16xf32>,
      %get3A_338 = arith.index_cast %add3A_301 : i32 to index
      %get3A_339 = tpu.vector_load %arg15[%get3A_338] {strides = array<i32>} : memref<10000xf32, #tpu.memory_space<vmem>>, vector<16xf32>,
      %mul3A_340 = arith.mulf %gather3A_337, %get3A_339 : vector<16xf32>
      %swap3A_341 = arith.index_cast %add3A_301 : i32 to index
      %swap3A_342 = tpu.vector_load %arg18[%swap3A_341] {strides = array<i32>} : memref<10000xf32, #tpu.memory_space<vmem>>, vector<16xf32>,
      tpu.vector_store %arg18[%swap3A_341], %mul3A_340 {strides = array<i32>} : memref<10000xf32, #tpu.memory_space<vmem>>, vector<16xf32>,
      %mul3A_343 = arith.constant 4 : i32
      %mul3A_344 = vector.broadcast %mul3A_343 : i32 to vector<16xi32>
      %mul3A_345 = arith.muli %get3A_303, %mul3A_344 : vector<16xi32>
      %mul3A_346 = arith.constant 2 : i32
      %mul3A_347 = arith.muli %arg0, %mul3A_346 : i32
      %add3A_348 = vector.broadcast %mul3A_347 : i32 to vector<16xi32>
      %add3A_349 = arith.addi %mul3A_345, %add3A_348 : vector<16xi32>
      %swap3A_350 = arith.index_cast %scan3A_123 : i32 to index
      %swap3A_351 = arith.constant 48 : index
      %swap3A_352 = tpu.vector_load %arg19[%swap3A_350, %swap3A_351] {strides = array<i32>} : memref<125x80xi32, #tpu.memory_space<vmem>>, vector<16xi32>,
      tpu.vector_store %arg19[%swap3A_350, %swap3A_351], %add3A_349 {strides = array<i32>} : memref<125x80xi32, #tpu.memory_space<vmem>>, vector<16xi32>,
      %add3A_353 = arith.constant 1 : i32
      %add3A_354 = vector.broadcast %add3A_353 : i32 to vector<16xi32>
      %add3A_355 = arith.addi %add3A_349, %add3A_354 : vector<16xi32>
      %swap3A_356 = arith.index_cast %scan3A_123 : i32 to index
      %swap3A_357 = arith.constant 48 : index
      %swap3A_358 = tpu.vector_load %arg20[%swap3A_356, %swap3A_357] {strides = array<i32>} : memref<125x80xi32, #tpu.memory_space<vmem>>, vector<16xi32>,
      tpu.vector_store %arg20[%swap3A_356, %swap3A_357], %add3A_355 {strides = array<i32>} : memref<125x80xi32, #tpu.memory_space<vmem>>, vector<16xi32>,
      %mul3A_359 = arith.constant 80 : i32
      %mul3A_360 = arith.muli %scan3A_123, %mul3A_359 : i32
      %add3A_361 = arith.constant 64 : i32
      %add3A_362 = arith.addi %mul3A_360, %add3A_361 : i32
      %get3A_363 = arith.index_cast %add3A_362 : i32 to index
      %get3A_364 = tpu.vector_load %arg13[%get3A_363] {strides = array<i32>} : memref<10000xi32, #tpu.memory_space<vmem>>, vector<16xi32>,
      %get3A_365 = arith.index_cast %scan3A_123 : i32 to index
      %get3A_366 = arith.constant 64 : index
      %get3A_367 = tpu.vector_load %arg14[%get3A_365, %get3A_366] {strides = array<i32>} : memref<125x80xi32, #tpu.memory_space<vmem>>, vector<16xi32>,
      %gather3A_368 = tpu.vector_load_idx %arg16[%get3A_364] : memref<10000xi32, #tpu.memory_space<vmem>>[vector<16xi32>], vector<16xi32>,
      %gather3A_369 = tpu.vector_load_idx %arg16[%get3A_367] : memref<10000xi32, #tpu.memory_space<vmem>>[vector<16xi32>], vector<16xi32>,
      %broadcast_in_dim3A_370 = arith.constant 2001 : i32
      %broadcast_in_dim3A_371 = vector.broadcast %broadcast_in_dim3A_370 : i32 to vector<16xi32>
      %ge3A_372 = arith.constant 0 : i32
      %ge3A_373 = vector.broadcast %ge3A_372 : i32 to vector<16xi32>
      %ge3A_374 = arith.cmpi sge, %gather3A_368, %ge3A_373 : vector<16xi32>
      %lt3A_375 = arith.constant 0 : i32
      %lt3A_376 = vector.broadcast %lt3A_375 : i32 to vector<16xi32>
      %lt3A_377 = arith.cmpi slt, %gather3A_369, %lt3A_376 : vector<16xi32>
      %and3A_378 = arith.andi %ge3A_374, %lt3A_377 : vector<16xi1>
      %select_n3A_379 = arith.select %and3A_378, %gather3A_368, %broadcast_in_dim3A_371 : vector<16xi1>, vector<16xi32>
      %ge3A_380 = arith.constant 0 : i32
      %ge3A_381 = vector.broadcast %ge3A_380 : i32 to vector<16xi32>
      %ge3A_382 = arith.cmpi sge, %gather3A_369, %ge3A_381 : vector<16xi32>
      %lt3A_383 = arith.constant 0 : i32
      %lt3A_384 = vector.broadcast %lt3A_383 : i32 to vector<16xi32>
      %lt3A_385 = arith.cmpi slt, %gather3A_368, %lt3A_384 : vector<16xi32>
      %and3A_386 = arith.andi %ge3A_382, %lt3A_385 : vector<16xi1>
      %select_n3A_387 = arith.select %and3A_386, %gather3A_369, %select_n3A_379 : vector<16xi1>, vector<16xi32>
      %ge3A_388 = arith.constant 0 : i32
      %ge3A_389 = vector.broadcast %ge3A_388 : i32 to vector<16xi32>
      %ge3A_390 = arith.cmpi sge, %gather3A_369, %ge3A_389 : vector<16xi32>
      %ge3A_391 = arith.constant 0 : i32
      %ge3A_392 = vector.broadcast %ge3A_391 : i32 to vector<16xi32>
      %ge3A_393 = arith.cmpi sge, %gather3A_368, %ge3A_392 : vector<16xi32>
      %and3A_394 = arith.andi %ge3A_390, %ge3A_393 : vector<16xi1>
      %broadcast_in_dim3A_395 = arith.constant 2000 : i32
      %broadcast_in_dim3A_396 = vector.broadcast %broadcast_in_dim3A_395 : i32 to vector<16xi32>
      %select_n3A_397 = arith.select %and3A_394, %broadcast_in_dim3A_396, %select_n3A_387 : vector<16xi1>, vector<16xi32>
      %gather3A_398 = tpu.vector_load_idx %arg17[%select_n3A_397] : memref<2048xf32, #tpu.memory_space<vmem>>[vector<16xi32>], vector<16xf32>,
      %get3A_399 = arith.index_cast %add3A_362 : i32 to index
      %get3A_400 = tpu.vector_load %arg15[%get3A_399] {strides = array<i32>} : memref<10000xf32, #tpu.memory_space<vmem>>, vector<16xf32>,
      %mul3A_401 = arith.mulf %gather3A_398, %get3A_400 : vector<16xf32>
      %swap3A_402 = arith.index_cast %add3A_362 : i32 to index
      %swap3A_403 = tpu.vector_load %arg18[%swap3A_402] {strides = array<i32>} : memref<10000xf32, #tpu.memory_space<vmem>>, vector<16xf32>,
      tpu.vector_store %arg18[%swap3A_402], %mul3A_401 {strides = array<i32>} : memref<10000xf32, #tpu.memory_space<vmem>>, vector<16xf32>,
      %mul3A_404 = arith.constant 4 : i32
      %mul3A_405 = vector.broadcast %mul3A_404 : i32 to vector<16xi32>
      %mul3A_406 = arith.muli %get3A_364, %mul3A_405 : vector<16xi32>
      %mul3A_407 = arith.constant 2 : i32
      %mul3A_408 = arith.muli %arg0, %mul3A_407 : i32
      %add3A_409 = vector.broadcast %mul3A_408 : i32 to vector<16xi32>
      %add3A_410 = arith.addi %mul3A_406, %add3A_409 : vector<16xi32>
      %swap3A_411 = arith.index_cast %scan3A_123 : i32 to index
      %swap3A_412 = arith.constant 64 : index
      %swap3A_413 = tpu.vector_load %arg19[%swap3A_411, %swap3A_412] {strides = array<i32>} : memref<125x80xi32, #tpu.memory_space<vmem>>, vector<16xi32>,
      tpu.vector_store %arg19[%swap3A_411, %swap3A_412], %add3A_410 {strides = array<i32>} : memref<125x80xi32, #tpu.memory_space<vmem>>, vector<16xi32>,
      %add3A_414 = arith.constant 1 : i32
      %add3A_415 = vector.broadcast %add3A_414 : i32 to vector<16xi32>
      %add3A_416 = arith.addi %add3A_410, %add3A_415 : vector<16xi32>
      %swap3A_417 = arith.index_cast %scan3A_123 : i32 to index
      %swap3A_418 = arith.constant 64 : index
      %swap3A_419 = tpu.vector_load %arg20[%swap3A_417, %swap3A_418] {strides = array<i32>} : memref<125x80xi32, #tpu.memory_space<vmem>>, vector<16xi32>,
      tpu.vector_store %arg20[%swap3A_417, %swap3A_418], %add3A_416 {strides = array<i32>} : memref<125x80xi32, #tpu.memory_space<vmem>>, vector<16xi32>,
    }
    %scan3A_5 = arith.constant 125 : i32
    "tpu.region"() ({
      %run_scoped3A_123 = tpu.sem_alloc : memref<!tpu.dma_semaphore, #tpu.memory_space<semaphore_mem>>
      %dma_start3A_124 = arith.constant 0 : i32
      %dma_start3A_125 = tpu.memref_slice %arg24[%mul3A_0, %dma_start3A_124] : memref<10240x64xf32, #tpu.memory_space<vmem_shared>> -> memref<640x64xf32, #tpu.memory_space<vmem_shared>>
      tpu.enqueue_dma source(%arg8 : memref<640x64xf32, #tpu.memory_space<hbm>>) target(%dma_start3A_125 : memref<640x64xf32, #tpu.memory_space<vmem_shared>>) target_semaphore(%run_scoped3A_123 : memref<!tpu.dma_semaphore, #tpu.memory_space<semaphore_mem>>)
      %dma_wait3A_126 = arith.constant 0 : i32
      %dma_wait3A_127 = tpu.memref_slice %arg24[%mul3A_0, %dma_wait3A_126] : memref<10240x64xf32, #tpu.memory_space<vmem_shared>> -> memref<640x64xf32, #tpu.memory_space<vmem_shared>>
      tpu.wait_dma2 semaphore(%run_scoped3A_123 : memref<!tpu.dma_semaphore, #tpu.memory_space<semaphore_mem>>) src(%arg8 : memref<640x64xf32, #tpu.memory_space<hbm>>) dst(%dma_wait3A_127 : memref<640x64xf32, #tpu.memory_space<vmem_shared>>)
      tpu.yield
    }) : () -> ()
    "tpu.region"() ({
      %run_scoped3A_123 = tpu.sem_alloc : memref<!tpu.dma_semaphore, #tpu.memory_space<semaphore_mem>>
      %dma_start3A_124 = arith.constant 0 : i32
      %dma_start3A_125 = tpu.memref_slice %arg25[%mul3A_0, %dma_start3A_124] : memref<10240x8xf32, #tpu.memory_space<vmem_shared>> -> memref<640x8xf32, #tpu.memory_space<vmem_shared>>
      tpu.enqueue_dma source(%arg9 : memref<640x8xf32, #tpu.memory_space<hbm>>) target(%dma_start3A_125 : memref<640x8xf32, #tpu.memory_space<vmem_shared>>) target_semaphore(%run_scoped3A_123 : memref<!tpu.dma_semaphore, #tpu.memory_space<semaphore_mem>>)
      %dma_wait3A_126 = arith.constant 0 : i32
      %dma_wait3A_127 = tpu.memref_slice %arg25[%mul3A_0, %dma_wait3A_126] : memref<10240x8xf32, #tpu.memory_space<vmem_shared>> -> memref<640x8xf32, #tpu.memory_space<vmem_shared>>
      tpu.wait_dma2 semaphore(%run_scoped3A_123 : memref<!tpu.dma_semaphore, #tpu.memory_space<semaphore_mem>>) src(%arg9 : memref<640x8xf32, #tpu.memory_space<hbm>>) dst(%dma_wait3A_127 : memref<640x8xf32, #tpu.memory_space<vmem_shared>>)
      tpu.yield
    }) : () -> ()
    %barrier3A = arith.constant 0 : index
    tpu.barrier barrier_id(%barrier3A)
    %dma_start3A = arith.constant 0 : i32
    %dma_start3A_6 = arith.constant 0 : i32
    %dma_start3A_7 = tpu.memref_slice %arg19[%dma_start3A, %dma_start3A_6] : memref<125x80xi32, #tpu.memory_space<vmem>> -> memref<1x80xi32, #tpu.memory_space<vmem>>
    %dma_start3A_8 = tpu.memref_squeeze %dma_start3A_7 : memref<1x80xi32, #tpu.memory_space<vmem>> -> memref<80xi32, #tpu.memory_space<vmem>>
    %dma_start3A_9 = arith.constant 0 : i32
    %dma_start3A_10 = arith.constant 0 : i32
    %dma_start3A_11 = tpu.memref_slice %arg2[%dma_start3A_9, %dma_start3A_10] : memref<40000x64xf32, #tpu.memory_space<hbm>> -> memref<40000x64xf32, #tpu.memory_space<hbm>>
    tpu.enqueue_indirect_dma source(%dma_start3A_11 : memref<40000x64xf32, #tpu.memory_space<hbm>>) target(%arg21 : memref<80x64xf32, #tpu.memory_space<vmem>>) offsets(%dma_start3A_8 : memref<80xi32, #tpu.memory_space<vmem>>) semaphore(%arg26 : memref<!tpu.dma_semaphore, #tpu.memory_space<semaphore_mem>>)
    %scan3A_12 = arith.constant 0 : i32
    %scan3A_13 = arith.constant 0 : i32
    %scan3A_14 = arith.constant 62 : i32
    %scan3A_15 = arith.addi %scan3A_13, %scan3A_14 : i32
    %scan3A_16 = arith.constant 1 : i32
    scf.for %scan3A_123 = %scan3A_13 to %scan3A_15 step %scan3A_16  : i32 {
      %mul3A_124 = arith.constant 2 : i32
      %mul3A_125 = arith.muli %mul3A_124, %scan3A_123 : i32
      %mul3A_126 = arith.constant 2 : i32
      %mul3A_127 = arith.muli %mul3A_126, %scan3A_123 : i32
      %add3A = arith.constant 1 : i32
      %add3A_128 = arith.addi %mul3A_127, %add3A : i32
      %gt3A = arith.constant 0 : i32
      %gt3A_129 = arith.cmpi sgt, %scan3A_123, %gt3A : i32
      %convert_element_type3A = arith.extui %gt3A_129 : i1 to i32
      %cond3A = arith.constant 0 : i32
      %cond3A_130 = arith.cmpi ne, %convert_element_type3A, %cond3A : i32
      scf.if %cond3A_130 {
        %sub3A = arith.constant 2 : i32
        %sub3A_210 = arith.subi %add3A_128, %sub3A : i32
        %dma_wait3A_211 = arith.constant 0 : i32
        %dma_wait3A_212 = tpu.memref_slice %arg14[%sub3A_210, %dma_wait3A_211] : memref<125x80xi32, #tpu.memory_space<vmem>> -> memref<1x80xi32, #tpu.memory_space<vmem>>
        %dma_wait3A_213 = tpu.memref_squeeze %dma_wait3A_212 : memref<1x80xi32, #tpu.memory_space<vmem>> -> memref<80xi32, #tpu.memory_space<vmem>>
        %dma_wait3A_214 = arith.constant 0 : i32
        %dma_wait3A_215 = arith.constant 0 : i32
        %dma_wait3A_216 = tpu.memref_slice %arg24[%dma_wait3A_214, %dma_wait3A_215] : memref<10240x64xf32, #tpu.memory_space<vmem_shared>> -> memref<10240x64xf32, #tpu.memory_space<vmem_shared>>
        tpu.wait_indirect_dma semaphore(%arg28 : memref<!tpu.dma_semaphore, #tpu.memory_space<semaphore_mem>>) src(%arg22 : memref<80x64xf32, #tpu.memory_space<vmem>>) dst(%dma_wait3A_216 : memref<10240x64xf32, #tpu.memory_space<vmem_shared>>)
        %dma_wait3A_217 = arith.constant 0 : i32
        %dma_wait3A_218 = tpu.memref_slice %arg14[%sub3A_210, %dma_wait3A_217] : memref<125x80xi32, #tpu.memory_space<vmem>> -> memref<1x80xi32, #tpu.memory_space<vmem>>
        %dma_wait3A_219 = tpu.memref_squeeze %dma_wait3A_218 : memref<1x80xi32, #tpu.memory_space<vmem>> -> memref<80xi32, #tpu.memory_space<vmem>>
        %dma_wait3A_220 = arith.constant 0 : i32
        %dma_wait3A_221 = arith.constant 0 : i32
        %dma_wait3A_222 = tpu.memref_slice %arg25[%dma_wait3A_220, %dma_wait3A_221] : memref<10240x8xf32, #tpu.memory_space<vmem_shared>> -> memref<10240x8xf32, #tpu.memory_space<vmem_shared>>
        tpu.wait_indirect_dma semaphore(%arg29 : memref<!tpu.dma_semaphore, #tpu.memory_space<semaphore_mem>>) src(%arg23 : memref<80x8xf32, #tpu.memory_space<vmem>>) dst(%dma_wait3A_222 : memref<10240x8xf32, #tpu.memory_space<vmem_shared>>)
      } else {
      }
      %dma_start3A_131 = arith.constant 0 : i32
      %dma_start3A_132 = tpu.memref_slice %arg19[%add3A_128, %dma_start3A_131] : memref<125x80xi32, #tpu.memory_space<vmem>> -> memref<1x80xi32, #tpu.memory_space<vmem>>
      %dma_start3A_133 = tpu.memref_squeeze %dma_start3A_132 : memref<1x80xi32, #tpu.memory_space<vmem>> -> memref<80xi32, #tpu.memory_space<vmem>>
      %dma_start3A_134 = arith.constant 0 : i32
      %dma_start3A_135 = arith.constant 0 : i32
      %dma_start3A_136 = tpu.memref_slice %arg2[%dma_start3A_134, %dma_start3A_135] : memref<40000x64xf32, #tpu.memory_space<hbm>> -> memref<40000x64xf32, #tpu.memory_space<hbm>>
      tpu.enqueue_indirect_dma source(%dma_start3A_136 : memref<40000x64xf32, #tpu.memory_space<hbm>>) target(%arg22 : memref<80x64xf32, #tpu.memory_space<vmem>>) offsets(%dma_start3A_133 : memref<80xi32, #tpu.memory_space<vmem>>) semaphore(%arg27 : memref<!tpu.dma_semaphore, #tpu.memory_space<semaphore_mem>>)
      %dma_wait3A_137 = arith.constant 0 : i32
      %dma_wait3A_138 = tpu.memref_slice %arg19[%mul3A_125, %dma_wait3A_137] : memref<125x80xi32, #tpu.memory_space<vmem>> -> memref<1x80xi32, #tpu.memory_space<vmem>>
      %dma_wait3A_139 = tpu.memref_squeeze %dma_wait3A_138 : memref<1x80xi32, #tpu.memory_space<vmem>> -> memref<80xi32, #tpu.memory_space<vmem>>
      %dma_wait3A_140 = arith.constant 0 : i32
      %dma_wait3A_141 = arith.constant 0 : i32
      %dma_wait3A_142 = tpu.memref_slice %arg2[%dma_wait3A_140, %dma_wait3A_141] : memref<40000x64xf32, #tpu.memory_space<hbm>> -> memref<40000x64xf32, #tpu.memory_space<hbm>>
      tpu.wait_indirect_dma semaphore(%arg26 : memref<!tpu.dma_semaphore, #tpu.memory_space<semaphore_mem>>) src(%dma_wait3A_142 : memref<40000x64xf32, #tpu.memory_space<hbm>>) dst(%arg21 : memref<80x64xf32, #tpu.memory_space<vmem>>)
      %mul3A_143 = arith.constant 80 : i32
      %mul3A_144 = arith.muli %mul3A_125, %mul3A_143 : i32
      %scan3A_145 = arith.constant 0 : i32
      %scan3A_146 = arith.constant 0 : i32
      %scan3A_147 = arith.constant 20 : i32
      %scan3A_148 = arith.addi %scan3A_146, %scan3A_147 : i32
      %scan3A_149 = arith.constant 1 : i32
      scf.for %scan3A_210 = %scan3A_146 to %scan3A_148 step %scan3A_149  : i32 {
        %mul3A_211 = arith.constant 4 : i32
        %mul3A_212 = arith.muli %scan3A_210, %mul3A_211 : i32
        %add3A_213 = arith.constant 0 : i32
        %add3A_214 = arith.addi %mul3A_212, %add3A_213 : i32
        %add3A_215 = arith.addi %mul3A_144, %add3A_214 : i32
        %broadcast_in_dim3A = vector.broadcast %add3A_215 : i32 to vector<16xi32>
        %gather3A = tpu.vector_load_idx %arg18[%broadcast_in_dim3A] : memref<10000xf32, #tpu.memory_space<vmem>>[vector<16xi32>], vector<16xf32>,
        %get3A = arith.index_cast %add3A_214 : i32 to index
        %get3A_216 = arith.constant 0 : index
        %get3A_217 = tpu.vector_load %arg21[%get3A, %get3A_216] {strides = array<i32>} : memref<80x64xf32, #tpu.memory_space<vmem>>, vector<16xf32>,
        %mul3A_218 = arith.mulf %get3A_217, %gather3A : vector<16xf32>
        %swap3A = arith.index_cast %add3A_214 : i32 to index
        %swap3A_219 = arith.constant 0 : index
        %swap3A_220 = tpu.vector_load %arg21[%swap3A, %swap3A_219] {strides = array<i32>} : memref<80x64xf32, #tpu.memory_space<vmem>>, vector<16xf32>,
        tpu.vector_store %arg21[%swap3A, %swap3A_219], %mul3A_218 {strides = array<i32>} : memref<80x64xf32, #tpu.memory_space<vmem>>, vector<16xf32>,
        %get3A_221 = arith.index_cast %add3A_214 : i32 to index
        %get3A_222 = arith.constant 16 : index
        %get3A_223 = tpu.vector_load %arg21[%get3A_221, %get3A_222] {strides = array<i32>} : memref<80x64xf32, #tpu.memory_space<vmem>>, vector<16xf32>,
        %mul3A_224 = arith.mulf %get3A_223, %gather3A : vector<16xf32>
        %swap3A_225 = arith.index_cast %add3A_214 : i32 to index
        %swap3A_226 = arith.constant 16 : index
        %swap3A_227 = tpu.vector_load %arg21[%swap3A_225, %swap3A_226] {strides = array<i32>} : memref<80x64xf32, #tpu.memory_space<vmem>>, vector<16xf32>,
        tpu.vector_store %arg21[%swap3A_225, %swap3A_226], %mul3A_224 {strides = array<i32>} : memref<80x64xf32, #tpu.memory_space<vmem>>, vector<16xf32>,
        %get3A_228 = arith.index_cast %add3A_214 : i32 to index
        %get3A_229 = arith.constant 32 : index
        %get3A_230 = tpu.vector_load %arg21[%get3A_228, %get3A_229] {strides = array<i32>} : memref<80x64xf32, #tpu.memory_space<vmem>>, vector<16xf32>,
        %mul3A_231 = arith.mulf %get3A_230, %gather3A : vector<16xf32>
        %swap3A_232 = arith.index_cast %add3A_214 : i32 to index
        %swap3A_233 = arith.constant 32 : index
        %swap3A_234 = tpu.vector_load %arg21[%swap3A_232, %swap3A_233] {strides = array<i32>} : memref<80x64xf32, #tpu.memory_space<vmem>>, vector<16xf32>,
        tpu.vector_store %arg21[%swap3A_232, %swap3A_233], %mul3A_231 {strides = array<i32>} : memref<80x64xf32, #tpu.memory_space<vmem>>, vector<16xf32>,
        %get3A_235 = arith.index_cast %add3A_214 : i32 to index
        %get3A_236 = arith.constant 48 : index
        %get3A_237 = tpu.vector_load %arg21[%get3A_235, %get3A_236] {strides = array<i32>} : memref<80x64xf32, #tpu.memory_space<vmem>>, vector<16xf32>,
        %mul3A_238 = arith.mulf %get3A_237, %gather3A : vector<16xf32>
        %swap3A_239 = arith.index_cast %add3A_214 : i32 to index
        %swap3A_240 = arith.constant 48 : index
        %swap3A_241 = tpu.vector_load %arg21[%swap3A_239, %swap3A_240] {strides = array<i32>} : memref<80x64xf32, #tpu.memory_space<vmem>>, vector<16xf32>,
        tpu.vector_store %arg21[%swap3A_239, %swap3A_240], %mul3A_238 {strides = array<i32>} : memref<80x64xf32, #tpu.memory_space<vmem>>, vector<16xf32>,
        %mul3A_242 = arith.constant 4 : i32
        %mul3A_243 = arith.muli %scan3A_210, %mul3A_242 : i32
        %add3A_244 = arith.constant 1 : i32
        %add3A_245 = arith.addi %mul3A_243, %add3A_244 : i32
        %add3A_246 = arith.addi %mul3A_144, %add3A_245 : i32
        %broadcast_in_dim3A_247 = vector.broadcast %add3A_246 : i32 to vector<16xi32>
        %gather3A_248 = tpu.vector_load_idx %arg18[%broadcast_in_dim3A_247] : memref<10000xf32, #tpu.memory_space<vmem>>[vector<16xi32>], vector<16xf32>,
        %get3A_249 = arith.index_cast %add3A_245 : i32 to index
        %get3A_250 = arith.constant 0 : index
        %get3A_251 = tpu.vector_load %arg21[%get3A_249, %get3A_250] {strides = array<i32>} : memref<80x64xf32, #tpu.memory_space<vmem>>, vector<16xf32>,
        %mul3A_252 = arith.mulf %get3A_251, %gather3A_248 : vector<16xf32>
        %swap3A_253 = arith.index_cast %add3A_245 : i32 to index
        %swap3A_254 = arith.constant 0 : index
        %swap3A_255 = tpu.vector_load %arg21[%swap3A_253, %swap3A_254] {strides = array<i32>} : memref<80x64xf32, #tpu.memory_space<vmem>>, vector<16xf32>,
        tpu.vector_store %arg21[%swap3A_253, %swap3A_254], %mul3A_252 {strides = array<i32>} : memref<80x64xf32, #tpu.memory_space<vmem>>, vector<16xf32>,
        %get3A_256 = arith.index_cast %add3A_245 : i32 to index
        %get3A_257 = arith.constant 16 : index
        %get3A_258 = tpu.vector_load %arg21[%get3A_256, %get3A_257] {strides = array<i32>} : memref<80x64xf32, #tpu.memory_space<vmem>>, vector<16xf32>,
        %mul3A_259 = arith.mulf %get3A_258, %gather3A_248 : vector<16xf32>
        %swap3A_260 = arith.index_cast %add3A_245 : i32 to index
        %swap3A_261 = arith.constant 16 : index
        %swap3A_262 = tpu.vector_load %arg21[%swap3A_260, %swap3A_261] {strides = array<i32>} : memref<80x64xf32, #tpu.memory_space<vmem>>, vector<16xf32>,
        tpu.vector_store %arg21[%swap3A_260, %swap3A_261], %mul3A_259 {strides = array<i32>} : memref<80x64xf32, #tpu.memory_space<vmem>>, vector<16xf32>,
        %get3A_263 = arith.index_cast %add3A_245 : i32 to index
        %get3A_264 = arith.constant 32 : index
        %get3A_265 = tpu.vector_load %arg21[%get3A_263, %get3A_264] {strides = array<i32>} : memref<80x64xf32, #tpu.memory_space<vmem>>, vector<16xf32>,
        %mul3A_266 = arith.mulf %get3A_265, %gather3A_248 : vector<16xf32>
        %swap3A_267 = arith.index_cast %add3A_245 : i32 to index
        %swap3A_268 = arith.constant 32 : index
        %swap3A_269 = tpu.vector_load %arg21[%swap3A_267, %swap3A_268] {strides = array<i32>} : memref<80x64xf32, #tpu.memory_space<vmem>>, vector<16xf32>,
        tpu.vector_store %arg21[%swap3A_267, %swap3A_268], %mul3A_266 {strides = array<i32>} : memref<80x64xf32, #tpu.memory_space<vmem>>, vector<16xf32>,
        %get3A_270 = arith.index_cast %add3A_245 : i32 to index
        %get3A_271 = arith.constant 48 : index
        %get3A_272 = tpu.vector_load %arg21[%get3A_270, %get3A_271] {strides = array<i32>} : memref<80x64xf32, #tpu.memory_space<vmem>>, vector<16xf32>,
        %mul3A_273 = arith.mulf %get3A_272, %gather3A_248 : vector<16xf32>
        %swap3A_274 = arith.index_cast %add3A_245 : i32 to index
        %swap3A_275 = arith.constant 48 : index
        %swap3A_276 = tpu.vector_load %arg21[%swap3A_274, %swap3A_275] {strides = array<i32>} : memref<80x64xf32, #tpu.memory_space<vmem>>, vector<16xf32>,
        tpu.vector_store %arg21[%swap3A_274, %swap3A_275], %mul3A_273 {strides = array<i32>} : memref<80x64xf32, #tpu.memory_space<vmem>>, vector<16xf32>,
        %mul3A_277 = arith.constant 4 : i32
        %mul3A_278 = arith.muli %scan3A_210, %mul3A_277 : i32
        %add3A_279 = arith.constant 2 : i32
        %add3A_280 = arith.addi %mul3A_278, %add3A_279 : i32
        %add3A_281 = arith.addi %mul3A_144, %add3A_280 : i32
        %broadcast_in_dim3A_282 = vector.broadcast %add3A_281 : i32 to vector<16xi32>
        %gather3A_283 = tpu.vector_load_idx %arg18[%broadcast_in_dim3A_282] : memref<10000xf32, #tpu.memory_space<vmem>>[vector<16xi32>], vector<16xf32>,
        %get3A_284 = arith.index_cast %add3A_280 : i32 to index
        %get3A_285 = arith.constant 0 : index
        %get3A_286 = tpu.vector_load %arg21[%get3A_284, %get3A_285] {strides = array<i32>} : memref<80x64xf32, #tpu.memory_space<vmem>>, vector<16xf32>,
        %mul3A_287 = arith.mulf %get3A_286, %gather3A_283 : vector<16xf32>
        %swap3A_288 = arith.index_cast %add3A_280 : i32 to index
        %swap3A_289 = arith.constant 0 : index
        %swap3A_290 = tpu.vector_load %arg21[%swap3A_288, %swap3A_289] {strides = array<i32>} : memref<80x64xf32, #tpu.memory_space<vmem>>, vector<16xf32>,
        tpu.vector_store %arg21[%swap3A_288, %swap3A_289], %mul3A_287 {strides = array<i32>} : memref<80x64xf32, #tpu.memory_space<vmem>>, vector<16xf32>,
        %get3A_291 = arith.index_cast %add3A_280 : i32 to index
        %get3A_292 = arith.constant 16 : index
        %get3A_293 = tpu.vector_load %arg21[%get3A_291, %get3A_292] {strides = array<i32>} : memref<80x64xf32, #tpu.memory_space<vmem>>, vector<16xf32>,
        %mul3A_294 = arith.mulf %get3A_293, %gather3A_283 : vector<16xf32>
        %swap3A_295 = arith.index_cast %add3A_280 : i32 to index
        %swap3A_296 = arith.constant 16 : index
        %swap3A_297 = tpu.vector_load %arg21[%swap3A_295, %swap3A_296] {strides = array<i32>} : memref<80x64xf32, #tpu.memory_space<vmem>>, vector<16xf32>,
        tpu.vector_store %arg21[%swap3A_295, %swap3A_296], %mul3A_294 {strides = array<i32>} : memref<80x64xf32, #tpu.memory_space<vmem>>, vector<16xf32>,
        %get3A_298 = arith.index_cast %add3A_280 : i32 to index
        %get3A_299 = arith.constant 32 : index
        %get3A_300 = tpu.vector_load %arg21[%get3A_298, %get3A_299] {strides = array<i32>} : memref<80x64xf32, #tpu.memory_space<vmem>>, vector<16xf32>,
        %mul3A_301 = arith.mulf %get3A_300, %gather3A_283 : vector<16xf32>
        %swap3A_302 = arith.index_cast %add3A_280 : i32 to index
        %swap3A_303 = arith.constant 32 : index
        %swap3A_304 = tpu.vector_load %arg21[%swap3A_302, %swap3A_303] {strides = array<i32>} : memref<80x64xf32, #tpu.memory_space<vmem>>, vector<16xf32>,
        tpu.vector_store %arg21[%swap3A_302, %swap3A_303], %mul3A_301 {strides = array<i32>} : memref<80x64xf32, #tpu.memory_space<vmem>>, vector<16xf32>,
        %get3A_305 = arith.index_cast %add3A_280 : i32 to index
        %get3A_306 = arith.constant 48 : index
        %get3A_307 = tpu.vector_load %arg21[%get3A_305, %get3A_306] {strides = array<i32>} : memref<80x64xf32, #tpu.memory_space<vmem>>, vector<16xf32>,
        %mul3A_308 = arith.mulf %get3A_307, %gather3A_283 : vector<16xf32>
        %swap3A_309 = arith.index_cast %add3A_280 : i32 to index
        %swap3A_310 = arith.constant 48 : index
        %swap3A_311 = tpu.vector_load %arg21[%swap3A_309, %swap3A_310] {strides = array<i32>} : memref<80x64xf32, #tpu.memory_space<vmem>>, vector<16xf32>,
        tpu.vector_store %arg21[%swap3A_309, %swap3A_310], %mul3A_308 {strides = array<i32>} : memref<80x64xf32, #tpu.memory_space<vmem>>, vector<16xf32>,
        %mul3A_312 = arith.constant 4 : i32
        %mul3A_313 = arith.muli %scan3A_210, %mul3A_312 : i32
        %add3A_314 = arith.constant 3 : i32
        %add3A_315 = arith.addi %mul3A_313, %add3A_314 : i32
        %add3A_316 = arith.addi %mul3A_144, %add3A_315 : i32
        %broadcast_in_dim3A_317 = vector.broadcast %add3A_316 : i32 to vector<16xi32>
        %gather3A_318 = tpu.vector_load_idx %arg18[%broadcast_in_dim3A_317] : memref<10000xf32, #tpu.memory_space<vmem>>[vector<16xi32>], vector<16xf32>,
        %get3A_319 = arith.index_cast %add3A_315 : i32 to index
        %get3A_320 = arith.constant 0 : index
        %get3A_321 = tpu.vector_load %arg21[%get3A_319, %get3A_320] {strides = array<i32>} : memref<80x64xf32, #tpu.memory_space<vmem>>, vector<16xf32>,
        %mul3A_322 = arith.mulf %get3A_321, %gather3A_318 : vector<16xf32>
        %swap3A_323 = arith.index_cast %add3A_315 : i32 to index
        %swap3A_324 = arith.constant 0 : index
        %swap3A_325 = tpu.vector_load %arg21[%swap3A_323, %swap3A_324] {strides = array<i32>} : memref<80x64xf32, #tpu.memory_space<vmem>>, vector<16xf32>,
        tpu.vector_store %arg21[%swap3A_323, %swap3A_324], %mul3A_322 {strides = array<i32>} : memref<80x64xf32, #tpu.memory_space<vmem>>, vector<16xf32>,
        %get3A_326 = arith.index_cast %add3A_315 : i32 to index
        %get3A_327 = arith.constant 16 : index
        %get3A_328 = tpu.vector_load %arg21[%get3A_326, %get3A_327] {strides = array<i32>} : memref<80x64xf32, #tpu.memory_space<vmem>>, vector<16xf32>,
        %mul3A_329 = arith.mulf %get3A_328, %gather3A_318 : vector<16xf32>
        %swap3A_330 = arith.index_cast %add3A_315 : i32 to index
        %swap3A_331 = arith.constant 16 : index
        %swap3A_332 = tpu.vector_load %arg21[%swap3A_330, %swap3A_331] {strides = array<i32>} : memref<80x64xf32, #tpu.memory_space<vmem>>, vector<16xf32>,
        tpu.vector_store %arg21[%swap3A_330, %swap3A_331], %mul3A_329 {strides = array<i32>} : memref<80x64xf32, #tpu.memory_space<vmem>>, vector<16xf32>,
        %get3A_333 = arith.index_cast %add3A_315 : i32 to index
        %get3A_334 = arith.constant 32 : index
        %get3A_335 = tpu.vector_load %arg21[%get3A_333, %get3A_334] {strides = array<i32>} : memref<80x64xf32, #tpu.memory_space<vmem>>, vector<16xf32>,
        %mul3A_336 = arith.mulf %get3A_335, %gather3A_318 : vector<16xf32>
        %swap3A_337 = arith.index_cast %add3A_315 : i32 to index
        %swap3A_338 = arith.constant 32 : index
        %swap3A_339 = tpu.vector_load %arg21[%swap3A_337, %swap3A_338] {strides = array<i32>} : memref<80x64xf32, #tpu.memory_space<vmem>>, vector<16xf32>,
        tpu.vector_store %arg21[%swap3A_337, %swap3A_338], %mul3A_336 {strides = array<i32>} : memref<80x64xf32, #tpu.memory_space<vmem>>, vector<16xf32>,
        %get3A_340 = arith.index_cast %add3A_315 : i32 to index
        %get3A_341 = arith.constant 48 : index
        %get3A_342 = tpu.vector_load %arg21[%get3A_340, %get3A_341] {strides = array<i32>} : memref<80x64xf32, #tpu.memory_space<vmem>>, vector<16xf32>,
        %mul3A_343 = arith.mulf %get3A_342, %gather3A_318 : vector<16xf32>
        %swap3A_344 = arith.index_cast %add3A_315 : i32 to index
        %swap3A_345 = arith.constant 48 : index
        %swap3A_346 = tpu.vector_load %arg21[%swap3A_344, %swap3A_345] {strides = array<i32>} : memref<80x64xf32, #tpu.memory_space<vmem>>, vector<16xf32>,
        tpu.vector_store %arg21[%swap3A_344, %swap3A_345], %mul3A_343 {strides = array<i32>} : memref<80x64xf32, #tpu.memory_space<vmem>>, vector<16xf32>,
      }
      %scan3A_150 = arith.constant 20 : i32
      %dma_start3A_151 = arith.constant 0 : i32
      %dma_start3A_152 = tpu.memref_slice %arg14[%mul3A_125, %dma_start3A_151] : memref<125x80xi32, #tpu.memory_space<vmem>> -> memref<1x80xi32, #tpu.memory_space<vmem>>
      %dma_start3A_153 = tpu.memref_squeeze %dma_start3A_152 : memref<1x80xi32, #tpu.memory_space<vmem>> -> memref<80xi32, #tpu.memory_space<vmem>>
      %dma_start3A_154 = arith.constant 0 : i32
      %dma_start3A_155 = arith.constant 0 : i32
      %dma_start3A_156 = tpu.memref_slice %arg24[%dma_start3A_154, %dma_start3A_155] : memref<10240x64xf32, #tpu.memory_space<vmem_shared>> -> memref<10240x64xf32, #tpu.memory_space<vmem_shared>>
      tpu.enqueue_indirect_dma source(%arg21 : memref<80x64xf32, #tpu.memory_space<vmem>>) target(%dma_start3A_156 : memref<10240x64xf32, #tpu.memory_space<vmem_shared>>) offsets(%dma_start3A_153 : memref<80xi32, #tpu.memory_space<vmem>>) semaphore(%arg28 : memref<!tpu.dma_semaphore, #tpu.memory_space<semaphore_mem>>) {add = true}
      %dma_start3A_157 = arith.constant 0 : i32
      %dma_start3A_158 = tpu.memref_slice %arg14[%mul3A_125, %dma_start3A_157] : memref<125x80xi32, #tpu.memory_space<vmem>> -> memref<1x80xi32, #tpu.memory_space<vmem>>
      %dma_start3A_159 = tpu.memref_squeeze %dma_start3A_158 : memref<1x80xi32, #tpu.memory_space<vmem>> -> memref<80xi32, #tpu.memory_space<vmem>>
      %dma_start3A_160 = arith.constant 0 : i32
      %dma_start3A_161 = arith.constant 0 : i32
      %dma_start3A_162 = tpu.memref_slice %arg25[%dma_start3A_160, %dma_start3A_161] : memref<10240x8xf32, #tpu.memory_space<vmem_shared>> -> memref<10240x8xf32, #tpu.memory_space<vmem_shared>>
      tpu.enqueue_indirect_dma source(%arg23 : memref<80x8xf32, #tpu.memory_space<vmem>>) target(%dma_start3A_162 : memref<10240x8xf32, #tpu.memory_space<vmem_shared>>) offsets(%dma_start3A_159 : memref<80xi32, #tpu.memory_space<vmem>>) semaphore(%arg29 : memref<!tpu.dma_semaphore, #tpu.memory_space<semaphore_mem>>) {add = true}
      %dma_wait3A_163 = arith.constant 0 : i32
      %dma_wait3A_164 = tpu.memref_slice %arg19[%add3A_128, %dma_wait3A_163] : memref<125x80xi32, #tpu.memory_space<vmem>> -> memref<1x80xi32, #tpu.memory_space<vmem>>
      %dma_wait3A_165 = tpu.memref_squeeze %dma_wait3A_164 : memref<1x80xi32, #tpu.memory_space<vmem>> -> memref<80xi32, #tpu.memory_space<vmem>>
      %dma_wait3A_166 = arith.constant 0 : i32
      %dma_wait3A_167 = arith.constant 0 : i32
      %dma_wait3A_168 = tpu.memref_slice %arg2[%dma_wait3A_166, %dma_wait3A_167] : memref<40000x64xf32, #tpu.memory_space<hbm>> -> memref<40000x64xf32, #tpu.memory_space<hbm>>
      tpu.wait_indirect_dma semaphore(%arg27 : memref<!tpu.dma_semaphore, #tpu.memory_space<semaphore_mem>>) src(%dma_wait3A_168 : memref<40000x64xf32, #tpu.memory_space<hbm>>) dst(%arg22 : memref<80x64xf32, #tpu.memory_space<vmem>>)
      %mul3A_169 = arith.constant 80 : i32
      %mul3A_170 = arith.muli %add3A_128, %mul3A_169 : i32
      %scan3A_171 = arith.constant 0 : i32
      %scan3A_172 = arith.constant 0 : i32
      %scan3A_173 = arith.constant 20 : i32
      %scan3A_174 = arith.addi %scan3A_172, %scan3A_173 : i32
      %scan3A_175 = arith.constant 1 : i32
      scf.for %scan3A_210 = %scan3A_172 to %scan3A_174 step %scan3A_175  : i32 {
        %mul3A_211 = arith.constant 4 : i32
        %mul3A_212 = arith.muli %scan3A_210, %mul3A_211 : i32
        %add3A_213 = arith.constant 0 : i32
        %add3A_214 = arith.addi %mul3A_212, %add3A_213 : i32
        %add3A_215 = arith.addi %mul3A_170, %add3A_214 : i32
        %broadcast_in_dim3A = vector.broadcast %add3A_215 : i32 to vector<16xi32>
        %gather3A = tpu.vector_load_idx %arg18[%broadcast_in_dim3A] : memref<10000xf32, #tpu.memory_space<vmem>>[vector<16xi32>], vector<16xf32>,
        %get3A = arith.index_cast %add3A_214 : i32 to index
        %get3A_216 = arith.constant 0 : index
        %get3A_217 = tpu.vector_load %arg22[%get3A, %get3A_216] {strides = array<i32>} : memref<80x64xf32, #tpu.memory_space<vmem>>, vector<16xf32>,
        %mul3A_218 = arith.mulf %get3A_217, %gather3A : vector<16xf32>
        %swap3A = arith.index_cast %add3A_214 : i32 to index
        %swap3A_219 = arith.constant 0 : index
        %swap3A_220 = tpu.vector_load %arg22[%swap3A, %swap3A_219] {strides = array<i32>} : memref<80x64xf32, #tpu.memory_space<vmem>>, vector<16xf32>,
        tpu.vector_store %arg22[%swap3A, %swap3A_219], %mul3A_218 {strides = array<i32>} : memref<80x64xf32, #tpu.memory_space<vmem>>, vector<16xf32>,
        %get3A_221 = arith.index_cast %add3A_214 : i32 to index
        %get3A_222 = arith.constant 16 : index
        %get3A_223 = tpu.vector_load %arg22[%get3A_221, %get3A_222] {strides = array<i32>} : memref<80x64xf32, #tpu.memory_space<vmem>>, vector<16xf32>,
        %mul3A_224 = arith.mulf %get3A_223, %gather3A : vector<16xf32>
        %swap3A_225 = arith.index_cast %add3A_214 : i32 to index
        %swap3A_226 = arith.constant 16 : index
        %swap3A_227 = tpu.vector_load %arg22[%swap3A_225, %swap3A_226] {strides = array<i32>} : memref<80x64xf32, #tpu.memory_space<vmem>>, vector<16xf32>,
        tpu.vector_store %arg22[%swap3A_225, %swap3A_226], %mul3A_224 {strides = array<i32>} : memref<80x64xf32, #tpu.memory_space<vmem>>, vector<16xf32>,
        %get3A_228 = arith.index_cast %add3A_214 : i32 to index
        %get3A_229 = arith.constant 32 : index
        %get3A_230 = tpu.vector_load %arg22[%get3A_228, %get3A_229] {strides = array<i32>} : memref<80x64xf32, #tpu.memory_space<vmem>>, vector<16xf32>,
        %mul3A_231 = arith.mulf %get3A_230, %gather3A : vector<16xf32>
        %swap3A_232 = arith.index_cast %add3A_214 : i32 to index
        %swap3A_233 = arith.constant 32 : index
        %swap3A_234 = tpu.vector_load %arg22[%swap3A_232, %swap3A_233] {strides = array<i32>} : memref<80x64xf32, #tpu.memory_space<vmem>>, vector<16xf32>,
        tpu.vector_store %arg22[%swap3A_232, %swap3A_233], %mul3A_231 {strides = array<i32>} : memref<80x64xf32, #tpu.memory_space<vmem>>, vector<16xf32>,
        %get3A_235 = arith.index_cast %add3A_214 : i32 to index
        %get3A_236 = arith.constant 48 : index
        %get3A_237 = tpu.vector_load %arg22[%get3A_235, %get3A_236] {strides = array<i32>} : memref<80x64xf32, #tpu.memory_space<vmem>>, vector<16xf32>,
        %mul3A_238 = arith.mulf %get3A_237, %gather3A : vector<16xf32>
        %swap3A_239 = arith.index_cast %add3A_214 : i32 to index
        %swap3A_240 = arith.constant 48 : index
        %swap3A_241 = tpu.vector_load %arg22[%swap3A_239, %swap3A_240] {strides = array<i32>} : memref<80x64xf32, #tpu.memory_space<vmem>>, vector<16xf32>,
        tpu.vector_store %arg22[%swap3A_239, %swap3A_240], %mul3A_238 {strides = array<i32>} : memref<80x64xf32, #tpu.memory_space<vmem>>, vector<16xf32>,
        %mul3A_242 = arith.constant 4 : i32
        %mul3A_243 = arith.muli %scan3A_210, %mul3A_242 : i32
        %add3A_244 = arith.constant 1 : i32
        %add3A_245 = arith.addi %mul3A_243, %add3A_244 : i32
        %add3A_246 = arith.addi %mul3A_170, %add3A_245 : i32
        %broadcast_in_dim3A_247 = vector.broadcast %add3A_246 : i32 to vector<16xi32>
        %gather3A_248 = tpu.vector_load_idx %arg18[%broadcast_in_dim3A_247] : memref<10000xf32, #tpu.memory_space<vmem>>[vector<16xi32>], vector<16xf32>,
        %get3A_249 = arith.index_cast %add3A_245 : i32 to index
        %get3A_250 = arith.constant 0 : index
        %get3A_251 = tpu.vector_load %arg22[%get3A_249, %get3A_250] {strides = array<i32>} : memref<80x64xf32, #tpu.memory_space<vmem>>, vector<16xf32>,
        %mul3A_252 = arith.mulf %get3A_251, %gather3A_248 : vector<16xf32>
        %swap3A_253 = arith.index_cast %add3A_245 : i32 to index
        %swap3A_254 = arith.constant 0 : index
        %swap3A_255 = tpu.vector_load %arg22[%swap3A_253, %swap3A_254] {strides = array<i32>} : memref<80x64xf32, #tpu.memory_space<vmem>>, vector<16xf32>,
        tpu.vector_store %arg22[%swap3A_253, %swap3A_254], %mul3A_252 {strides = array<i32>} : memref<80x64xf32, #tpu.memory_space<vmem>>, vector<16xf32>,
        %get3A_256 = arith.index_cast %add3A_245 : i32 to index
        %get3A_257 = arith.constant 16 : index
        %get3A_258 = tpu.vector_load %arg22[%get3A_256, %get3A_257] {strides = array<i32>} : memref<80x64xf32, #tpu.memory_space<vmem>>, vector<16xf32>,
        %mul3A_259 = arith.mulf %get3A_258, %gather3A_248 : vector<16xf32>
        %swap3A_260 = arith.index_cast %add3A_245 : i32 to index
        %swap3A_261 = arith.constant 16 : index
        %swap3A_262 = tpu.vector_load %arg22[%swap3A_260, %swap3A_261] {strides = array<i32>} : memref<80x64xf32, #tpu.memory_space<vmem>>, vector<16xf32>,
        tpu.vector_store %arg22[%swap3A_260, %swap3A_261], %mul3A_259 {strides = array<i32>} : memref<80x64xf32, #tpu.memory_space<vmem>>, vector<16xf32>,
        %get3A_263 = arith.index_cast %add3A_245 : i32 to index
        %get3A_264 = arith.constant 32 : index
        %get3A_265 = tpu.vector_load %arg22[%get3A_263, %get3A_264] {strides = array<i32>} : memref<80x64xf32, #tpu.memory_space<vmem>>, vector<16xf32>,
        %mul3A_266 = arith.mulf %get3A_265, %gather3A_248 : vector<16xf32>
        %swap3A_267 = arith.index_cast %add3A_245 : i32 to index
        %swap3A_268 = arith.constant 32 : index
        %swap3A_269 = tpu.vector_load %arg22[%swap3A_267, %swap3A_268] {strides = array<i32>} : memref<80x64xf32, #tpu.memory_space<vmem>>, vector<16xf32>,
        tpu.vector_store %arg22[%swap3A_267, %swap3A_268], %mul3A_266 {strides = array<i32>} : memref<80x64xf32, #tpu.memory_space<vmem>>, vector<16xf32>,
        %get3A_270 = arith.index_cast %add3A_245 : i32 to index
        %get3A_271 = arith.constant 48 : index
        %get3A_272 = tpu.vector_load %arg22[%get3A_270, %get3A_271] {strides = array<i32>} : memref<80x64xf32, #tpu.memory_space<vmem>>, vector<16xf32>,
        %mul3A_273 = arith.mulf %get3A_272, %gather3A_248 : vector<16xf32>
        %swap3A_274 = arith.index_cast %add3A_245 : i32 to index
        %swap3A_275 = arith.constant 48 : index
        %swap3A_276 = tpu.vector_load %arg22[%swap3A_274, %swap3A_275] {strides = array<i32>} : memref<80x64xf32, #tpu.memory_space<vmem>>, vector<16xf32>,
        tpu.vector_store %arg22[%swap3A_274, %swap3A_275], %mul3A_273 {strides = array<i32>} : memref<80x64xf32, #tpu.memory_space<vmem>>, vector<16xf32>,
        %mul3A_277 = arith.constant 4 : i32
        %mul3A_278 = arith.muli %scan3A_210, %mul3A_277 : i32
        %add3A_279 = arith.constant 2 : i32
        %add3A_280 = arith.addi %mul3A_278, %add3A_279 : i32
        %add3A_281 = arith.addi %mul3A_170, %add3A_280 : i32
        %broadcast_in_dim3A_282 = vector.broadcast %add3A_281 : i32 to vector<16xi32>
        %gather3A_283 = tpu.vector_load_idx %arg18[%broadcast_in_dim3A_282] : memref<10000xf32, #tpu.memory_space<vmem>>[vector<16xi32>], vector<16xf32>,
        %get3A_284 = arith.index_cast %add3A_280 : i32 to index
        %get3A_285 = arith.constant 0 : index
        %get3A_286 = tpu.vector_load %arg22[%get3A_284, %get3A_285] {strides = array<i32>} : memref<80x64xf32, #tpu.memory_space<vmem>>, vector<16xf32>,
        %mul3A_287 = arith.mulf %get3A_286, %gather3A_283 : vector<16xf32>
        %swap3A_288 = arith.index_cast %add3A_280 : i32 to index
        %swap3A_289 = arith.constant 0 : index
        %swap3A_290 = tpu.vector_load %arg22[%swap3A_288, %swap3A_289] {strides = array<i32>} : memref<80x64xf32, #tpu.memory_space<vmem>>, vector<16xf32>,
        tpu.vector_store %arg22[%swap3A_288, %swap3A_289], %mul3A_287 {strides = array<i32>} : memref<80x64xf32, #tpu.memory_space<vmem>>, vector<16xf32>,
        %get3A_291 = arith.index_cast %add3A_280 : i32 to index
        %get3A_292 = arith.constant 16 : index
        %get3A_293 = tpu.vector_load %arg22[%get3A_291, %get3A_292] {strides = array<i32>} : memref<80x64xf32, #tpu.memory_space<vmem>>, vector<16xf32>,
        %mul3A_294 = arith.mulf %get3A_293, %gather3A_283 : vector<16xf32>
        %swap3A_295 = arith.index_cast %add3A_280 : i32 to index
        %swap3A_296 = arith.constant 16 : index
        %swap3A_297 = tpu.vector_load %arg22[%swap3A_295, %swap3A_296] {strides = array<i32>} : memref<80x64xf32, #tpu.memory_space<vmem>>, vector<16xf32>,
        tpu.vector_store %arg22[%swap3A_295, %swap3A_296], %mul3A_294 {strides = array<i32>} : memref<80x64xf32, #tpu.memory_space<vmem>>, vector<16xf32>,
        %get3A_298 = arith.index_cast %add3A_280 : i32 to index
        %get3A_299 = arith.constant 32 : index
        %get3A_300 = tpu.vector_load %arg22[%get3A_298, %get3A_299] {strides = array<i32>} : memref<80x64xf32, #tpu.memory_space<vmem>>, vector<16xf32>,
        %mul3A_301 = arith.mulf %get3A_300, %gather3A_283 : vector<16xf32>
        %swap3A_302 = arith.index_cast %add3A_280 : i32 to index
        %swap3A_303 = arith.constant 32 : index
        %swap3A_304 = tpu.vector_load %arg22[%swap3A_302, %swap3A_303] {strides = array<i32>} : memref<80x64xf32, #tpu.memory_space<vmem>>, vector<16xf32>,
        tpu.vector_store %arg22[%swap3A_302, %swap3A_303], %mul3A_301 {strides = array<i32>} : memref<80x64xf32, #tpu.memory_space<vmem>>, vector<16xf32>,
        %get3A_305 = arith.index_cast %add3A_280 : i32 to index
        %get3A_306 = arith.constant 48 : index
        %get3A_307 = tpu.vector_load %arg22[%get3A_305, %get3A_306] {strides = array<i32>} : memref<80x64xf32, #tpu.memory_space<vmem>>, vector<16xf32>,
        %mul3A_308 = arith.mulf %get3A_307, %gather3A_283 : vector<16xf32>
        %swap3A_309 = arith.index_cast %add3A_280 : i32 to index
        %swap3A_310 = arith.constant 48 : index
        %swap3A_311 = tpu.vector_load %arg22[%swap3A_309, %swap3A_310] {strides = array<i32>} : memref<80x64xf32, #tpu.memory_space<vmem>>, vector<16xf32>,
        tpu.vector_store %arg22[%swap3A_309, %swap3A_310], %mul3A_308 {strides = array<i32>} : memref<80x64xf32, #tpu.memory_space<vmem>>, vector<16xf32>,
        %mul3A_312 = arith.constant 4 : i32
        %mul3A_313 = arith.muli %scan3A_210, %mul3A_312 : i32
        %add3A_314 = arith.constant 3 : i32
        %add3A_315 = arith.addi %mul3A_313, %add3A_314 : i32
        %add3A_316 = arith.addi %mul3A_170, %add3A_315 : i32
        %broadcast_in_dim3A_317 = vector.broadcast %add3A_316 : i32 to vector<16xi32>
        %gather3A_318 = tpu.vector_load_idx %arg18[%broadcast_in_dim3A_317] : memref<10000xf32, #tpu.memory_space<vmem>>[vector<16xi32>], vector<16xf32>,
        %get3A_319 = arith.index_cast %add3A_315 : i32 to index
        %get3A_320 = arith.constant 0 : index
        %get3A_321 = tpu.vector_load %arg22[%get3A_319, %get3A_320] {strides = array<i32>} : memref<80x64xf32, #tpu.memory_space<vmem>>, vector<16xf32>,
        %mul3A_322 = arith.mulf %get3A_321, %gather3A_318 : vector<16xf32>
        %swap3A_323 = arith.index_cast %add3A_315 : i32 to index
        %swap3A_324 = arith.constant 0 : index
        %swap3A_325 = tpu.vector_load %arg22[%swap3A_323, %swap3A_324] {strides = array<i32>} : memref<80x64xf32, #tpu.memory_space<vmem>>, vector<16xf32>,
        tpu.vector_store %arg22[%swap3A_323, %swap3A_324], %mul3A_322 {strides = array<i32>} : memref<80x64xf32, #tpu.memory_space<vmem>>, vector<16xf32>,
        %get3A_326 = arith.index_cast %add3A_315 : i32 to index
        %get3A_327 = arith.constant 16 : index
        %get3A_328 = tpu.vector_load %arg22[%get3A_326, %get3A_327] {strides = array<i32>} : memref<80x64xf32, #tpu.memory_space<vmem>>, vector<16xf32>,
        %mul3A_329 = arith.mulf %get3A_328, %gather3A_318 : vector<16xf32>
        %swap3A_330 = arith.index_cast %add3A_315 : i32 to index
        %swap3A_331 = arith.constant 16 : index
        %swap3A_332 = tpu.vector_load %arg22[%swap3A_330, %swap3A_331] {strides = array<i32>} : memref<80x64xf32, #tpu.memory_space<vmem>>, vector<16xf32>,
        tpu.vector_store %arg22[%swap3A_330, %swap3A_331], %mul3A_329 {strides = array<i32>} : memref<80x64xf32, #tpu.memory_space<vmem>>, vector<16xf32>,
        %get3A_333 = arith.index_cast %add3A_315 : i32 to index
        %get3A_334 = arith.constant 32 : index
        %get3A_335 = tpu.vector_load %arg22[%get3A_333, %get3A_334] {strides = array<i32>} : memref<80x64xf32, #tpu.memory_space<vmem>>, vector<16xf32>,
        %mul3A_336 = arith.mulf %get3A_335, %gather3A_318 : vector<16xf32>
        %swap3A_337 = arith.index_cast %add3A_315 : i32 to index
        %swap3A_338 = arith.constant 32 : index
        %swap3A_339 = tpu.vector_load %arg22[%swap3A_337, %swap3A_338] {strides = array<i32>} : memref<80x64xf32, #tpu.memory_space<vmem>>, vector<16xf32>,
        tpu.vector_store %arg22[%swap3A_337, %swap3A_338], %mul3A_336 {strides = array<i32>} : memref<80x64xf32, #tpu.memory_space<vmem>>, vector<16xf32>,
        %get3A_340 = arith.index_cast %add3A_315 : i32 to index
        %get3A_341 = arith.constant 48 : index
        %get3A_342 = tpu.vector_load %arg22[%get3A_340, %get3A_341] {strides = array<i32>} : memref<80x64xf32, #tpu.memory_space<vmem>>, vector<16xf32>,
        %mul3A_343 = arith.mulf %get3A_342, %gather3A_318 : vector<16xf32>
        %swap3A_344 = arith.index_cast %add3A_315 : i32 to index
        %swap3A_345 = arith.constant 48 : index
        %swap3A_346 = tpu.vector_load %arg22[%swap3A_344, %swap3A_345] {strides = array<i32>} : memref<80x64xf32, #tpu.memory_space<vmem>>, vector<16xf32>,
        tpu.vector_store %arg22[%swap3A_344, %swap3A_345], %mul3A_343 {strides = array<i32>} : memref<80x64xf32, #tpu.memory_space<vmem>>, vector<16xf32>,
      }
      %scan3A_176 = arith.constant 20 : i32
      %dma_wait3A_177 = arith.constant 0 : i32
      %dma_wait3A_178 = tpu.memref_slice %arg14[%mul3A_125, %dma_wait3A_177] : memref<125x80xi32, #tpu.memory_space<vmem>> -> memref<1x80xi32, #tpu.memory_space<vmem>>
      %dma_wait3A_179 = tpu.memref_squeeze %dma_wait3A_178 : memref<1x80xi32, #tpu.memory_space<vmem>> -> memref<80xi32, #tpu.memory_space<vmem>>
      %dma_wait3A_180 = arith.constant 0 : i32
      %dma_wait3A_181 = arith.constant 0 : i32
      %dma_wait3A_182 = tpu.memref_slice %arg24[%dma_wait3A_180, %dma_wait3A_181] : memref<10240x64xf32, #tpu.memory_space<vmem_shared>> -> memref<10240x64xf32, #tpu.memory_space<vmem_shared>>
      tpu.wait_indirect_dma semaphore(%arg28 : memref<!tpu.dma_semaphore, #tpu.memory_space<semaphore_mem>>) src(%arg21 : memref<80x64xf32, #tpu.memory_space<vmem>>) dst(%dma_wait3A_182 : memref<10240x64xf32, #tpu.memory_space<vmem_shared>>)
      %dma_wait3A_183 = arith.constant 0 : i32
      %dma_wait3A_184 = tpu.memref_slice %arg14[%mul3A_125, %dma_wait3A_183] : memref<125x80xi32, #tpu.memory_space<vmem>> -> memref<1x80xi32, #tpu.memory_space<vmem>>
      %dma_wait3A_185 = tpu.memref_squeeze %dma_wait3A_184 : memref<1x80xi32, #tpu.memory_space<vmem>> -> memref<80xi32, #tpu.memory_space<vmem>>
      %dma_wait3A_186 = arith.constant 0 : i32
      %dma_wait3A_187 = arith.constant 0 : i32
      %dma_wait3A_188 = tpu.memref_slice %arg25[%dma_wait3A_186, %dma_wait3A_187] : memref<10240x8xf32, #tpu.memory_space<vmem_shared>> -> memref<10240x8xf32, #tpu.memory_space<vmem_shared>>
      tpu.wait_indirect_dma semaphore(%arg29 : memref<!tpu.dma_semaphore, #tpu.memory_space<semaphore_mem>>) src(%arg23 : memref<80x8xf32, #tpu.memory_space<vmem>>) dst(%dma_wait3A_188 : memref<10240x8xf32, #tpu.memory_space<vmem_shared>>)
      %add3A_189 = arith.constant 2 : i32
      %add3A_190 = arith.addi %mul3A_125, %add3A_189 : i32
      %min3A = arith.constant 124 : i32
      %min3A_191 = arith.minsi %add3A_190, %min3A : i32
      %dma_start3A_192 = arith.constant 0 : i32
      %dma_start3A_193 = tpu.memref_slice %arg19[%min3A_191, %dma_start3A_192] : memref<125x80xi32, #tpu.memory_space<vmem>> -> memref<1x80xi32, #tpu.memory_space<vmem>>
      %dma_start3A_194 = tpu.memref_squeeze %dma_start3A_193 : memref<1x80xi32, #tpu.memory_space<vmem>> -> memref<80xi32, #tpu.memory_space<vmem>>
      %dma_start3A_195 = arith.constant 0 : i32
      %dma_start3A_196 = arith.constant 0 : i32
      %dma_start3A_197 = tpu.memref_slice %arg2[%dma_start3A_195, %dma_start3A_196] : memref<40000x64xf32, #tpu.memory_space<hbm>> -> memref<40000x64xf32, #tpu.memory_space<hbm>>
      tpu.enqueue_indirect_dma source(%dma_start3A_197 : memref<40000x64xf32, #tpu.memory_space<hbm>>) target(%arg21 : memref<80x64xf32, #tpu.memory_space<vmem>>) offsets(%dma_start3A_194 : memref<80xi32, #tpu.memory_space<vmem>>) semaphore(%arg26 : memref<!tpu.dma_semaphore, #tpu.memory_space<semaphore_mem>>)
      %dma_start3A_198 = arith.constant 0 : i32
      %dma_start3A_199 = tpu.memref_slice %arg14[%add3A_128, %dma_start3A_198] : memref<125x80xi32, #tpu.memory_space<vmem>> -> memref<1x80xi32, #tpu.memory_space<vmem>>
      %dma_start3A_200 = tpu.memref_squeeze %dma_start3A_199 : memref<1x80xi32, #tpu.memory_space<vmem>> -> memref<80xi32, #tpu.memory_space<vmem>>
      %dma_start3A_201 = arith.constant 0 : i32
      %dma_start3A_202 = arith.constant 0 : i32
      %dma_start3A_203 = tpu.memref_slice %arg24[%dma_start3A_201, %dma_start3A_202] : memref<10240x64xf32, #tpu.memory_space<vmem_shared>> -> memref<10240x64xf32, #tpu.memory_space<vmem_shared>>
      tpu.enqueue_indirect_dma source(%arg22 : memref<80x64xf32, #tpu.memory_space<vmem>>) target(%dma_start3A_203 : memref<10240x64xf32, #tpu.memory_space<vmem_shared>>) offsets(%dma_start3A_200 : memref<80xi32, #tpu.memory_space<vmem>>) semaphore(%arg28 : memref<!tpu.dma_semaphore, #tpu.memory_space<semaphore_mem>>) {add = true}
      %dma_start3A_204 = arith.constant 0 : i32
      %dma_start3A_205 = tpu.memref_slice %arg14[%add3A_128, %dma_start3A_204] : memref<125x80xi32, #tpu.memory_space<vmem>> -> memref<1x80xi32, #tpu.memory_space<vmem>>
      %dma_start3A_206 = tpu.memref_squeeze %dma_start3A_205 : memref<1x80xi32, #tpu.memory_space<vmem>> -> memref<80xi32, #tpu.memory_space<vmem>>
      %dma_start3A_207 = arith.constant 0 : i32
      %dma_start3A_208 = arith.constant 0 : i32
      %dma_start3A_209 = tpu.memref_slice %arg25[%dma_start3A_207, %dma_start3A_208] : memref<10240x8xf32, #tpu.memory_space<vmem_shared>> -> memref<10240x8xf32, #tpu.memory_space<vmem_shared>>
      tpu.enqueue_indirect_dma source(%arg23 : memref<80x8xf32, #tpu.memory_space<vmem>>) target(%dma_start3A_209 : memref<10240x8xf32, #tpu.memory_space<vmem_shared>>) offsets(%dma_start3A_206 : memref<80xi32, #tpu.memory_space<vmem>>) semaphore(%arg29 : memref<!tpu.dma_semaphore, #tpu.memory_space<semaphore_mem>>) {add = true}
    }
    %scan3A_17 = arith.constant 62 : i32
    %dma_wait3A = arith.constant 124 : i32
    %dma_wait3A_18 = arith.constant 0 : i32
    %dma_wait3A_19 = tpu.memref_slice %arg19[%dma_wait3A, %dma_wait3A_18] : memref<125x80xi32, #tpu.memory_space<vmem>> -> memref<1x80xi32, #tpu.memory_space<vmem>>
    %dma_wait3A_20 = tpu.memref_squeeze %dma_wait3A_19 : memref<1x80xi32, #tpu.memory_space<vmem>> -> memref<80xi32, #tpu.memory_space<vmem>>
    %dma_wait3A_21 = arith.constant 0 : i32
    %dma_wait3A_22 = arith.constant 0 : i32
    %dma_wait3A_23 = tpu.memref_slice %arg2[%dma_wait3A_21, %dma_wait3A_22] : memref<40000x64xf32, #tpu.memory_space<hbm>> -> memref<40000x64xf32, #tpu.memory_space<hbm>>
    tpu.wait_indirect_dma semaphore(%arg26 : memref<!tpu.dma_semaphore, #tpu.memory_space<semaphore_mem>>) src(%dma_wait3A_23 : memref<40000x64xf32, #tpu.memory_space<hbm>>) dst(%arg21 : memref<80x64xf32, #tpu.memory_space<vmem>>)
    %scan3A_24 = arith.constant 0 : i32
    %scan3A_25 = arith.constant 0 : i32
    %scan3A_26 = arith.constant 20 : i32
    %scan3A_27 = arith.addi %scan3A_25, %scan3A_26 : i32
    %scan3A_28 = arith.constant 1 : i32
    scf.for %scan3A_123 = %scan3A_25 to %scan3A_27 step %scan3A_28  : i32 {
      %mul3A_124 = arith.constant 4 : i32
      %mul3A_125 = arith.muli %scan3A_123, %mul3A_124 : i32
      %add3A = arith.constant 0 : i32
      %add3A_126 = arith.addi %mul3A_125, %add3A : i32
      %add3A_127 = arith.constant 9920 : i32
      %add3A_128 = arith.addi %add3A_127, %add3A_126 : i32
      %broadcast_in_dim3A = vector.broadcast %add3A_128 : i32 to vector<16xi32>
      %gather3A = tpu.vector_load_idx %arg18[%broadcast_in_dim3A] : memref<10000xf32, #tpu.memory_space<vmem>>[vector<16xi32>], vector<16xf32>,
      %get3A = arith.index_cast %add3A_126 : i32 to index
      %get3A_129 = arith.constant 0 : index
      %get3A_130 = tpu.vector_load %arg21[%get3A, %get3A_129] {strides = array<i32>} : memref<80x64xf32, #tpu.memory_space<vmem>>, vector<16xf32>,
      %mul3A_131 = arith.mulf %get3A_130, %gather3A : vector<16xf32>
      %swap3A = arith.index_cast %add3A_126 : i32 to index
      %swap3A_132 = arith.constant 0 : index
      %swap3A_133 = tpu.vector_load %arg21[%swap3A, %swap3A_132] {strides = array<i32>} : memref<80x64xf32, #tpu.memory_space<vmem>>, vector<16xf32>,
      tpu.vector_store %arg21[%swap3A, %swap3A_132], %mul3A_131 {strides = array<i32>} : memref<80x64xf32, #tpu.memory_space<vmem>>, vector<16xf32>,
      %get3A_134 = arith.index_cast %add3A_126 : i32 to index
      %get3A_135 = arith.constant 16 : index
      %get3A_136 = tpu.vector_load %arg21[%get3A_134, %get3A_135] {strides = array<i32>} : memref<80x64xf32, #tpu.memory_space<vmem>>, vector<16xf32>,
      %mul3A_137 = arith.mulf %get3A_136, %gather3A : vector<16xf32>
      %swap3A_138 = arith.index_cast %add3A_126 : i32 to index
      %swap3A_139 = arith.constant 16 : index
      %swap3A_140 = tpu.vector_load %arg21[%swap3A_138, %swap3A_139] {strides = array<i32>} : memref<80x64xf32, #tpu.memory_space<vmem>>, vector<16xf32>,
      tpu.vector_store %arg21[%swap3A_138, %swap3A_139], %mul3A_137 {strides = array<i32>} : memref<80x64xf32, #tpu.memory_space<vmem>>, vector<16xf32>,
      %get3A_141 = arith.index_cast %add3A_126 : i32 to index
      %get3A_142 = arith.constant 32 : index
      %get3A_143 = tpu.vector_load %arg21[%get3A_141, %get3A_142] {strides = array<i32>} : memref<80x64xf32, #tpu.memory_space<vmem>>, vector<16xf32>,
      %mul3A_144 = arith.mulf %get3A_143, %gather3A : vector<16xf32>
      %swap3A_145 = arith.index_cast %add3A_126 : i32 to index
      %swap3A_146 = arith.constant 32 : index
      %swap3A_147 = tpu.vector_load %arg21[%swap3A_145, %swap3A_146] {strides = array<i32>} : memref<80x64xf32, #tpu.memory_space<vmem>>, vector<16xf32>,
      tpu.vector_store %arg21[%swap3A_145, %swap3A_146], %mul3A_144 {strides = array<i32>} : memref<80x64xf32, #tpu.memory_space<vmem>>, vector<16xf32>,
      %get3A_148 = arith.index_cast %add3A_126 : i32 to index
      %get3A_149 = arith.constant 48 : index
      %get3A_150 = tpu.vector_load %arg21[%get3A_148, %get3A_149] {strides = array<i32>} : memref<80x64xf32, #tpu.memory_space<vmem>>, vector<16xf32>,
      %mul3A_151 = arith.mulf %get3A_150, %gather3A : vector<16xf32>
      %swap3A_152 = arith.index_cast %add3A_126 : i32 to index
      %swap3A_153 = arith.constant 48 : index
      %swap3A_154 = tpu.vector_load %arg21[%swap3A_152, %swap3A_153] {strides = array<i32>} : memref<80x64xf32, #tpu.memory_space<vmem>>, vector<16xf32>,
      tpu.vector_store %arg21[%swap3A_152, %swap3A_153], %mul3A_151 {strides = array<i32>} : memref<80x64xf32, #tpu.memory_space<vmem>>, vector<16xf32>,
      %mul3A_155 = arith.constant 4 : i32
      %mul3A_156 = arith.muli %scan3A_123, %mul3A_155 : i32
      %add3A_157 = arith.constant 1 : i32
      %add3A_158 = arith.addi %mul3A_156, %add3A_157 : i32
      %add3A_159 = arith.constant 9920 : i32
      %add3A_160 = arith.addi %add3A_159, %add3A_158 : i32
      %broadcast_in_dim3A_161 = vector.broadcast %add3A_160 : i32 to vector<16xi32>
      %gather3A_162 = tpu.vector_load_idx %arg18[%broadcast_in_dim3A_161] : memref<10000xf32, #tpu.memory_space<vmem>>[vector<16xi32>], vector<16xf32>,
      %get3A_163 = arith.index_cast %add3A_158 : i32 to index
      %get3A_164 = arith.constant 0 : index
      %get3A_165 = tpu.vector_load %arg21[%get3A_163, %get3A_164] {strides = array<i32>} : memref<80x64xf32, #tpu.memory_space<vmem>>, vector<16xf32>,
      %mul3A_166 = arith.mulf %get3A_165, %gather3A_162 : vector<16xf32>
      %swap3A_167 = arith.index_cast %add3A_158 : i32 to index
      %swap3A_168 = arith.constant 0 : index
      %swap3A_169 = tpu.vector_load %arg21[%swap3A_167, %swap3A_168] {strides = array<i32>} : memref<80x64xf32, #tpu.memory_space<vmem>>, vector<16xf32>,
      tpu.vector_store %arg21[%swap3A_167, %swap3A_168], %mul3A_166 {strides = array<i32>} : memref<80x64xf32, #tpu.memory_space<vmem>>, vector<16xf32>,
      %get3A_170 = arith.index_cast %add3A_158 : i32 to index
      %get3A_171 = arith.constant 16 : index
      %get3A_172 = tpu.vector_load %arg21[%get3A_170, %get3A_171] {strides = array<i32>} : memref<80x64xf32, #tpu.memory_space<vmem>>, vector<16xf32>,
      %mul3A_173 = arith.mulf %get3A_172, %gather3A_162 : vector<16xf32>
      %swap3A_174 = arith.index_cast %add3A_158 : i32 to index
      %swap3A_175 = arith.constant 16 : index
      %swap3A_176 = tpu.vector_load %arg21[%swap3A_174, %swap3A_175] {strides = array<i32>} : memref<80x64xf32, #tpu.memory_space<vmem>>, vector<16xf32>,
      tpu.vector_store %arg21[%swap3A_174, %swap3A_175], %mul3A_173 {strides = array<i32>} : memref<80x64xf32, #tpu.memory_space<vmem>>, vector<16xf32>,
      %get3A_177 = arith.index_cast %add3A_158 : i32 to index
      %get3A_178 = arith.constant 32 : index
      %get3A_179 = tpu.vector_load %arg21[%get3A_177, %get3A_178] {strides = array<i32>} : memref<80x64xf32, #tpu.memory_space<vmem>>, vector<16xf32>,
      %mul3A_180 = arith.mulf %get3A_179, %gather3A_162 : vector<16xf32>
      %swap3A_181 = arith.index_cast %add3A_158 : i32 to index
      %swap3A_182 = arith.constant 32 : index
      %swap3A_183 = tpu.vector_load %arg21[%swap3A_181, %swap3A_182] {strides = array<i32>} : memref<80x64xf32, #tpu.memory_space<vmem>>, vector<16xf32>,
      tpu.vector_store %arg21[%swap3A_181, %swap3A_182], %mul3A_180 {strides = array<i32>} : memref<80x64xf32, #tpu.memory_space<vmem>>, vector<16xf32>,
      %get3A_184 = arith.index_cast %add3A_158 : i32 to index
      %get3A_185 = arith.constant 48 : index
      %get3A_186 = tpu.vector_load %arg21[%get3A_184, %get3A_185] {strides = array<i32>} : memref<80x64xf32, #tpu.memory_space<vmem>>, vector<16xf32>,
      %mul3A_187 = arith.mulf %get3A_186, %gather3A_162 : vector<16xf32>
      %swap3A_188 = arith.index_cast %add3A_158 : i32 to index
      %swap3A_189 = arith.constant 48 : index
      %swap3A_190 = tpu.vector_load %arg21[%swap3A_188, %swap3A_189] {strides = array<i32>} : memref<80x64xf32, #tpu.memory_space<vmem>>, vector<16xf32>,
      tpu.vector_store %arg21[%swap3A_188, %swap3A_189], %mul3A_187 {strides = array<i32>} : memref<80x64xf32, #tpu.memory_space<vmem>>, vector<16xf32>,
      %mul3A_191 = arith.constant 4 : i32
      %mul3A_192 = arith.muli %scan3A_123, %mul3A_191 : i32
      %add3A_193 = arith.constant 2 : i32
      %add3A_194 = arith.addi %mul3A_192, %add3A_193 : i32
      %add3A_195 = arith.constant 9920 : i32
      %add3A_196 = arith.addi %add3A_195, %add3A_194 : i32
      %broadcast_in_dim3A_197 = vector.broadcast %add3A_196 : i32 to vector<16xi32>
      %gather3A_198 = tpu.vector_load_idx %arg18[%broadcast_in_dim3A_197] : memref<10000xf32, #tpu.memory_space<vmem>>[vector<16xi32>], vector<16xf32>,
      %get3A_199 = arith.index_cast %add3A_194 : i32 to index
      %get3A_200 = arith.constant 0 : index
      %get3A_201 = tpu.vector_load %arg21[%get3A_199, %get3A_200] {strides = array<i32>} : memref<80x64xf32, #tpu.memory_space<vmem>>, vector<16xf32>,
      %mul3A_202 = arith.mulf %get3A_201, %gather3A_198 : vector<16xf32>
      %swap3A_203 = arith.index_cast %add3A_194 : i32 to index
      %swap3A_204 = arith.constant 0 : index
      %swap3A_205 = tpu.vector_load %arg21[%swap3A_203, %swap3A_204] {strides = array<i32>} : memref<80x64xf32, #tpu.memory_space<vmem>>, vector<16xf32>,
      tpu.vector_store %arg21[%swap3A_203, %swap3A_204], %mul3A_202 {strides = array<i32>} : memref<80x64xf32, #tpu.memory_space<vmem>>, vector<16xf32>,
      %get3A_206 = arith.index_cast %add3A_194 : i32 to index
      %get3A_207 = arith.constant 16 : index
      %get3A_208 = tpu.vector_load %arg21[%get3A_206, %get3A_207] {strides = array<i32>} : memref<80x64xf32, #tpu.memory_space<vmem>>, vector<16xf32>,
      %mul3A_209 = arith.mulf %get3A_208, %gather3A_198 : vector<16xf32>
      %swap3A_210 = arith.index_cast %add3A_194 : i32 to index
      %swap3A_211 = arith.constant 16 : index
      %swap3A_212 = tpu.vector_load %arg21[%swap3A_210, %swap3A_211] {strides = array<i32>} : memref<80x64xf32, #tpu.memory_space<vmem>>, vector<16xf32>,
      tpu.vector_store %arg21[%swap3A_210, %swap3A_211], %mul3A_209 {strides = array<i32>} : memref<80x64xf32, #tpu.memory_space<vmem>>, vector<16xf32>,
      %get3A_213 = arith.index_cast %add3A_194 : i32 to index
      %get3A_214 = arith.constant 32 : index
      %get3A_215 = tpu.vector_load %arg21[%get3A_213, %get3A_214] {strides = array<i32>} : memref<80x64xf32, #tpu.memory_space<vmem>>, vector<16xf32>,
      %mul3A_216 = arith.mulf %get3A_215, %gather3A_198 : vector<16xf32>
      %swap3A_217 = arith.index_cast %add3A_194 : i32 to index
      %swap3A_218 = arith.constant 32 : index
      %swap3A_219 = tpu.vector_load %arg21[%swap3A_217, %swap3A_218] {strides = array<i32>} : memref<80x64xf32, #tpu.memory_space<vmem>>, vector<16xf32>,
      tpu.vector_store %arg21[%swap3A_217, %swap3A_218], %mul3A_216 {strides = array<i32>} : memref<80x64xf32, #tpu.memory_space<vmem>>, vector<16xf32>,
      %get3A_220 = arith.index_cast %add3A_194 : i32 to index
      %get3A_221 = arith.constant 48 : index
      %get3A_222 = tpu.vector_load %arg21[%get3A_220, %get3A_221] {strides = array<i32>} : memref<80x64xf32, #tpu.memory_space<vmem>>, vector<16xf32>,
      %mul3A_223 = arith.mulf %get3A_222, %gather3A_198 : vector<16xf32>
      %swap3A_224 = arith.index_cast %add3A_194 : i32 to index
      %swap3A_225 = arith.constant 48 : index
      %swap3A_226 = tpu.vector_load %arg21[%swap3A_224, %swap3A_225] {strides = array<i32>} : memref<80x64xf32, #tpu.memory_space<vmem>>, vector<16xf32>,
      tpu.vector_store %arg21[%swap3A_224, %swap3A_225], %mul3A_223 {strides = array<i32>} : memref<80x64xf32, #tpu.memory_space<vmem>>, vector<16xf32>,
      %mul3A_227 = arith.constant 4 : i32
      %mul3A_228 = arith.muli %scan3A_123, %mul3A_227 : i32
      %add3A_229 = arith.constant 3 : i32
      %add3A_230 = arith.addi %mul3A_228, %add3A_229 : i32
      %add3A_231 = arith.constant 9920 : i32
      %add3A_232 = arith.addi %add3A_231, %add3A_230 : i32
      %broadcast_in_dim3A_233 = vector.broadcast %add3A_232 : i32 to vector<16xi32>
      %gather3A_234 = tpu.vector_load_idx %arg18[%broadcast_in_dim3A_233] : memref<10000xf32, #tpu.memory_space<vmem>>[vector<16xi32>], vector<16xf32>,
      %get3A_235 = arith.index_cast %add3A_230 : i32 to index
      %get3A_236 = arith.constant 0 : index
      %get3A_237 = tpu.vector_load %arg21[%get3A_235, %get3A_236] {strides = array<i32>} : memref<80x64xf32, #tpu.memory_space<vmem>>, vector<16xf32>,
      %mul3A_238 = arith.mulf %get3A_237, %gather3A_234 : vector<16xf32>
      %swap3A_239 = arith.index_cast %add3A_230 : i32 to index
      %swap3A_240 = arith.constant 0 : index
      %swap3A_241 = tpu.vector_load %arg21[%swap3A_239, %swap3A_240] {strides = array<i32>} : memref<80x64xf32, #tpu.memory_space<vmem>>, vector<16xf32>,
      tpu.vector_store %arg21[%swap3A_239, %swap3A_240], %mul3A_238 {strides = array<i32>} : memref<80x64xf32, #tpu.memory_space<vmem>>, vector<16xf32>,
      %get3A_242 = arith.index_cast %add3A_230 : i32 to index
      %get3A_243 = arith.constant 16 : index
      %get3A_244 = tpu.vector_load %arg21[%get3A_242, %get3A_243] {strides = array<i32>} : memref<80x64xf32, #tpu.memory_space<vmem>>, vector<16xf32>,
      %mul3A_245 = arith.mulf %get3A_244, %gather3A_234 : vector<16xf32>
      %swap3A_246 = arith.index_cast %add3A_230 : i32 to index
      %swap3A_247 = arith.constant 16 : index
      %swap3A_248 = tpu.vector_load %arg21[%swap3A_246, %swap3A_247] {strides = array<i32>} : memref<80x64xf32, #tpu.memory_space<vmem>>, vector<16xf32>,
      tpu.vector_store %arg21[%swap3A_246, %swap3A_247], %mul3A_245 {strides = array<i32>} : memref<80x64xf32, #tpu.memory_space<vmem>>, vector<16xf32>,
      %get3A_249 = arith.index_cast %add3A_230 : i32 to index
      %get3A_250 = arith.constant 32 : index
      %get3A_251 = tpu.vector_load %arg21[%get3A_249, %get3A_250] {strides = array<i32>} : memref<80x64xf32, #tpu.memory_space<vmem>>, vector<16xf32>,
      %mul3A_252 = arith.mulf %get3A_251, %gather3A_234 : vector<16xf32>
      %swap3A_253 = arith.index_cast %add3A_230 : i32 to index
      %swap3A_254 = arith.constant 32 : index
      %swap3A_255 = tpu.vector_load %arg21[%swap3A_253, %swap3A_254] {strides = array<i32>} : memref<80x64xf32, #tpu.memory_space<vmem>>, vector<16xf32>,
      tpu.vector_store %arg21[%swap3A_253, %swap3A_254], %mul3A_252 {strides = array<i32>} : memref<80x64xf32, #tpu.memory_space<vmem>>, vector<16xf32>,
      %get3A_256 = arith.index_cast %add3A_230 : i32 to index
      %get3A_257 = arith.constant 48 : index
      %get3A_258 = tpu.vector_load %arg21[%get3A_256, %get3A_257] {strides = array<i32>} : memref<80x64xf32, #tpu.memory_space<vmem>>, vector<16xf32>,
      %mul3A_259 = arith.mulf %get3A_258, %gather3A_234 : vector<16xf32>
      %swap3A_260 = arith.index_cast %add3A_230 : i32 to index
      %swap3A_261 = arith.constant 48 : index
      %swap3A_262 = tpu.vector_load %arg21[%swap3A_260, %swap3A_261] {strides = array<i32>} : memref<80x64xf32, #tpu.memory_space<vmem>>, vector<16xf32>,
      tpu.vector_store %arg21[%swap3A_260, %swap3A_261], %mul3A_259 {strides = array<i32>} : memref<80x64xf32, #tpu.memory_space<vmem>>, vector<16xf32>,
    }
    %scan3A_29 = arith.constant 20 : i32
    %dma_wait3A_30 = arith.constant 123 : i32
    %dma_wait3A_31 = arith.constant 0 : i32
    %dma_wait3A_32 = tpu.memref_slice %arg14[%dma_wait3A_30, %dma_wait3A_31] : memref<125x80xi32, #tpu.memory_space<vmem>> -> memref<1x80xi32, #tpu.memory_space<vmem>>
    %dma_wait3A_33 = tpu.memref_squeeze %dma_wait3A_32 : memref<1x80xi32, #tpu.memory_space<vmem>> -> memref<80xi32, #tpu.memory_space<vmem>>
    %dma_wait3A_34 = arith.constant 0 : i32
    %dma_wait3A_35 = arith.constant 0 : i32
    %dma_wait3A_36 = tpu.memref_slice %arg24[%dma_wait3A_34, %dma_wait3A_35] : memref<10240x64xf32, #tpu.memory_space<vmem_shared>> -> memref<10240x64xf32, #tpu.memory_space<vmem_shared>>
    tpu.wait_indirect_dma semaphore(%arg28 : memref<!tpu.dma_semaphore, #tpu.memory_space<semaphore_mem>>) src(%arg22 : memref<80x64xf32, #tpu.memory_space<vmem>>) dst(%dma_wait3A_36 : memref<10240x64xf32, #tpu.memory_space<vmem_shared>>)
    %dma_wait3A_37 = arith.constant 123 : i32
    %dma_wait3A_38 = arith.constant 0 : i32
    %dma_wait3A_39 = tpu.memref_slice %arg14[%dma_wait3A_37, %dma_wait3A_38] : memref<125x80xi32, #tpu.memory_space<vmem>> -> memref<1x80xi32, #tpu.memory_space<vmem>>
    %dma_wait3A_40 = tpu.memref_squeeze %dma_wait3A_39 : memref<1x80xi32, #tpu.memory_space<vmem>> -> memref<80xi32, #tpu.memory_space<vmem>>
    %dma_wait3A_41 = arith.constant 0 : i32
    %dma_wait3A_42 = arith.constant 0 : i32
    %dma_wait3A_43 = tpu.memref_slice %arg25[%dma_wait3A_41, %dma_wait3A_42] : memref<10240x8xf32, #tpu.memory_space<vmem_shared>> -> memref<10240x8xf32, #tpu.memory_space<vmem_shared>>
    tpu.wait_indirect_dma semaphore(%arg29 : memref<!tpu.dma_semaphore, #tpu.memory_space<semaphore_mem>>) src(%arg23 : memref<80x8xf32, #tpu.memory_space<vmem>>) dst(%dma_wait3A_43 : memref<10240x8xf32, #tpu.memory_space<vmem_shared>>)
    %dma_start3A_44 = arith.constant 124 : i32
    %dma_start3A_45 = arith.constant 0 : i32
    %dma_start3A_46 = tpu.memref_slice %arg14[%dma_start3A_44, %dma_start3A_45] : memref<125x80xi32, #tpu.memory_space<vmem>> -> memref<1x80xi32, #tpu.memory_space<vmem>>
    %dma_start3A_47 = tpu.memref_squeeze %dma_start3A_46 : memref<1x80xi32, #tpu.memory_space<vmem>> -> memref<80xi32, #tpu.memory_space<vmem>>
    %dma_start3A_48 = arith.constant 0 : i32
    %dma_start3A_49 = arith.constant 0 : i32
    %dma_start3A_50 = tpu.memref_slice %arg24[%dma_start3A_48, %dma_start3A_49] : memref<10240x64xf32, #tpu.memory_space<vmem_shared>> -> memref<10240x64xf32, #tpu.memory_space<vmem_shared>>
    tpu.enqueue_indirect_dma source(%arg21 : memref<80x64xf32, #tpu.memory_space<vmem>>) target(%dma_start3A_50 : memref<10240x64xf32, #tpu.memory_space<vmem_shared>>) offsets(%dma_start3A_47 : memref<80xi32, #tpu.memory_space<vmem>>) semaphore(%arg28 : memref<!tpu.dma_semaphore, #tpu.memory_space<semaphore_mem>>) {add = true}
    %dma_start3A_51 = arith.constant 124 : i32
    %dma_start3A_52 = arith.constant 0 : i32
    %dma_start3A_53 = tpu.memref_slice %arg14[%dma_start3A_51, %dma_start3A_52] : memref<125x80xi32, #tpu.memory_space<vmem>> -> memref<1x80xi32, #tpu.memory_space<vmem>>
    %dma_start3A_54 = tpu.memref_squeeze %dma_start3A_53 : memref<1x80xi32, #tpu.memory_space<vmem>> -> memref<80xi32, #tpu.memory_space<vmem>>
    %dma_start3A_55 = arith.constant 0 : i32
    %dma_start3A_56 = arith.constant 0 : i32
    %dma_start3A_57 = tpu.memref_slice %arg25[%dma_start3A_55, %dma_start3A_56] : memref<10240x8xf32, #tpu.memory_space<vmem_shared>> -> memref<10240x8xf32, #tpu.memory_space<vmem_shared>>
    tpu.enqueue_indirect_dma source(%arg23 : memref<80x8xf32, #tpu.memory_space<vmem>>) target(%dma_start3A_57 : memref<10240x8xf32, #tpu.memory_space<vmem_shared>>) offsets(%dma_start3A_54 : memref<80xi32, #tpu.memory_space<vmem>>) semaphore(%arg29 : memref<!tpu.dma_semaphore, #tpu.memory_space<semaphore_mem>>) {add = true}
    %dma_wait3A_58 = arith.constant 124 : i32
    %dma_wait3A_59 = arith.constant 0 : i32
    %dma_wait3A_60 = tpu.memref_slice %arg14[%dma_wait3A_58, %dma_wait3A_59] : memref<125x80xi32, #tpu.memory_space<vmem>> -> memref<1x80xi32, #tpu.memory_space<vmem>>
    %dma_wait3A_61 = tpu.memref_squeeze %dma_wait3A_60 : memref<1x80xi32, #tpu.memory_space<vmem>> -> memref<80xi32, #tpu.memory_space<vmem>>
    %dma_wait3A_62 = arith.constant 0 : i32
    %dma_wait3A_63 = arith.constant 0 : i32
    %dma_wait3A_64 = tpu.memref_slice %arg24[%dma_wait3A_62, %dma_wait3A_63] : memref<10240x64xf32, #tpu.memory_space<vmem_shared>> -> memref<10240x64xf32, #tpu.memory_space<vmem_shared>>
    tpu.wait_indirect_dma semaphore(%arg28 : memref<!tpu.dma_semaphore, #tpu.memory_space<semaphore_mem>>) src(%arg21 : memref<80x64xf32, #tpu.memory_space<vmem>>) dst(%dma_wait3A_64 : memref<10240x64xf32, #tpu.memory_space<vmem_shared>>)
    %dma_wait3A_65 = arith.constant 124 : i32
    %dma_wait3A_66 = arith.constant 0 : i32
    %dma_wait3A_67 = tpu.memref_slice %arg14[%dma_wait3A_65, %dma_wait3A_66] : memref<125x80xi32, #tpu.memory_space<vmem>> -> memref<1x80xi32, #tpu.memory_space<vmem>>
    %dma_wait3A_68 = tpu.memref_squeeze %dma_wait3A_67 : memref<1x80xi32, #tpu.memory_space<vmem>> -> memref<80xi32, #tpu.memory_space<vmem>>
    %dma_wait3A_69 = arith.constant 0 : i32
    %dma_wait3A_70 = arith.constant 0 : i32
    %dma_wait3A_71 = tpu.memref_slice %arg25[%dma_wait3A_69, %dma_wait3A_70] : memref<10240x8xf32, #tpu.memory_space<vmem_shared>> -> memref<10240x8xf32, #tpu.memory_space<vmem_shared>>
    tpu.wait_indirect_dma semaphore(%arg29 : memref<!tpu.dma_semaphore, #tpu.memory_space<semaphore_mem>>) src(%arg23 : memref<80x8xf32, #tpu.memory_space<vmem>>) dst(%dma_wait3A_71 : memref<10240x8xf32, #tpu.memory_space<vmem_shared>>)
    %barrier3A_72 = arith.constant 0 : index
    tpu.barrier barrier_id(%barrier3A_72)
    %run_scoped3A = arith.constant 0 : i32
    "tpu.region"() ({
      %run_scoped3A_123 = tpu.sem_alloc : memref<!tpu.dma_semaphore, #tpu.memory_space<semaphore_mem>>
      %dma_start3A_124 = arith.constant 0 : i32
      %dma_start3A_125 = tpu.memref_slice %arg11[%arg0, %run_scoped3A, %mul3A_0, %dma_start3A_124] : memref<2x2x10240x64xf32, #tpu.memory_space<hbm>> -> memref<1x1x640x64xf32, #tpu.memory_space<hbm>>
      %dma_start3A_126 = tpu.memref_squeeze %dma_start3A_125 : memref<1x1x640x64xf32, #tpu.memory_space<hbm>> -> memref<640x64xf32, #tpu.memory_space<hbm>>
      %dma_start3A_127 = arith.constant 0 : i32
      %dma_start3A_128 = tpu.memref_slice %arg24[%mul3A_0, %dma_start3A_127] : memref<10240x64xf32, #tpu.memory_space<vmem_shared>> -> memref<640x64xf32, #tpu.memory_space<vmem_shared>>
      tpu.enqueue_dma source(%dma_start3A_128 : memref<640x64xf32, #tpu.memory_space<vmem_shared>>) target(%dma_start3A_126 : memref<640x64xf32, #tpu.memory_space<hbm>>) target_semaphore(%run_scoped3A_123 : memref<!tpu.dma_semaphore, #tpu.memory_space<semaphore_mem>>)
      %dma_wait3A_129 = arith.constant 0 : i32
      %dma_wait3A_130 = tpu.memref_slice %arg11[%arg0, %run_scoped3A, %mul3A_0, %dma_wait3A_129] : memref<2x2x10240x64xf32, #tpu.memory_space<hbm>> -> memref<1x1x640x64xf32, #tpu.memory_space<hbm>>
      %dma_wait3A_131 = tpu.memref_squeeze %dma_wait3A_130 : memref<1x1x640x64xf32, #tpu.memory_space<hbm>> -> memref<640x64xf32, #tpu.memory_space<hbm>>
      %dma_wait3A_132 = arith.constant 0 : i32
      %dma_wait3A_133 = tpu.memref_slice %arg24[%mul3A_0, %dma_wait3A_132] : memref<10240x64xf32, #tpu.memory_space<vmem_shared>> -> memref<640x64xf32, #tpu.memory_space<vmem_shared>>
      tpu.wait_dma2 semaphore(%run_scoped3A_123 : memref<!tpu.dma_semaphore, #tpu.memory_space<semaphore_mem>>) src(%dma_wait3A_133 : memref<640x64xf32, #tpu.memory_space<vmem_shared>>) dst(%dma_wait3A_131 : memref<640x64xf32, #tpu.memory_space<hbm>>)
      tpu.yield
    }) : () -> ()
    "tpu.region"() ({
      %run_scoped3A_123 = tpu.sem_alloc : memref<!tpu.dma_semaphore, #tpu.memory_space<semaphore_mem>>
      %dma_start3A_124 = arith.constant 0 : i32
      %dma_start3A_125 = tpu.memref_slice %arg12[%arg0, %mul3A_0, %dma_start3A_124] : memref<2x10240x8xf32, #tpu.memory_space<hbm>> -> memref<1x640x8xf32, #tpu.memory_space<hbm>>
      %dma_start3A_126 = tpu.memref_squeeze %dma_start3A_125 : memref<1x640x8xf32, #tpu.memory_space<hbm>> -> memref<640x8xf32, #tpu.memory_space<hbm>>
      %dma_start3A_127 = arith.constant 0 : i32
      %dma_start3A_128 = tpu.memref_slice %arg25[%mul3A_0, %dma_start3A_127] : memref<10240x8xf32, #tpu.memory_space<vmem_shared>> -> memref<640x8xf32, #tpu.memory_space<vmem_shared>>
      tpu.enqueue_dma source(%dma_start3A_128 : memref<640x8xf32, #tpu.memory_space<vmem_shared>>) target(%dma_start3A_126 : memref<640x8xf32, #tpu.memory_space<hbm>>) target_semaphore(%run_scoped3A_123 : memref<!tpu.dma_semaphore, #tpu.memory_space<semaphore_mem>>)
      %dma_wait3A_129 = arith.constant 0 : i32
      %dma_wait3A_130 = tpu.memref_slice %arg12[%arg0, %mul3A_0, %dma_wait3A_129] : memref<2x10240x8xf32, #tpu.memory_space<hbm>> -> memref<1x640x8xf32, #tpu.memory_space<hbm>>
      %dma_wait3A_131 = tpu.memref_squeeze %dma_wait3A_130 : memref<1x640x8xf32, #tpu.memory_space<hbm>> -> memref<640x8xf32, #tpu.memory_space<hbm>>
      %dma_wait3A_132 = arith.constant 0 : i32
      %dma_wait3A_133 = tpu.memref_slice %arg25[%mul3A_0, %dma_wait3A_132] : memref<10240x8xf32, #tpu.memory_space<vmem_shared>> -> memref<640x8xf32, #tpu.memory_space<vmem_shared>>
      tpu.wait_dma2 semaphore(%run_scoped3A_123 : memref<!tpu.dma_semaphore, #tpu.memory_space<semaphore_mem>>) src(%dma_wait3A_133 : memref<640x8xf32, #tpu.memory_space<vmem_shared>>) dst(%dma_wait3A_131 : memref<640x8xf32, #tpu.memory_space<hbm>>)
      tpu.yield
    }) : () -> ()
    "tpu.region"() ({
      %run_scoped3A_123 = tpu.sem_alloc : memref<!tpu.dma_semaphore, #tpu.memory_space<semaphore_mem>>
      %dma_start3A_124 = arith.constant 0 : i32
      %dma_start3A_125 = tpu.memref_slice %arg24[%mul3A_0, %dma_start3A_124] : memref<10240x64xf32, #tpu.memory_space<vmem_shared>> -> memref<640x64xf32, #tpu.memory_space<vmem_shared>>
      tpu.enqueue_dma source(%arg8 : memref<640x64xf32, #tpu.memory_space<hbm>>) target(%dma_start3A_125 : memref<640x64xf32, #tpu.memory_space<vmem_shared>>) target_semaphore(%run_scoped3A_123 : memref<!tpu.dma_semaphore, #tpu.memory_space<semaphore_mem>>)
      %dma_wait3A_126 = arith.constant 0 : i32
      %dma_wait3A_127 = tpu.memref_slice %arg24[%mul3A_0, %dma_wait3A_126] : memref<10240x64xf32, #tpu.memory_space<vmem_shared>> -> memref<640x64xf32, #tpu.memory_space<vmem_shared>>
      tpu.wait_dma2 semaphore(%run_scoped3A_123 : memref<!tpu.dma_semaphore, #tpu.memory_space<semaphore_mem>>) src(%arg8 : memref<640x64xf32, #tpu.memory_space<hbm>>) dst(%dma_wait3A_127 : memref<640x64xf32, #tpu.memory_space<vmem_shared>>)
      tpu.yield
    }) : () -> ()
    %barrier3A_73 = arith.constant 0 : index
    tpu.barrier barrier_id(%barrier3A_73)
    %dma_start3A_74 = arith.constant 0 : i32
    %dma_start3A_75 = arith.constant 0 : i32
    %dma_start3A_76 = tpu.memref_slice %arg20[%dma_start3A_74, %dma_start3A_75] : memref<125x80xi32, #tpu.memory_space<vmem>> -> memref<1x80xi32, #tpu.memory_space<vmem>>
    %dma_start3A_77 = tpu.memref_squeeze %dma_start3A_76 : memref<1x80xi32, #tpu.memory_space<vmem>> -> memref<80xi32, #tpu.memory_space<vmem>>
    %dma_start3A_78 = arith.constant 0 : i32
    %dma_start3A_79 = arith.constant 0 : i32
    %dma_start3A_80 = tpu.memref_slice %arg2[%dma_start3A_78, %dma_start3A_79] : memref<40000x64xf32, #tpu.memory_space<hbm>> -> memref<40000x64xf32, #tpu.memory_space<hbm>>
    tpu.enqueue_indirect_dma source(%dma_start3A_80 : memref<40000x64xf32, #tpu.memory_space<hbm>>) target(%arg21 : memref<80x64xf32, #tpu.memory_space<vmem>>) offsets(%dma_start3A_77 : memref<80xi32, #tpu.memory_space<vmem>>) semaphore(%arg26 : memref<!tpu.dma_semaphore, #tpu.memory_space<semaphore_mem>>)
    %scan3A_81 = arith.constant 0 : i32
    %scan3A_82 = arith.constant 0 : i32
    %scan3A_83 = arith.constant 62 : i32
    %scan3A_84 = arith.addi %scan3A_82, %scan3A_83 : i32
    %scan3A_85 = arith.constant 1 : i32
    scf.for %scan3A_123 = %scan3A_82 to %scan3A_84 step %scan3A_85  : i32 {
      %mul3A_124 = arith.constant 2 : i32
      %mul3A_125 = arith.muli %mul3A_124, %scan3A_123 : i32
      %mul3A_126 = arith.constant 2 : i32
      %mul3A_127 = arith.muli %mul3A_126, %scan3A_123 : i32
      %add3A = arith.constant 1 : i32
      %add3A_128 = arith.addi %mul3A_127, %add3A : i32
      %gt3A = arith.constant 0 : i32
      %gt3A_129 = arith.cmpi sgt, %scan3A_123, %gt3A : i32
      %convert_element_type3A = arith.extui %gt3A_129 : i1 to i32
      %cond3A = arith.constant 0 : i32
      %cond3A_130 = arith.cmpi ne, %convert_element_type3A, %cond3A : i32
      scf.if %cond3A_130 {
        %sub3A = arith.constant 2 : i32
        %sub3A_192 = arith.subi %add3A_128, %sub3A : i32
        %dma_wait3A_193 = arith.constant 0 : i32
        %dma_wait3A_194 = tpu.memref_slice %arg14[%sub3A_192, %dma_wait3A_193] : memref<125x80xi32, #tpu.memory_space<vmem>> -> memref<1x80xi32, #tpu.memory_space<vmem>>
        %dma_wait3A_195 = tpu.memref_squeeze %dma_wait3A_194 : memref<1x80xi32, #tpu.memory_space<vmem>> -> memref<80xi32, #tpu.memory_space<vmem>>
        %dma_wait3A_196 = arith.constant 0 : i32
        %dma_wait3A_197 = arith.constant 0 : i32
        %dma_wait3A_198 = tpu.memref_slice %arg24[%dma_wait3A_196, %dma_wait3A_197] : memref<10240x64xf32, #tpu.memory_space<vmem_shared>> -> memref<10240x64xf32, #tpu.memory_space<vmem_shared>>
        tpu.wait_indirect_dma semaphore(%arg28 : memref<!tpu.dma_semaphore, #tpu.memory_space<semaphore_mem>>) src(%arg22 : memref<80x64xf32, #tpu.memory_space<vmem>>) dst(%dma_wait3A_198 : memref<10240x64xf32, #tpu.memory_space<vmem_shared>>)
      } else {
      }
      %dma_start3A_131 = arith.constant 0 : i32
      %dma_start3A_132 = tpu.memref_slice %arg20[%add3A_128, %dma_start3A_131] : memref<125x80xi32, #tpu.memory_space<vmem>> -> memref<1x80xi32, #tpu.memory_space<vmem>>
      %dma_start3A_133 = tpu.memref_squeeze %dma_start3A_132 : memref<1x80xi32, #tpu.memory_space<vmem>> -> memref<80xi32, #tpu.memory_space<vmem>>
      %dma_start3A_134 = arith.constant 0 : i32
      %dma_start3A_135 = arith.constant 0 : i32
      %dma_start3A_136 = tpu.memref_slice %arg2[%dma_start3A_134, %dma_start3A_135] : memref<40000x64xf32, #tpu.memory_space<hbm>> -> memref<40000x64xf32, #tpu.memory_space<hbm>>
      tpu.enqueue_indirect_dma source(%dma_start3A_136 : memref<40000x64xf32, #tpu.memory_space<hbm>>) target(%arg22 : memref<80x64xf32, #tpu.memory_space<vmem>>) offsets(%dma_start3A_133 : memref<80xi32, #tpu.memory_space<vmem>>) semaphore(%arg27 : memref<!tpu.dma_semaphore, #tpu.memory_space<semaphore_mem>>)
      %dma_wait3A_137 = arith.constant 0 : i32
      %dma_wait3A_138 = tpu.memref_slice %arg20[%mul3A_125, %dma_wait3A_137] : memref<125x80xi32, #tpu.memory_space<vmem>> -> memref<1x80xi32, #tpu.memory_space<vmem>>
      %dma_wait3A_139 = tpu.memref_squeeze %dma_wait3A_138 : memref<1x80xi32, #tpu.memory_space<vmem>> -> memref<80xi32, #tpu.memory_space<vmem>>
      %dma_wait3A_140 = arith.constant 0 : i32
      %dma_wait3A_141 = arith.constant 0 : i32
      %dma_wait3A_142 = tpu.memref_slice %arg2[%dma_wait3A_140, %dma_wait3A_141] : memref<40000x64xf32, #tpu.memory_space<hbm>> -> memref<40000x64xf32, #tpu.memory_space<hbm>>
      tpu.wait_indirect_dma semaphore(%arg26 : memref<!tpu.dma_semaphore, #tpu.memory_space<semaphore_mem>>) src(%dma_wait3A_142 : memref<40000x64xf32, #tpu.memory_space<hbm>>) dst(%arg21 : memref<80x64xf32, #tpu.memory_space<vmem>>)
      %mul3A_143 = arith.constant 80 : i32
      %mul3A_144 = arith.muli %mul3A_125, %mul3A_143 : i32
      %scan3A_145 = arith.constant 0 : i32
      %scan3A_146 = arith.constant 0 : i32
      %scan3A_147 = arith.constant 20 : i32
      %scan3A_148 = arith.addi %scan3A_146, %scan3A_147 : i32
      %scan3A_149 = arith.constant 1 : i32
      scf.for %scan3A_192 = %scan3A_146 to %scan3A_148 step %scan3A_149  : i32 {
        %mul3A_193 = arith.constant 4 : i32
        %mul3A_194 = arith.muli %scan3A_192, %mul3A_193 : i32
        %add3A_195 = arith.constant 0 : i32
        %add3A_196 = arith.addi %mul3A_194, %add3A_195 : i32
        %add3A_197 = arith.addi %mul3A_144, %add3A_196 : i32
        %broadcast_in_dim3A = vector.broadcast %add3A_197 : i32 to vector<16xi32>
        %gather3A = tpu.vector_load_idx %arg18[%broadcast_in_dim3A] : memref<10000xf32, #tpu.memory_space<vmem>>[vector<16xi32>], vector<16xf32>,
        %get3A = arith.index_cast %add3A_196 : i32 to index
        %get3A_198 = arith.constant 0 : index
        %get3A_199 = tpu.vector_load %arg21[%get3A, %get3A_198] {strides = array<i32>} : memref<80x64xf32, #tpu.memory_space<vmem>>, vector<16xf32>,
        %mul3A_200 = arith.mulf %get3A_199, %gather3A : vector<16xf32>
        %swap3A = arith.index_cast %add3A_196 : i32 to index
        %swap3A_201 = arith.constant 0 : index
        %swap3A_202 = tpu.vector_load %arg21[%swap3A, %swap3A_201] {strides = array<i32>} : memref<80x64xf32, #tpu.memory_space<vmem>>, vector<16xf32>,
        tpu.vector_store %arg21[%swap3A, %swap3A_201], %mul3A_200 {strides = array<i32>} : memref<80x64xf32, #tpu.memory_space<vmem>>, vector<16xf32>,
        %get3A_203 = arith.index_cast %add3A_196 : i32 to index
        %get3A_204 = arith.constant 16 : index
        %get3A_205 = tpu.vector_load %arg21[%get3A_203, %get3A_204] {strides = array<i32>} : memref<80x64xf32, #tpu.memory_space<vmem>>, vector<16xf32>,
        %mul3A_206 = arith.mulf %get3A_205, %gather3A : vector<16xf32>
        %swap3A_207 = arith.index_cast %add3A_196 : i32 to index
        %swap3A_208 = arith.constant 16 : index
        %swap3A_209 = tpu.vector_load %arg21[%swap3A_207, %swap3A_208] {strides = array<i32>} : memref<80x64xf32, #tpu.memory_space<vmem>>, vector<16xf32>,
        tpu.vector_store %arg21[%swap3A_207, %swap3A_208], %mul3A_206 {strides = array<i32>} : memref<80x64xf32, #tpu.memory_space<vmem>>, vector<16xf32>,
        %get3A_210 = arith.index_cast %add3A_196 : i32 to index
        %get3A_211 = arith.constant 32 : index
        %get3A_212 = tpu.vector_load %arg21[%get3A_210, %get3A_211] {strides = array<i32>} : memref<80x64xf32, #tpu.memory_space<vmem>>, vector<16xf32>,
        %mul3A_213 = arith.mulf %get3A_212, %gather3A : vector<16xf32>
        %swap3A_214 = arith.index_cast %add3A_196 : i32 to index
        %swap3A_215 = arith.constant 32 : index
        %swap3A_216 = tpu.vector_load %arg21[%swap3A_214, %swap3A_215] {strides = array<i32>} : memref<80x64xf32, #tpu.memory_space<vmem>>, vector<16xf32>,
        tpu.vector_store %arg21[%swap3A_214, %swap3A_215], %mul3A_213 {strides = array<i32>} : memref<80x64xf32, #tpu.memory_space<vmem>>, vector<16xf32>,
        %get3A_217 = arith.index_cast %add3A_196 : i32 to index
        %get3A_218 = arith.constant 48 : index
        %get3A_219 = tpu.vector_load %arg21[%get3A_217, %get3A_218] {strides = array<i32>} : memref<80x64xf32, #tpu.memory_space<vmem>>, vector<16xf32>,
        %mul3A_220 = arith.mulf %get3A_219, %gather3A : vector<16xf32>
        %swap3A_221 = arith.index_cast %add3A_196 : i32 to index
        %swap3A_222 = arith.constant 48 : index
        %swap3A_223 = tpu.vector_load %arg21[%swap3A_221, %swap3A_222] {strides = array<i32>} : memref<80x64xf32, #tpu.memory_space<vmem>>, vector<16xf32>,
        tpu.vector_store %arg21[%swap3A_221, %swap3A_222], %mul3A_220 {strides = array<i32>} : memref<80x64xf32, #tpu.memory_space<vmem>>, vector<16xf32>,
        %mul3A_224 = arith.constant 4 : i32
        %mul3A_225 = arith.muli %scan3A_192, %mul3A_224 : i32
        %add3A_226 = arith.constant 1 : i32
        %add3A_227 = arith.addi %mul3A_225, %add3A_226 : i32
        %add3A_228 = arith.addi %mul3A_144, %add3A_227 : i32
        %broadcast_in_dim3A_229 = vector.broadcast %add3A_228 : i32 to vector<16xi32>
        %gather3A_230 = tpu.vector_load_idx %arg18[%broadcast_in_dim3A_229] : memref<10000xf32, #tpu.memory_space<vmem>>[vector<16xi32>], vector<16xf32>,
        %get3A_231 = arith.index_cast %add3A_227 : i32 to index
        %get3A_232 = arith.constant 0 : index
        %get3A_233 = tpu.vector_load %arg21[%get3A_231, %get3A_232] {strides = array<i32>} : memref<80x64xf32, #tpu.memory_space<vmem>>, vector<16xf32>,
        %mul3A_234 = arith.mulf %get3A_233, %gather3A_230 : vector<16xf32>
        %swap3A_235 = arith.index_cast %add3A_227 : i32 to index
        %swap3A_236 = arith.constant 0 : index
        %swap3A_237 = tpu.vector_load %arg21[%swap3A_235, %swap3A_236] {strides = array<i32>} : memref<80x64xf32, #tpu.memory_space<vmem>>, vector<16xf32>,
        tpu.vector_store %arg21[%swap3A_235, %swap3A_236], %mul3A_234 {strides = array<i32>} : memref<80x64xf32, #tpu.memory_space<vmem>>, vector<16xf32>,
        %get3A_238 = arith.index_cast %add3A_227 : i32 to index
        %get3A_239 = arith.constant 16 : index
        %get3A_240 = tpu.vector_load %arg21[%get3A_238, %get3A_239] {strides = array<i32>} : memref<80x64xf32, #tpu.memory_space<vmem>>, vector<16xf32>,
        %mul3A_241 = arith.mulf %get3A_240, %gather3A_230 : vector<16xf32>
        %swap3A_242 = arith.index_cast %add3A_227 : i32 to index
        %swap3A_243 = arith.constant 16 : index
        %swap3A_244 = tpu.vector_load %arg21[%swap3A_242, %swap3A_243] {strides = array<i32>} : memref<80x64xf32, #tpu.memory_space<vmem>>, vector<16xf32>,
        tpu.vector_store %arg21[%swap3A_242, %swap3A_243], %mul3A_241 {strides = array<i32>} : memref<80x64xf32, #tpu.memory_space<vmem>>, vector<16xf32>,
        %get3A_245 = arith.index_cast %add3A_227 : i32 to index
        %get3A_246 = arith.constant 32 : index
        %get3A_247 = tpu.vector_load %arg21[%get3A_245, %get3A_246] {strides = array<i32>} : memref<80x64xf32, #tpu.memory_space<vmem>>, vector<16xf32>,
        %mul3A_248 = arith.mulf %get3A_247, %gather3A_230 : vector<16xf32>
        %swap3A_249 = arith.index_cast %add3A_227 : i32 to index
        %swap3A_250 = arith.constant 32 : index
        %swap3A_251 = tpu.vector_load %arg21[%swap3A_249, %swap3A_250] {strides = array<i32>} : memref<80x64xf32, #tpu.memory_space<vmem>>, vector<16xf32>,
        tpu.vector_store %arg21[%swap3A_249, %swap3A_250], %mul3A_248 {strides = array<i32>} : memref<80x64xf32, #tpu.memory_space<vmem>>, vector<16xf32>,
        %get3A_252 = arith.index_cast %add3A_227 : i32 to index
        %get3A_253 = arith.constant 48 : index
        %get3A_254 = tpu.vector_load %arg21[%get3A_252, %get3A_253] {strides = array<i32>} : memref<80x64xf32, #tpu.memory_space<vmem>>, vector<16xf32>,
        %mul3A_255 = arith.mulf %get3A_254, %gather3A_230 : vector<16xf32>
        %swap3A_256 = arith.index_cast %add3A_227 : i32 to index
        %swap3A_257 = arith.constant 48 : index
        %swap3A_258 = tpu.vector_load %arg21[%swap3A_256, %swap3A_257] {strides = array<i32>} : memref<80x64xf32, #tpu.memory_space<vmem>>, vector<16xf32>,
        tpu.vector_store %arg21[%swap3A_256, %swap3A_257], %mul3A_255 {strides = array<i32>} : memref<80x64xf32, #tpu.memory_space<vmem>>, vector<16xf32>,
        %mul3A_259 = arith.constant 4 : i32
        %mul3A_260 = arith.muli %scan3A_192, %mul3A_259 : i32
        %add3A_261 = arith.constant 2 : i32
        %add3A_262 = arith.addi %mul3A_260, %add3A_261 : i32
        %add3A_263 = arith.addi %mul3A_144, %add3A_262 : i32
        %broadcast_in_dim3A_264 = vector.broadcast %add3A_263 : i32 to vector<16xi32>
        %gather3A_265 = tpu.vector_load_idx %arg18[%broadcast_in_dim3A_264] : memref<10000xf32, #tpu.memory_space<vmem>>[vector<16xi32>], vector<16xf32>,
        %get3A_266 = arith.index_cast %add3A_262 : i32 to index
        %get3A_267 = arith.constant 0 : index
        %get3A_268 = tpu.vector_load %arg21[%get3A_266, %get3A_267] {strides = array<i32>} : memref<80x64xf32, #tpu.memory_space<vmem>>, vector<16xf32>,
        %mul3A_269 = arith.mulf %get3A_268, %gather3A_265 : vector<16xf32>
        %swap3A_270 = arith.index_cast %add3A_262 : i32 to index
        %swap3A_271 = arith.constant 0 : index
        %swap3A_272 = tpu.vector_load %arg21[%swap3A_270, %swap3A_271] {strides = array<i32>} : memref<80x64xf32, #tpu.memory_space<vmem>>, vector<16xf32>,
        tpu.vector_store %arg21[%swap3A_270, %swap3A_271], %mul3A_269 {strides = array<i32>} : memref<80x64xf32, #tpu.memory_space<vmem>>, vector<16xf32>,
        %get3A_273 = arith.index_cast %add3A_262 : i32 to index
        %get3A_274 = arith.constant 16 : index
        %get3A_275 = tpu.vector_load %arg21[%get3A_273, %get3A_274] {strides = array<i32>} : memref<80x64xf32, #tpu.memory_space<vmem>>, vector<16xf32>,
        %mul3A_276 = arith.mulf %get3A_275, %gather3A_265 : vector<16xf32>
        %swap3A_277 = arith.index_cast %add3A_262 : i32 to index
        %swap3A_278 = arith.constant 16 : index
        %swap3A_279 = tpu.vector_load %arg21[%swap3A_277, %swap3A_278] {strides = array<i32>} : memref<80x64xf32, #tpu.memory_space<vmem>>, vector<16xf32>,
        tpu.vector_store %arg21[%swap3A_277, %swap3A_278], %mul3A_276 {strides = array<i32>} : memref<80x64xf32, #tpu.memory_space<vmem>>, vector<16xf32>,
        %get3A_280 = arith.index_cast %add3A_262 : i32 to index
        %get3A_281 = arith.constant 32 : index
        %get3A_282 = tpu.vector_load %arg21[%get3A_280, %get3A_281] {strides = array<i32>} : memref<80x64xf32, #tpu.memory_space<vmem>>, vector<16xf32>,
        %mul3A_283 = arith.mulf %get3A_282, %gather3A_265 : vector<16xf32>
        %swap3A_284 = arith.index_cast %add3A_262 : i32 to index
        %swap3A_285 = arith.constant 32 : index
        %swap3A_286 = tpu.vector_load %arg21[%swap3A_284, %swap3A_285] {strides = array<i32>} : memref<80x64xf32, #tpu.memory_space<vmem>>, vector<16xf32>,
        tpu.vector_store %arg21[%swap3A_284, %swap3A_285], %mul3A_283 {strides = array<i32>} : memref<80x64xf32, #tpu.memory_space<vmem>>, vector<16xf32>,
        %get3A_287 = arith.index_cast %add3A_262 : i32 to index
        %get3A_288 = arith.constant 48 : index
        %get3A_289 = tpu.vector_load %arg21[%get3A_287, %get3A_288] {strides = array<i32>} : memref<80x64xf32, #tpu.memory_space<vmem>>, vector<16xf32>,
        %mul3A_290 = arith.mulf %get3A_289, %gather3A_265 : vector<16xf32>
        %swap3A_291 = arith.index_cast %add3A_262 : i32 to index
        %swap3A_292 = arith.constant 48 : index
        %swap3A_293 = tpu.vector_load %arg21[%swap3A_291, %swap3A_292] {strides = array<i32>} : memref<80x64xf32, #tpu.memory_space<vmem>>, vector<16xf32>,
        tpu.vector_store %arg21[%swap3A_291, %swap3A_292], %mul3A_290 {strides = array<i32>} : memref<80x64xf32, #tpu.memory_space<vmem>>, vector<16xf32>,
        %mul3A_294 = arith.constant 4 : i32
        %mul3A_295 = arith.muli %scan3A_192, %mul3A_294 : i32
        %add3A_296 = arith.constant 3 : i32
        %add3A_297 = arith.addi %mul3A_295, %add3A_296 : i32
        %add3A_298 = arith.addi %mul3A_144, %add3A_297 : i32
        %broadcast_in_dim3A_299 = vector.broadcast %add3A_298 : i32 to vector<16xi32>
        %gather3A_300 = tpu.vector_load_idx %arg18[%broadcast_in_dim3A_299] : memref<10000xf32, #tpu.memory_space<vmem>>[vector<16xi32>], vector<16xf32>,
        %get3A_301 = arith.index_cast %add3A_297 : i32 to index
        %get3A_302 = arith.constant 0 : index
        %get3A_303 = tpu.vector_load %arg21[%get3A_301, %get3A_302] {strides = array<i32>} : memref<80x64xf32, #tpu.memory_space<vmem>>, vector<16xf32>,
        %mul3A_304 = arith.mulf %get3A_303, %gather3A_300 : vector<16xf32>
        %swap3A_305 = arith.index_cast %add3A_297 : i32 to index
        %swap3A_306 = arith.constant 0 : index
        %swap3A_307 = tpu.vector_load %arg21[%swap3A_305, %swap3A_306] {strides = array<i32>} : memref<80x64xf32, #tpu.memory_space<vmem>>, vector<16xf32>,
        tpu.vector_store %arg21[%swap3A_305, %swap3A_306], %mul3A_304 {strides = array<i32>} : memref<80x64xf32, #tpu.memory_space<vmem>>, vector<16xf32>,
        %get3A_308 = arith.index_cast %add3A_297 : i32 to index
        %get3A_309 = arith.constant 16 : index
        %get3A_310 = tpu.vector_load %arg21[%get3A_308, %get3A_309] {strides = array<i32>} : memref<80x64xf32, #tpu.memory_space<vmem>>, vector<16xf32>,
        %mul3A_311 = arith.mulf %get3A_310, %gather3A_300 : vector<16xf32>
        %swap3A_312 = arith.index_cast %add3A_297 : i32 to index
        %swap3A_313 = arith.constant 16 : index
        %swap3A_314 = tpu.vector_load %arg21[%swap3A_312, %swap3A_313] {strides = array<i32>} : memref<80x64xf32, #tpu.memory_space<vmem>>, vector<16xf32>,
        tpu.vector_store %arg21[%swap3A_312, %swap3A_313], %mul3A_311 {strides = array<i32>} : memref<80x64xf32, #tpu.memory_space<vmem>>, vector<16xf32>,
        %get3A_315 = arith.index_cast %add3A_297 : i32 to index
        %get3A_316 = arith.constant 32 : index
        %get3A_317 = tpu.vector_load %arg21[%get3A_315, %get3A_316] {strides = array<i32>} : memref<80x64xf32, #tpu.memory_space<vmem>>, vector<16xf32>,
        %mul3A_318 = arith.mulf %get3A_317, %gather3A_300 : vector<16xf32>
        %swap3A_319 = arith.index_cast %add3A_297 : i32 to index
        %swap3A_320 = arith.constant 32 : index
        %swap3A_321 = tpu.vector_load %arg21[%swap3A_319, %swap3A_320] {strides = array<i32>} : memref<80x64xf32, #tpu.memory_space<vmem>>, vector<16xf32>,
        tpu.vector_store %arg21[%swap3A_319, %swap3A_320], %mul3A_318 {strides = array<i32>} : memref<80x64xf32, #tpu.memory_space<vmem>>, vector<16xf32>,
        %get3A_322 = arith.index_cast %add3A_297 : i32 to index
        %get3A_323 = arith.constant 48 : index
        %get3A_324 = tpu.vector_load %arg21[%get3A_322, %get3A_323] {strides = array<i32>} : memref<80x64xf32, #tpu.memory_space<vmem>>, vector<16xf32>,
        %mul3A_325 = arith.mulf %get3A_324, %gather3A_300 : vector<16xf32>
        %swap3A_326 = arith.index_cast %add3A_297 : i32 to index
        %swap3A_327 = arith.constant 48 : index
        %swap3A_328 = tpu.vector_load %arg21[%swap3A_326, %swap3A_327] {strides = array<i32>} : memref<80x64xf32, #tpu.memory_space<vmem>>, vector<16xf32>,
        tpu.vector_store %arg21[%swap3A_326, %swap3A_327], %mul3A_325 {strides = array<i32>} : memref<80x64xf32, #tpu.memory_space<vmem>>, vector<16xf32>,
      }
      %scan3A_150 = arith.constant 20 : i32
      %dma_start3A_151 = arith.constant 0 : i32
      %dma_start3A_152 = tpu.memref_slice %arg14[%mul3A_125, %dma_start3A_151] : memref<125x80xi32, #tpu.memory_space<vmem>> -> memref<1x80xi32, #tpu.memory_space<vmem>>
      %dma_start3A_153 = tpu.memref_squeeze %dma_start3A_152 : memref<1x80xi32, #tpu.memory_space<vmem>> -> memref<80xi32, #tpu.memory_space<vmem>>
      %dma_start3A_154 = arith.constant 0 : i32
      %dma_start3A_155 = arith.constant 0 : i32
      %dma_start3A_156 = tpu.memref_slice %arg24[%dma_start3A_154, %dma_start3A_155] : memref<10240x64xf32, #tpu.memory_space<vmem_shared>> -> memref<10240x64xf32, #tpu.memory_space<vmem_shared>>
      tpu.enqueue_indirect_dma source(%arg21 : memref<80x64xf32, #tpu.memory_space<vmem>>) target(%dma_start3A_156 : memref<10240x64xf32, #tpu.memory_space<vmem_shared>>) offsets(%dma_start3A_153 : memref<80xi32, #tpu.memory_space<vmem>>) semaphore(%arg28 : memref<!tpu.dma_semaphore, #tpu.memory_space<semaphore_mem>>) {add = true}
      %dma_wait3A_157 = arith.constant 0 : i32
      %dma_wait3A_158 = tpu.memref_slice %arg20[%add3A_128, %dma_wait3A_157] : memref<125x80xi32, #tpu.memory_space<vmem>> -> memref<1x80xi32, #tpu.memory_space<vmem>>
      %dma_wait3A_159 = tpu.memref_squeeze %dma_wait3A_158 : memref<1x80xi32, #tpu.memory_space<vmem>> -> memref<80xi32, #tpu.memory_space<vmem>>
      %dma_wait3A_160 = arith.constant 0 : i32
      %dma_wait3A_161 = arith.constant 0 : i32
      %dma_wait3A_162 = tpu.memref_slice %arg2[%dma_wait3A_160, %dma_wait3A_161] : memref<40000x64xf32, #tpu.memory_space<hbm>> -> memref<40000x64xf32, #tpu.memory_space<hbm>>
      tpu.wait_indirect_dma semaphore(%arg27 : memref<!tpu.dma_semaphore, #tpu.memory_space<semaphore_mem>>) src(%dma_wait3A_162 : memref<40000x64xf32, #tpu.memory_space<hbm>>) dst(%arg22 : memref<80x64xf32, #tpu.memory_space<vmem>>)
      %mul3A_163 = arith.constant 80 : i32
      %mul3A_164 = arith.muli %add3A_128, %mul3A_163 : i32
      %scan3A_165 = arith.constant 0 : i32
      %scan3A_166 = arith.constant 0 : i32
      %scan3A_167 = arith.constant 20 : i32
      %scan3A_168 = arith.addi %scan3A_166, %scan3A_167 : i32
      %scan3A_169 = arith.constant 1 : i32
      scf.for %scan3A_192 = %scan3A_166 to %scan3A_168 step %scan3A_169  : i32 {
        %mul3A_193 = arith.constant 4 : i32
        %mul3A_194 = arith.muli %scan3A_192, %mul3A_193 : i32
        %add3A_195 = arith.constant 0 : i32
        %add3A_196 = arith.addi %mul3A_194, %add3A_195 : i32
        %add3A_197 = arith.addi %mul3A_164, %add3A_196 : i32
        %broadcast_in_dim3A = vector.broadcast %add3A_197 : i32 to vector<16xi32>
        %gather3A = tpu.vector_load_idx %arg18[%broadcast_in_dim3A] : memref<10000xf32, #tpu.memory_space<vmem>>[vector<16xi32>], vector<16xf32>,
        %get3A = arith.index_cast %add3A_196 : i32 to index
        %get3A_198 = arith.constant 0 : index
        %get3A_199 = tpu.vector_load %arg22[%get3A, %get3A_198] {strides = array<i32>} : memref<80x64xf32, #tpu.memory_space<vmem>>, vector<16xf32>,
        %mul3A_200 = arith.mulf %get3A_199, %gather3A : vector<16xf32>
        %swap3A = arith.index_cast %add3A_196 : i32 to index
        %swap3A_201 = arith.constant 0 : index
        %swap3A_202 = tpu.vector_load %arg22[%swap3A, %swap3A_201] {strides = array<i32>} : memref<80x64xf32, #tpu.memory_space<vmem>>, vector<16xf32>,
        tpu.vector_store %arg22[%swap3A, %swap3A_201], %mul3A_200 {strides = array<i32>} : memref<80x64xf32, #tpu.memory_space<vmem>>, vector<16xf32>,
        %get3A_203 = arith.index_cast %add3A_196 : i32 to index
        %get3A_204 = arith.constant 16 : index
        %get3A_205 = tpu.vector_load %arg22[%get3A_203, %get3A_204] {strides = array<i32>} : memref<80x64xf32, #tpu.memory_space<vmem>>, vector<16xf32>,
        %mul3A_206 = arith.mulf %get3A_205, %gather3A : vector<16xf32>
        %swap3A_207 = arith.index_cast %add3A_196 : i32 to index
        %swap3A_208 = arith.constant 16 : index
        %swap3A_209 = tpu.vector_load %arg22[%swap3A_207, %swap3A_208] {strides = array<i32>} : memref<80x64xf32, #tpu.memory_space<vmem>>, vector<16xf32>,
        tpu.vector_store %arg22[%swap3A_207, %swap3A_208], %mul3A_206 {strides = array<i32>} : memref<80x64xf32, #tpu.memory_space<vmem>>, vector<16xf32>,
        %get3A_210 = arith.index_cast %add3A_196 : i32 to index
        %get3A_211 = arith.constant 32 : index
        %get3A_212 = tpu.vector_load %arg22[%get3A_210, %get3A_211] {strides = array<i32>} : memref<80x64xf32, #tpu.memory_space<vmem>>, vector<16xf32>,
        %mul3A_213 = arith.mulf %get3A_212, %gather3A : vector<16xf32>
        %swap3A_214 = arith.index_cast %add3A_196 : i32 to index
        %swap3A_215 = arith.constant 32 : index
        %swap3A_216 = tpu.vector_load %arg22[%swap3A_214, %swap3A_215] {strides = array<i32>} : memref<80x64xf32, #tpu.memory_space<vmem>>, vector<16xf32>,
        tpu.vector_store %arg22[%swap3A_214, %swap3A_215], %mul3A_213 {strides = array<i32>} : memref<80x64xf32, #tpu.memory_space<vmem>>, vector<16xf32>,
        %get3A_217 = arith.index_cast %add3A_196 : i32 to index
        %get3A_218 = arith.constant 48 : index
        %get3A_219 = tpu.vector_load %arg22[%get3A_217, %get3A_218] {strides = array<i32>} : memref<80x64xf32, #tpu.memory_space<vmem>>, vector<16xf32>,
        %mul3A_220 = arith.mulf %get3A_219, %gather3A : vector<16xf32>
        %swap3A_221 = arith.index_cast %add3A_196 : i32 to index
        %swap3A_222 = arith.constant 48 : index
        %swap3A_223 = tpu.vector_load %arg22[%swap3A_221, %swap3A_222] {strides = array<i32>} : memref<80x64xf32, #tpu.memory_space<vmem>>, vector<16xf32>,
        tpu.vector_store %arg22[%swap3A_221, %swap3A_222], %mul3A_220 {strides = array<i32>} : memref<80x64xf32, #tpu.memory_space<vmem>>, vector<16xf32>,
        %mul3A_224 = arith.constant 4 : i32
        %mul3A_225 = arith.muli %scan3A_192, %mul3A_224 : i32
        %add3A_226 = arith.constant 1 : i32
        %add3A_227 = arith.addi %mul3A_225, %add3A_226 : i32
        %add3A_228 = arith.addi %mul3A_164, %add3A_227 : i32
        %broadcast_in_dim3A_229 = vector.broadcast %add3A_228 : i32 to vector<16xi32>
        %gather3A_230 = tpu.vector_load_idx %arg18[%broadcast_in_dim3A_229] : memref<10000xf32, #tpu.memory_space<vmem>>[vector<16xi32>], vector<16xf32>,
        %get3A_231 = arith.index_cast %add3A_227 : i32 to index
        %get3A_232 = arith.constant 0 : index
        %get3A_233 = tpu.vector_load %arg22[%get3A_231, %get3A_232] {strides = array<i32>} : memref<80x64xf32, #tpu.memory_space<vmem>>, vector<16xf32>,
        %mul3A_234 = arith.mulf %get3A_233, %gather3A_230 : vector<16xf32>
        %swap3A_235 = arith.index_cast %add3A_227 : i32 to index
        %swap3A_236 = arith.constant 0 : index
        %swap3A_237 = tpu.vector_load %arg22[%swap3A_235, %swap3A_236] {strides = array<i32>} : memref<80x64xf32, #tpu.memory_space<vmem>>, vector<16xf32>,
        tpu.vector_store %arg22[%swap3A_235, %swap3A_236], %mul3A_234 {strides = array<i32>} : memref<80x64xf32, #tpu.memory_space<vmem>>, vector<16xf32>,
        %get3A_238 = arith.index_cast %add3A_227 : i32 to index
        %get3A_239 = arith.constant 16 : index
        %get3A_240 = tpu.vector_load %arg22[%get3A_238, %get3A_239] {strides = array<i32>} : memref<80x64xf32, #tpu.memory_space<vmem>>, vector<16xf32>,
        %mul3A_241 = arith.mulf %get3A_240, %gather3A_230 : vector<16xf32>
        %swap3A_242 = arith.index_cast %add3A_227 : i32 to index
        %swap3A_243 = arith.constant 16 : index
        %swap3A_244 = tpu.vector_load %arg22[%swap3A_242, %swap3A_243] {strides = array<i32>} : memref<80x64xf32, #tpu.memory_space<vmem>>, vector<16xf32>,
        tpu.vector_store %arg22[%swap3A_242, %swap3A_243], %mul3A_241 {strides = array<i32>} : memref<80x64xf32, #tpu.memory_space<vmem>>, vector<16xf32>,
        %get3A_245 = arith.index_cast %add3A_227 : i32 to index
        %get3A_246 = arith.constant 32 : index
        %get3A_247 = tpu.vector_load %arg22[%get3A_245, %get3A_246] {strides = array<i32>} : memref<80x64xf32, #tpu.memory_space<vmem>>, vector<16xf32>,
        %mul3A_248 = arith.mulf %get3A_247, %gather3A_230 : vector<16xf32>
        %swap3A_249 = arith.index_cast %add3A_227 : i32 to index
        %swap3A_250 = arith.constant 32 : index
        %swap3A_251 = tpu.vector_load %arg22[%swap3A_249, %swap3A_250] {strides = array<i32>} : memref<80x64xf32, #tpu.memory_space<vmem>>, vector<16xf32>,
        tpu.vector_store %arg22[%swap3A_249, %swap3A_250], %mul3A_248 {strides = array<i32>} : memref<80x64xf32, #tpu.memory_space<vmem>>, vector<16xf32>,
        %get3A_252 = arith.index_cast %add3A_227 : i32 to index
        %get3A_253 = arith.constant 48 : index
        %get3A_254 = tpu.vector_load %arg22[%get3A_252, %get3A_253] {strides = array<i32>} : memref<80x64xf32, #tpu.memory_space<vmem>>, vector<16xf32>,
        %mul3A_255 = arith.mulf %get3A_254, %gather3A_230 : vector<16xf32>
        %swap3A_256 = arith.index_cast %add3A_227 : i32 to index
        %swap3A_257 = arith.constant 48 : index
        %swap3A_258 = tpu.vector_load %arg22[%swap3A_256, %swap3A_257] {strides = array<i32>} : memref<80x64xf32, #tpu.memory_space<vmem>>, vector<16xf32>,
        tpu.vector_store %arg22[%swap3A_256, %swap3A_257], %mul3A_255 {strides = array<i32>} : memref<80x64xf32, #tpu.memory_space<vmem>>, vector<16xf32>,
        %mul3A_259 = arith.constant 4 : i32
        %mul3A_260 = arith.muli %scan3A_192, %mul3A_259 : i32
        %add3A_261 = arith.constant 2 : i32
        %add3A_262 = arith.addi %mul3A_260, %add3A_261 : i32
        %add3A_263 = arith.addi %mul3A_164, %add3A_262 : i32
        %broadcast_in_dim3A_264 = vector.broadcast %add3A_263 : i32 to vector<16xi32>
        %gather3A_265 = tpu.vector_load_idx %arg18[%broadcast_in_dim3A_264] : memref<10000xf32, #tpu.memory_space<vmem>>[vector<16xi32>], vector<16xf32>,
        %get3A_266 = arith.index_cast %add3A_262 : i32 to index
        %get3A_267 = arith.constant 0 : index
        %get3A_268 = tpu.vector_load %arg22[%get3A_266, %get3A_267] {strides = array<i32>} : memref<80x64xf32, #tpu.memory_space<vmem>>, vector<16xf32>,
        %mul3A_269 = arith.mulf %get3A_268, %gather3A_265 : vector<16xf32>
        %swap3A_270 = arith.index_cast %add3A_262 : i32 to index
        %swap3A_271 = arith.constant 0 : index
        %swap3A_272 = tpu.vector_load %arg22[%swap3A_270, %swap3A_271] {strides = array<i32>} : memref<80x64xf32, #tpu.memory_space<vmem>>, vector<16xf32>,
        tpu.vector_store %arg22[%swap3A_270, %swap3A_271], %mul3A_269 {strides = array<i32>} : memref<80x64xf32, #tpu.memory_space<vmem>>, vector<16xf32>,
        %get3A_273 = arith.index_cast %add3A_262 : i32 to index
        %get3A_274 = arith.constant 16 : index
        %get3A_275 = tpu.vector_load %arg22[%get3A_273, %get3A_274] {strides = array<i32>} : memref<80x64xf32, #tpu.memory_space<vmem>>, vector<16xf32>,
        %mul3A_276 = arith.mulf %get3A_275, %gather3A_265 : vector<16xf32>
        %swap3A_277 = arith.index_cast %add3A_262 : i32 to index
        %swap3A_278 = arith.constant 16 : index
        %swap3A_279 = tpu.vector_load %arg22[%swap3A_277, %swap3A_278] {strides = array<i32>} : memref<80x64xf32, #tpu.memory_space<vmem>>, vector<16xf32>,
        tpu.vector_store %arg22[%swap3A_277, %swap3A_278], %mul3A_276 {strides = array<i32>} : memref<80x64xf32, #tpu.memory_space<vmem>>, vector<16xf32>,
        %get3A_280 = arith.index_cast %add3A_262 : i32 to index
        %get3A_281 = arith.constant 32 : index
        %get3A_282 = tpu.vector_load %arg22[%get3A_280, %get3A_281] {strides = array<i32>} : memref<80x64xf32, #tpu.memory_space<vmem>>, vector<16xf32>,
        %mul3A_283 = arith.mulf %get3A_282, %gather3A_265 : vector<16xf32>
        %swap3A_284 = arith.index_cast %add3A_262 : i32 to index
        %swap3A_285 = arith.constant 32 : index
        %swap3A_286 = tpu.vector_load %arg22[%swap3A_284, %swap3A_285] {strides = array<i32>} : memref<80x64xf32, #tpu.memory_space<vmem>>, vector<16xf32>,
        tpu.vector_store %arg22[%swap3A_284, %swap3A_285], %mul3A_283 {strides = array<i32>} : memref<80x64xf32, #tpu.memory_space<vmem>>, vector<16xf32>,
        %get3A_287 = arith.index_cast %add3A_262 : i32 to index
        %get3A_288 = arith.constant 48 : index
        %get3A_289 = tpu.vector_load %arg22[%get3A_287, %get3A_288] {strides = array<i32>} : memref<80x64xf32, #tpu.memory_space<vmem>>, vector<16xf32>,
        %mul3A_290 = arith.mulf %get3A_289, %gather3A_265 : vector<16xf32>
        %swap3A_291 = arith.index_cast %add3A_262 : i32 to index
        %swap3A_292 = arith.constant 48 : index
        %swap3A_293 = tpu.vector_load %arg22[%swap3A_291, %swap3A_292] {strides = array<i32>} : memref<80x64xf32, #tpu.memory_space<vmem>>, vector<16xf32>,
        tpu.vector_store %arg22[%swap3A_291, %swap3A_292], %mul3A_290 {strides = array<i32>} : memref<80x64xf32, #tpu.memory_space<vmem>>, vector<16xf32>,
        %mul3A_294 = arith.constant 4 : i32
        %mul3A_295 = arith.muli %scan3A_192, %mul3A_294 : i32
        %add3A_296 = arith.constant 3 : i32
        %add3A_297 = arith.addi %mul3A_295, %add3A_296 : i32
        %add3A_298 = arith.addi %mul3A_164, %add3A_297 : i32
        %broadcast_in_dim3A_299 = vector.broadcast %add3A_298 : i32 to vector<16xi32>
        %gather3A_300 = tpu.vector_load_idx %arg18[%broadcast_in_dim3A_299] : memref<10000xf32, #tpu.memory_space<vmem>>[vector<16xi32>], vector<16xf32>,
        %get3A_301 = arith.index_cast %add3A_297 : i32 to index
        %get3A_302 = arith.constant 0 : index
        %get3A_303 = tpu.vector_load %arg22[%get3A_301, %get3A_302] {strides = array<i32>} : memref<80x64xf32, #tpu.memory_space<vmem>>, vector<16xf32>,
        %mul3A_304 = arith.mulf %get3A_303, %gather3A_300 : vector<16xf32>
        %swap3A_305 = arith.index_cast %add3A_297 : i32 to index
        %swap3A_306 = arith.constant 0 : index
        %swap3A_307 = tpu.vector_load %arg22[%swap3A_305, %swap3A_306] {strides = array<i32>} : memref<80x64xf32, #tpu.memory_space<vmem>>, vector<16xf32>,
        tpu.vector_store %arg22[%swap3A_305, %swap3A_306], %mul3A_304 {strides = array<i32>} : memref<80x64xf32, #tpu.memory_space<vmem>>, vector<16xf32>,
        %get3A_308 = arith.index_cast %add3A_297 : i32 to index
        %get3A_309 = arith.constant 16 : index
        %get3A_310 = tpu.vector_load %arg22[%get3A_308, %get3A_309] {strides = array<i32>} : memref<80x64xf32, #tpu.memory_space<vmem>>, vector<16xf32>,
        %mul3A_311 = arith.mulf %get3A_310, %gather3A_300 : vector<16xf32>
        %swap3A_312 = arith.index_cast %add3A_297 : i32 to index
        %swap3A_313 = arith.constant 16 : index
        %swap3A_314 = tpu.vector_load %arg22[%swap3A_312, %swap3A_313] {strides = array<i32>} : memref<80x64xf32, #tpu.memory_space<vmem>>, vector<16xf32>,
        tpu.vector_store %arg22[%swap3A_312, %swap3A_313], %mul3A_311 {strides = array<i32>} : memref<80x64xf32, #tpu.memory_space<vmem>>, vector<16xf32>,
        %get3A_315 = arith.index_cast %add3A_297 : i32 to index
        %get3A_316 = arith.constant 32 : index
        %get3A_317 = tpu.vector_load %arg22[%get3A_315, %get3A_316] {strides = array<i32>} : memref<80x64xf32, #tpu.memory_space<vmem>>, vector<16xf32>,
        %mul3A_318 = arith.mulf %get3A_317, %gather3A_300 : vector<16xf32>
        %swap3A_319 = arith.index_cast %add3A_297 : i32 to index
        %swap3A_320 = arith.constant 32 : index
        %swap3A_321 = tpu.vector_load %arg22[%swap3A_319, %swap3A_320] {strides = array<i32>} : memref<80x64xf32, #tpu.memory_space<vmem>>, vector<16xf32>,
        tpu.vector_store %arg22[%swap3A_319, %swap3A_320], %mul3A_318 {strides = array<i32>} : memref<80x64xf32, #tpu.memory_space<vmem>>, vector<16xf32>,
        %get3A_322 = arith.index_cast %add3A_297 : i32 to index
        %get3A_323 = arith.constant 48 : index
        %get3A_324 = tpu.vector_load %arg22[%get3A_322, %get3A_323] {strides = array<i32>} : memref<80x64xf32, #tpu.memory_space<vmem>>, vector<16xf32>,
        %mul3A_325 = arith.mulf %get3A_324, %gather3A_300 : vector<16xf32>
        %swap3A_326 = arith.index_cast %add3A_297 : i32 to index
        %swap3A_327 = arith.constant 48 : index
        %swap3A_328 = tpu.vector_load %arg22[%swap3A_326, %swap3A_327] {strides = array<i32>} : memref<80x64xf32, #tpu.memory_space<vmem>>, vector<16xf32>,
        tpu.vector_store %arg22[%swap3A_326, %swap3A_327], %mul3A_325 {strides = array<i32>} : memref<80x64xf32, #tpu.memory_space<vmem>>, vector<16xf32>,
      }
      %scan3A_170 = arith.constant 20 : i32
      %dma_wait3A_171 = arith.constant 0 : i32
      %dma_wait3A_172 = tpu.memref_slice %arg14[%mul3A_125, %dma_wait3A_171] : memref<125x80xi32, #tpu.memory_space<vmem>> -> memref<1x80xi32, #tpu.memory_space<vmem>>
      %dma_wait3A_173 = tpu.memref_squeeze %dma_wait3A_172 : memref<1x80xi32, #tpu.memory_space<vmem>> -> memref<80xi32, #tpu.memory_space<vmem>>
      %dma_wait3A_174 = arith.constant 0 : i32
      %dma_wait3A_175 = arith.constant 0 : i32
      %dma_wait3A_176 = tpu.memref_slice %arg24[%dma_wait3A_174, %dma_wait3A_175] : memref<10240x64xf32, #tpu.memory_space<vmem_shared>> -> memref<10240x64xf32, #tpu.memory_space<vmem_shared>>
      tpu.wait_indirect_dma semaphore(%arg28 : memref<!tpu.dma_semaphore, #tpu.memory_space<semaphore_mem>>) src(%arg21 : memref<80x64xf32, #tpu.memory_space<vmem>>) dst(%dma_wait3A_176 : memref<10240x64xf32, #tpu.memory_space<vmem_shared>>)
      %add3A_177 = arith.constant 2 : i32
      %add3A_178 = arith.addi %mul3A_125, %add3A_177 : i32
      %min3A = arith.constant 124 : i32
      %min3A_179 = arith.minsi %add3A_178, %min3A : i32
      %dma_start3A_180 = arith.constant 0 : i32
      %dma_start3A_181 = tpu.memref_slice %arg20[%min3A_179, %dma_start3A_180] : memref<125x80xi32, #tpu.memory_space<vmem>> -> memref<1x80xi32, #tpu.memory_space<vmem>>
      %dma_start3A_182 = tpu.memref_squeeze %dma_start3A_181 : memref<1x80xi32, #tpu.memory_space<vmem>> -> memref<80xi32, #tpu.memory_space<vmem>>
      %dma_start3A_183 = arith.constant 0 : i32
      %dma_start3A_184 = arith.constant 0 : i32
      %dma_start3A_185 = tpu.memref_slice %arg2[%dma_start3A_183, %dma_start3A_184] : memref<40000x64xf32, #tpu.memory_space<hbm>> -> memref<40000x64xf32, #tpu.memory_space<hbm>>
      tpu.enqueue_indirect_dma source(%dma_start3A_185 : memref<40000x64xf32, #tpu.memory_space<hbm>>) target(%arg21 : memref<80x64xf32, #tpu.memory_space<vmem>>) offsets(%dma_start3A_182 : memref<80xi32, #tpu.memory_space<vmem>>) semaphore(%arg26 : memref<!tpu.dma_semaphore, #tpu.memory_space<semaphore_mem>>)
      %dma_start3A_186 = arith.constant 0 : i32
      %dma_start3A_187 = tpu.memref_slice %arg14[%add3A_128, %dma_start3A_186] : memref<125x80xi32, #tpu.memory_space<vmem>> -> memref<1x80xi32, #tpu.memory_space<vmem>>
      %dma_start3A_188 = tpu.memref_squeeze %dma_start3A_187 : memref<1x80xi32, #tpu.memory_space<vmem>> -> memref<80xi32, #tpu.memory_space<vmem>>
      %dma_start3A_189 = arith.constant 0 : i32
      %dma_start3A_190 = arith.constant 0 : i32
      %dma_start3A_191 = tpu.memref_slice %arg24[%dma_start3A_189, %dma_start3A_190] : memref<10240x64xf32, #tpu.memory_space<vmem_shared>> -> memref<10240x64xf32, #tpu.memory_space<vmem_shared>>
      tpu.enqueue_indirect_dma source(%arg22 : memref<80x64xf32, #tpu.memory_space<vmem>>) target(%dma_start3A_191 : memref<10240x64xf32, #tpu.memory_space<vmem_shared>>) offsets(%dma_start3A_188 : memref<80xi32, #tpu.memory_space<vmem>>) semaphore(%arg28 : memref<!tpu.dma_semaphore, #tpu.memory_space<semaphore_mem>>) {add = true}
    }
    %scan3A_86 = arith.constant 62 : i32
    %dma_wait3A_87 = arith.constant 124 : i32
    %dma_wait3A_88 = arith.constant 0 : i32
    %dma_wait3A_89 = tpu.memref_slice %arg20[%dma_wait3A_87, %dma_wait3A_88] : memref<125x80xi32, #tpu.memory_space<vmem>> -> memref<1x80xi32, #tpu.memory_space<vmem>>
    %dma_wait3A_90 = tpu.memref_squeeze %dma_wait3A_89 : memref<1x80xi32, #tpu.memory_space<vmem>> -> memref<80xi32, #tpu.memory_space<vmem>>
    %dma_wait3A_91 = arith.constant 0 : i32
    %dma_wait3A_92 = arith.constant 0 : i32
    %dma_wait3A_93 = tpu.memref_slice %arg2[%dma_wait3A_91, %dma_wait3A_92] : memref<40000x64xf32, #tpu.memory_space<hbm>> -> memref<40000x64xf32, #tpu.memory_space<hbm>>
    tpu.wait_indirect_dma semaphore(%arg26 : memref<!tpu.dma_semaphore, #tpu.memory_space<semaphore_mem>>) src(%dma_wait3A_93 : memref<40000x64xf32, #tpu.memory_space<hbm>>) dst(%arg21 : memref<80x64xf32, #tpu.memory_space<vmem>>)
    %scan3A_94 = arith.constant 0 : i32
    %scan3A_95 = arith.constant 0 : i32
    %scan3A_96 = arith.constant 20 : i32
    %scan3A_97 = arith.addi %scan3A_95, %scan3A_96 : i32
    %scan3A_98 = arith.constant 1 : i32
    scf.for %scan3A_123 = %scan3A_95 to %scan3A_97 step %scan3A_98  : i32 {
      %mul3A_124 = arith.constant 4 : i32
      %mul3A_125 = arith.muli %scan3A_123, %mul3A_124 : i32
      %add3A = arith.constant 0 : i32
      %add3A_126 = arith.addi %mul3A_125, %add3A : i32
      %add3A_127 = arith.constant 9920 : i32
      %add3A_128 = arith.addi %add3A_127, %add3A_126 : i32
      %broadcast_in_dim3A = vector.broadcast %add3A_128 : i32 to vector<16xi32>
      %gather3A = tpu.vector_load_idx %arg18[%broadcast_in_dim3A] : memref<10000xf32, #tpu.memory_space<vmem>>[vector<16xi32>], vector<16xf32>,
      %get3A = arith.index_cast %add3A_126 : i32 to index
      %get3A_129 = arith.constant 0 : index
      %get3A_130 = tpu.vector_load %arg21[%get3A, %get3A_129] {strides = array<i32>} : memref<80x64xf32, #tpu.memory_space<vmem>>, vector<16xf32>,
      %mul3A_131 = arith.mulf %get3A_130, %gather3A : vector<16xf32>
      %swap3A = arith.index_cast %add3A_126 : i32 to index
      %swap3A_132 = arith.constant 0 : index
      %swap3A_133 = tpu.vector_load %arg21[%swap3A, %swap3A_132] {strides = array<i32>} : memref<80x64xf32, #tpu.memory_space<vmem>>, vector<16xf32>,
      tpu.vector_store %arg21[%swap3A, %swap3A_132], %mul3A_131 {strides = array<i32>} : memref<80x64xf32, #tpu.memory_space<vmem>>, vector<16xf32>,
      %get3A_134 = arith.index_cast %add3A_126 : i32 to index
      %get3A_135 = arith.constant 16 : index
      %get3A_136 = tpu.vector_load %arg21[%get3A_134, %get3A_135] {strides = array<i32>} : memref<80x64xf32, #tpu.memory_space<vmem>>, vector<16xf32>,
      %mul3A_137 = arith.mulf %get3A_136, %gather3A : vector<16xf32>
      %swap3A_138 = arith.index_cast %add3A_126 : i32 to index
      %swap3A_139 = arith.constant 16 : index
      %swap3A_140 = tpu.vector_load %arg21[%swap3A_138, %swap3A_139] {strides = array<i32>} : memref<80x64xf32, #tpu.memory_space<vmem>>, vector<16xf32>,
      tpu.vector_store %arg21[%swap3A_138, %swap3A_139], %mul3A_137 {strides = array<i32>} : memref<80x64xf32, #tpu.memory_space<vmem>>, vector<16xf32>,
      %get3A_141 = arith.index_cast %add3A_126 : i32 to index
      %get3A_142 = arith.constant 32 : index
      %get3A_143 = tpu.vector_load %arg21[%get3A_141, %get3A_142] {strides = array<i32>} : memref<80x64xf32, #tpu.memory_space<vmem>>, vector<16xf32>,
      %mul3A_144 = arith.mulf %get3A_143, %gather3A : vector<16xf32>
      %swap3A_145 = arith.index_cast %add3A_126 : i32 to index
      %swap3A_146 = arith.constant 32 : index
      %swap3A_147 = tpu.vector_load %arg21[%swap3A_145, %swap3A_146] {strides = array<i32>} : memref<80x64xf32, #tpu.memory_space<vmem>>, vector<16xf32>,
      tpu.vector_store %arg21[%swap3A_145, %swap3A_146], %mul3A_144 {strides = array<i32>} : memref<80x64xf32, #tpu.memory_space<vmem>>, vector<16xf32>,
      %get3A_148 = arith.index_cast %add3A_126 : i32 to index
      %get3A_149 = arith.constant 48 : index
      %get3A_150 = tpu.vector_load %arg21[%get3A_148, %get3A_149] {strides = array<i32>} : memref<80x64xf32, #tpu.memory_space<vmem>>, vector<16xf32>,
      %mul3A_151 = arith.mulf %get3A_150, %gather3A : vector<16xf32>
      %swap3A_152 = arith.index_cast %add3A_126 : i32 to index
      %swap3A_153 = arith.constant 48 : index
      %swap3A_154 = tpu.vector_load %arg21[%swap3A_152, %swap3A_153] {strides = array<i32>} : memref<80x64xf32, #tpu.memory_space<vmem>>, vector<16xf32>,
      tpu.vector_store %arg21[%swap3A_152, %swap3A_153], %mul3A_151 {strides = array<i32>} : memref<80x64xf32, #tpu.memory_space<vmem>>, vector<16xf32>,
      %mul3A_155 = arith.constant 4 : i32
      %mul3A_156 = arith.muli %scan3A_123, %mul3A_155 : i32
      %add3A_157 = arith.constant 1 : i32
      %add3A_158 = arith.addi %mul3A_156, %add3A_157 : i32
      %add3A_159 = arith.constant 9920 : i32
      %add3A_160 = arith.addi %add3A_159, %add3A_158 : i32
      %broadcast_in_dim3A_161 = vector.broadcast %add3A_160 : i32 to vector<16xi32>
      %gather3A_162 = tpu.vector_load_idx %arg18[%broadcast_in_dim3A_161] : memref<10000xf32, #tpu.memory_space<vmem>>[vector<16xi32>], vector<16xf32>,
      %get3A_163 = arith.index_cast %add3A_158 : i32 to index
      %get3A_164 = arith.constant 0 : index
      %get3A_165 = tpu.vector_load %arg21[%get3A_163, %get3A_164] {strides = array<i32>} : memref<80x64xf32, #tpu.memory_space<vmem>>, vector<16xf32>,
      %mul3A_166 = arith.mulf %get3A_165, %gather3A_162 : vector<16xf32>
      %swap3A_167 = arith.index_cast %add3A_158 : i32 to index
      %swap3A_168 = arith.constant 0 : index
      %swap3A_169 = tpu.vector_load %arg21[%swap3A_167, %swap3A_168] {strides = array<i32>} : memref<80x64xf32, #tpu.memory_space<vmem>>, vector<16xf32>,
      tpu.vector_store %arg21[%swap3A_167, %swap3A_168], %mul3A_166 {strides = array<i32>} : memref<80x64xf32, #tpu.memory_space<vmem>>, vector<16xf32>,
      %get3A_170 = arith.index_cast %add3A_158 : i32 to index
      %get3A_171 = arith.constant 16 : index
      %get3A_172 = tpu.vector_load %arg21[%get3A_170, %get3A_171] {strides = array<i32>} : memref<80x64xf32, #tpu.memory_space<vmem>>, vector<16xf32>,
      %mul3A_173 = arith.mulf %get3A_172, %gather3A_162 : vector<16xf32>
      %swap3A_174 = arith.index_cast %add3A_158 : i32 to index
      %swap3A_175 = arith.constant 16 : index
      %swap3A_176 = tpu.vector_load %arg21[%swap3A_174, %swap3A_175] {strides = array<i32>} : memref<80x64xf32, #tpu.memory_space<vmem>>, vector<16xf32>,
      tpu.vector_store %arg21[%swap3A_174, %swap3A_175], %mul3A_173 {strides = array<i32>} : memref<80x64xf32, #tpu.memory_space<vmem>>, vector<16xf32>,
      %get3A_177 = arith.index_cast %add3A_158 : i32 to index
      %get3A_178 = arith.constant 32 : index
      %get3A_179 = tpu.vector_load %arg21[%get3A_177, %get3A_178] {strides = array<i32>} : memref<80x64xf32, #tpu.memory_space<vmem>>, vector<16xf32>,
      %mul3A_180 = arith.mulf %get3A_179, %gather3A_162 : vector<16xf32>
      %swap3A_181 = arith.index_cast %add3A_158 : i32 to index
      %swap3A_182 = arith.constant 32 : index
      %swap3A_183 = tpu.vector_load %arg21[%swap3A_181, %swap3A_182] {strides = array<i32>} : memref<80x64xf32, #tpu.memory_space<vmem>>, vector<16xf32>,
      tpu.vector_store %arg21[%swap3A_181, %swap3A_182], %mul3A_180 {strides = array<i32>} : memref<80x64xf32, #tpu.memory_space<vmem>>, vector<16xf32>,
      %get3A_184 = arith.index_cast %add3A_158 : i32 to index
      %get3A_185 = arith.constant 48 : index
      %get3A_186 = tpu.vector_load %arg21[%get3A_184, %get3A_185] {strides = array<i32>} : memref<80x64xf32, #tpu.memory_space<vmem>>, vector<16xf32>,
      %mul3A_187 = arith.mulf %get3A_186, %gather3A_162 : vector<16xf32>
      %swap3A_188 = arith.index_cast %add3A_158 : i32 to index
      %swap3A_189 = arith.constant 48 : index
      %swap3A_190 = tpu.vector_load %arg21[%swap3A_188, %swap3A_189] {strides = array<i32>} : memref<80x64xf32, #tpu.memory_space<vmem>>, vector<16xf32>,
      tpu.vector_store %arg21[%swap3A_188, %swap3A_189], %mul3A_187 {strides = array<i32>} : memref<80x64xf32, #tpu.memory_space<vmem>>, vector<16xf32>,
      %mul3A_191 = arith.constant 4 : i32
      %mul3A_192 = arith.muli %scan3A_123, %mul3A_191 : i32
      %add3A_193 = arith.constant 2 : i32
      %add3A_194 = arith.addi %mul3A_192, %add3A_193 : i32
      %add3A_195 = arith.constant 9920 : i32
      %add3A_196 = arith.addi %add3A_195, %add3A_194 : i32
      %broadcast_in_dim3A_197 = vector.broadcast %add3A_196 : i32 to vector<16xi32>
      %gather3A_198 = tpu.vector_load_idx %arg18[%broadcast_in_dim3A_197] : memref<10000xf32, #tpu.memory_space<vmem>>[vector<16xi32>], vector<16xf32>,
      %get3A_199 = arith.index_cast %add3A_194 : i32 to index
      %get3A_200 = arith.constant 0 : index
      %get3A_201 = tpu.vector_load %arg21[%get3A_199, %get3A_200] {strides = array<i32>} : memref<80x64xf32, #tpu.memory_space<vmem>>, vector<16xf32>,
      %mul3A_202 = arith.mulf %get3A_201, %gather3A_198 : vector<16xf32>
      %swap3A_203 = arith.index_cast %add3A_194 : i32 to index
      %swap3A_204 = arith.constant 0 : index
      %swap3A_205 = tpu.vector_load %arg21[%swap3A_203, %swap3A_204] {strides = array<i32>} : memref<80x64xf32, #tpu.memory_space<vmem>>, vector<16xf32>,
      tpu.vector_store %arg21[%swap3A_203, %swap3A_204], %mul3A_202 {strides = array<i32>} : memref<80x64xf32, #tpu.memory_space<vmem>>, vector<16xf32>,
      %get3A_206 = arith.index_cast %add3A_194 : i32 to index
      %get3A_207 = arith.constant 16 : index
      %get3A_208 = tpu.vector_load %arg21[%get3A_206, %get3A_207] {strides = array<i32>} : memref<80x64xf32, #tpu.memory_space<vmem>>, vector<16xf32>,
      %mul3A_209 = arith.mulf %get3A_208, %gather3A_198 : vector<16xf32>
      %swap3A_210 = arith.index_cast %add3A_194 : i32 to index
      %swap3A_211 = arith.constant 16 : index
      %swap3A_212 = tpu.vector_load %arg21[%swap3A_210, %swap3A_211] {strides = array<i32>} : memref<80x64xf32, #tpu.memory_space<vmem>>, vector<16xf32>,
      tpu.vector_store %arg21[%swap3A_210, %swap3A_211], %mul3A_209 {strides = array<i32>} : memref<80x64xf32, #tpu.memory_space<vmem>>, vector<16xf32>,
      %get3A_213 = arith.index_cast %add3A_194 : i32 to index
      %get3A_214 = arith.constant 32 : index
      %get3A_215 = tpu.vector_load %arg21[%get3A_213, %get3A_214] {strides = array<i32>} : memref<80x64xf32, #tpu.memory_space<vmem>>, vector<16xf32>,
      %mul3A_216 = arith.mulf %get3A_215, %gather3A_198 : vector<16xf32>
      %swap3A_217 = arith.index_cast %add3A_194 : i32 to index
      %swap3A_218 = arith.constant 32 : index
      %swap3A_219 = tpu.vector_load %arg21[%swap3A_217, %swap3A_218] {strides = array<i32>} : memref<80x64xf32, #tpu.memory_space<vmem>>, vector<16xf32>,
      tpu.vector_store %arg21[%swap3A_217, %swap3A_218], %mul3A_216 {strides = array<i32>} : memref<80x64xf32, #tpu.memory_space<vmem>>, vector<16xf32>,
      %get3A_220 = arith.index_cast %add3A_194 : i32 to index
      %get3A_221 = arith.constant 48 : index
      %get3A_222 = tpu.vector_load %arg21[%get3A_220, %get3A_221] {strides = array<i32>} : memref<80x64xf32, #tpu.memory_space<vmem>>, vector<16xf32>,
      %mul3A_223 = arith.mulf %get3A_222, %gather3A_198 : vector<16xf32>
      %swap3A_224 = arith.index_cast %add3A_194 : i32 to index
      %swap3A_225 = arith.constant 48 : index
      %swap3A_226 = tpu.vector_load %arg21[%swap3A_224, %swap3A_225] {strides = array<i32>} : memref<80x64xf32, #tpu.memory_space<vmem>>, vector<16xf32>,
      tpu.vector_store %arg21[%swap3A_224, %swap3A_225], %mul3A_223 {strides = array<i32>} : memref<80x64xf32, #tpu.memory_space<vmem>>, vector<16xf32>,
      %mul3A_227 = arith.constant 4 : i32
      %mul3A_228 = arith.muli %scan3A_123, %mul3A_227 : i32
      %add3A_229 = arith.constant 3 : i32
      %add3A_230 = arith.addi %mul3A_228, %add3A_229 : i32
      %add3A_231 = arith.constant 9920 : i32
      %add3A_232 = arith.addi %add3A_231, %add3A_230 : i32
      %broadcast_in_dim3A_233 = vector.broadcast %add3A_232 : i32 to vector<16xi32>
      %gather3A_234 = tpu.vector_load_idx %arg18[%broadcast_in_dim3A_233] : memref<10000xf32, #tpu.memory_space<vmem>>[vector<16xi32>], vector<16xf32>,
      %get3A_235 = arith.index_cast %add3A_230 : i32 to index
      %get3A_236 = arith.constant 0 : index
      %get3A_237 = tpu.vector_load %arg21[%get3A_235, %get3A_236] {strides = array<i32>} : memref<80x64xf32, #tpu.memory_space<vmem>>, vector<16xf32>,
      %mul3A_238 = arith.mulf %get3A_237, %gather3A_234 : vector<16xf32>
      %swap3A_239 = arith.index_cast %add3A_230 : i32 to index
      %swap3A_240 = arith.constant 0 : index
      %swap3A_241 = tpu.vector_load %arg21[%swap3A_239, %swap3A_240] {strides = array<i32>} : memref<80x64xf32, #tpu.memory_space<vmem>>, vector<16xf32>,
      tpu.vector_store %arg21[%swap3A_239, %swap3A_240], %mul3A_238 {strides = array<i32>} : memref<80x64xf32, #tpu.memory_space<vmem>>, vector<16xf32>,
      %get3A_242 = arith.index_cast %add3A_230 : i32 to index
      %get3A_243 = arith.constant 16 : index
      %get3A_244 = tpu.vector_load %arg21[%get3A_242, %get3A_243] {strides = array<i32>} : memref<80x64xf32, #tpu.memory_space<vmem>>, vector<16xf32>,
      %mul3A_245 = arith.mulf %get3A_244, %gather3A_234 : vector<16xf32>
      %swap3A_246 = arith.index_cast %add3A_230 : i32 to index
      %swap3A_247 = arith.constant 16 : index
      %swap3A_248 = tpu.vector_load %arg21[%swap3A_246, %swap3A_247] {strides = array<i32>} : memref<80x64xf32, #tpu.memory_space<vmem>>, vector<16xf32>,
      tpu.vector_store %arg21[%swap3A_246, %swap3A_247], %mul3A_245 {strides = array<i32>} : memref<80x64xf32, #tpu.memory_space<vmem>>, vector<16xf32>,
      %get3A_249 = arith.index_cast %add3A_230 : i32 to index
      %get3A_250 = arith.constant 32 : index
      %get3A_251 = tpu.vector_load %arg21[%get3A_249, %get3A_250] {strides = array<i32>} : memref<80x64xf32, #tpu.memory_space<vmem>>, vector<16xf32>,
      %mul3A_252 = arith.mulf %get3A_251, %gather3A_234 : vector<16xf32>
      %swap3A_253 = arith.index_cast %add3A_230 : i32 to index
      %swap3A_254 = arith.constant 32 : index
      %swap3A_255 = tpu.vector_load %arg21[%swap3A_253, %swap3A_254] {strides = array<i32>} : memref<80x64xf32, #tpu.memory_space<vmem>>, vector<16xf32>,
      tpu.vector_store %arg21[%swap3A_253, %swap3A_254], %mul3A_252 {strides = array<i32>} : memref<80x64xf32, #tpu.memory_space<vmem>>, vector<16xf32>,
      %get3A_256 = arith.index_cast %add3A_230 : i32 to index
      %get3A_257 = arith.constant 48 : index
      %get3A_258 = tpu.vector_load %arg21[%get3A_256, %get3A_257] {strides = array<i32>} : memref<80x64xf32, #tpu.memory_space<vmem>>, vector<16xf32>,
      %mul3A_259 = arith.mulf %get3A_258, %gather3A_234 : vector<16xf32>
      %swap3A_260 = arith.index_cast %add3A_230 : i32 to index
      %swap3A_261 = arith.constant 48 : index
      %swap3A_262 = tpu.vector_load %arg21[%swap3A_260, %swap3A_261] {strides = array<i32>} : memref<80x64xf32, #tpu.memory_space<vmem>>, vector<16xf32>,
      tpu.vector_store %arg21[%swap3A_260, %swap3A_261], %mul3A_259 {strides = array<i32>} : memref<80x64xf32, #tpu.memory_space<vmem>>, vector<16xf32>,
    }
    %scan3A_99 = arith.constant 20 : i32
    %dma_wait3A_100 = arith.constant 123 : i32
    %dma_wait3A_101 = arith.constant 0 : i32
    %dma_wait3A_102 = tpu.memref_slice %arg14[%dma_wait3A_100, %dma_wait3A_101] : memref<125x80xi32, #tpu.memory_space<vmem>> -> memref<1x80xi32, #tpu.memory_space<vmem>>
    %dma_wait3A_103 = tpu.memref_squeeze %dma_wait3A_102 : memref<1x80xi32, #tpu.memory_space<vmem>> -> memref<80xi32, #tpu.memory_space<vmem>>
    %dma_wait3A_104 = arith.constant 0 : i32
    %dma_wait3A_105 = arith.constant 0 : i32
    %dma_wait3A_106 = tpu.memref_slice %arg24[%dma_wait3A_104, %dma_wait3A_105] : memref<10240x64xf32, #tpu.memory_space<vmem_shared>> -> memref<10240x64xf32, #tpu.memory_space<vmem_shared>>
    tpu.wait_indirect_dma semaphore(%arg28 : memref<!tpu.dma_semaphore, #tpu.memory_space<semaphore_mem>>) src(%arg22 : memref<80x64xf32, #tpu.memory_space<vmem>>) dst(%dma_wait3A_106 : memref<10240x64xf32, #tpu.memory_space<vmem_shared>>)
    %dma_start3A_107 = arith.constant 124 : i32
    %dma_start3A_108 = arith.constant 0 : i32
    %dma_start3A_109 = tpu.memref_slice %arg14[%dma_start3A_107, %dma_start3A_108] : memref<125x80xi32, #tpu.memory_space<vmem>> -> memref<1x80xi32, #tpu.memory_space<vmem>>
    %dma_start3A_110 = tpu.memref_squeeze %dma_start3A_109 : memref<1x80xi32, #tpu.memory_space<vmem>> -> memref<80xi32, #tpu.memory_space<vmem>>
    %dma_start3A_111 = arith.constant 0 : i32
    %dma_start3A_112 = arith.constant 0 : i32
    %dma_start3A_113 = tpu.memref_slice %arg24[%dma_start3A_111, %dma_start3A_112] : memref<10240x64xf32, #tpu.memory_space<vmem_shared>> -> memref<10240x64xf32, #tpu.memory_space<vmem_shared>>
    tpu.enqueue_indirect_dma source(%arg21 : memref<80x64xf32, #tpu.memory_space<vmem>>) target(%dma_start3A_113 : memref<10240x64xf32, #tpu.memory_space<vmem_shared>>) offsets(%dma_start3A_110 : memref<80xi32, #tpu.memory_space<vmem>>) semaphore(%arg28 : memref<!tpu.dma_semaphore, #tpu.memory_space<semaphore_mem>>) {add = true}
    %dma_wait3A_114 = arith.constant 124 : i32
    %dma_wait3A_115 = arith.constant 0 : i32
    %dma_wait3A_116 = tpu.memref_slice %arg14[%dma_wait3A_114, %dma_wait3A_115] : memref<125x80xi32, #tpu.memory_space<vmem>> -> memref<1x80xi32, #tpu.memory_space<vmem>>
    %dma_wait3A_117 = tpu.memref_squeeze %dma_wait3A_116 : memref<1x80xi32, #tpu.memory_space<vmem>> -> memref<80xi32, #tpu.memory_space<vmem>>
    %dma_wait3A_118 = arith.constant 0 : i32
    %dma_wait3A_119 = arith.constant 0 : i32
    %dma_wait3A_120 = tpu.memref_slice %arg24[%dma_wait3A_118, %dma_wait3A_119] : memref<10240x64xf32, #tpu.memory_space<vmem_shared>> -> memref<10240x64xf32, #tpu.memory_space<vmem_shared>>
    tpu.wait_indirect_dma semaphore(%arg28 : memref<!tpu.dma_semaphore, #tpu.memory_space<semaphore_mem>>) src(%arg21 : memref<80x64xf32, #tpu.memory_space<vmem>>) dst(%dma_wait3A_120 : memref<10240x64xf32, #tpu.memory_space<vmem_shared>>)
    %barrier3A_121 = arith.constant 0 : index
    tpu.barrier barrier_id(%barrier3A_121)
    %run_scoped3A_122 = arith.constant 1 : i32
    "tpu.region"() ({
      %run_scoped3A_123 = tpu.sem_alloc : memref<!tpu.dma_semaphore, #tpu.memory_space<semaphore_mem>>
      %dma_start3A_124 = arith.constant 0 : i32
      %dma_start3A_125 = tpu.memref_slice %arg11[%arg0, %run_scoped3A_122, %mul3A_0, %dma_start3A_124] : memref<2x2x10240x64xf32, #tpu.memory_space<hbm>> -> memref<1x1x640x64xf32, #tpu.memory_space<hbm>>
      %dma_start3A_126 = tpu.memref_squeeze %dma_start3A_125 : memref<1x1x640x64xf32, #tpu.memory_space<hbm>> -> memref<640x64xf32, #tpu.memory_space<hbm>>
      %dma_start3A_127 = arith.constant 0 : i32
      %dma_start3A_128 = tpu.memref_slice %arg24[%mul3A_0, %dma_start3A_127] : memref<10240x64xf32, #tpu.memory_space<vmem_shared>> -> memref<640x64xf32, #tpu.memory_space<vmem_shared>>
      tpu.enqueue_dma source(%dma_start3A_128 : memref<640x64xf32, #tpu.memory_space<vmem_shared>>) target(%dma_start3A_126 : memref<640x64xf32, #tpu.memory_space<hbm>>) target_semaphore(%run_scoped3A_123 : memref<!tpu.dma_semaphore, #tpu.memory_space<semaphore_mem>>)
      %dma_wait3A_129 = arith.constant 0 : i32
      %dma_wait3A_130 = tpu.memref_slice %arg11[%arg0, %run_scoped3A_122, %mul3A_0, %dma_wait3A_129] : memref<2x2x10240x64xf32, #tpu.memory_space<hbm>> -> memref<1x1x640x64xf32, #tpu.memory_space<hbm>>
      %dma_wait3A_131 = tpu.memref_squeeze %dma_wait3A_130 : memref<1x1x640x64xf32, #tpu.memory_space<hbm>> -> memref<640x64xf32, #tpu.memory_space<hbm>>
      %dma_wait3A_132 = arith.constant 0 : i32
      %dma_wait3A_133 = tpu.memref_slice %arg24[%mul3A_0, %dma_wait3A_132] : memref<10240x64xf32, #tpu.memory_space<vmem_shared>> -> memref<640x64xf32, #tpu.memory_space<vmem_shared>>
      tpu.wait_dma2 semaphore(%run_scoped3A_123 : memref<!tpu.dma_semaphore, #tpu.memory_space<semaphore_mem>>) src(%dma_wait3A_133 : memref<640x64xf32, #tpu.memory_space<vmem_shared>>) dst(%dma_wait3A_131 : memref<640x64xf32, #tpu.memory_space<hbm>>)
      tpu.yield
    }) : () -> ()
    return
  }
}

module attributes {stable_mosaic.version = 14 : i64} {
  func.func @_tc_kernel(%arg0: i32, %arg1: memref<2x2x2000x64xf32, #tpu.memory_space<vmem>>, %arg2: memref<1x2000x8xf32, #tpu.memory_space<vmem>>, %arg3: memref<256x256xf32, #tpu.memory_space<vmem>>, %arg4: memref<1x256xf32, #tpu.memory_space<vmem>>, %arg5: memref<1x256xf32, #tpu.memory_space<vmem>>, %arg6: memref<1x256xf32, #tpu.memory_space<vmem>>, %arg7: memref<2000x256xf32, #tpu.memory_space<vmem>>) attributes {dimension_semantics = [#tpu.dimension_semantics<arbitrary>], iteration_bounds = array<i64: 5>, scalar_prefetch = 0 : i64, scratch_operands = 0 : i64, tpu.core_type = #tpu.core_type<tc>, window_params = [{transform_indices = @transform_0, window_bounds = array<i64: 2, 2, 2000, 64>}, {transform_indices = @transform_1, window_bounds = array<i64: 1, 2000, 8>}, {pipeline_mode = #tpu.pipeline_mode<synchronous>, transform_indices = @transform_2, window_bounds = array<i64: 256, 256>}, {pipeline_mode = #tpu.pipeline_mode<synchronous>, transform_indices = @transform_3, window_bounds = array<i64: 1, 256>}, {pipeline_mode = #tpu.pipeline_mode<synchronous>, transform_indices = @transform_4, window_bounds = array<i64: 1, 256>}, {pipeline_mode = #tpu.pipeline_mode<synchronous>, transform_indices = @transform_5, window_bounds = array<i64: 1, 256>}, {transform_indices = @transform_6, window_bounds = array<i64: 2000, 256>}]} {
    %get3A = arith.constant 0 : index
    %get3A_0 = arith.constant 0 : index
    %get3A_1 = arith.constant 0 : index
    %get3A_2 = arith.constant 0 : index
    %get3A_3 = vector.load %arg1[%get3A, %get3A_0, %get3A_1, %get3A_2] : memref<2x2x2000x64xf32, #tpu.memory_space<vmem>>, vector<1x1x2000x64xf32>
    %get3A_4 = vector.shape_cast %get3A_3 : vector<1x1x2000x64xf32> to vector<2000x64xf32>
    %get3A_5 = arith.constant 0 : index
    %get3A_6 = arith.constant 1 : index
    %get3A_7 = arith.constant 0 : index
    %get3A_8 = arith.constant 0 : index
    %get3A_9 = vector.load %arg1[%get3A_5, %get3A_6, %get3A_7, %get3A_8] : memref<2x2x2000x64xf32, #tpu.memory_space<vmem>>, vector<1x1x2000x64xf32>
    %get3A_10 = vector.shape_cast %get3A_9 : vector<1x1x2000x64xf32> to vector<2000x64xf32>
    %get3A_11 = arith.constant 1 : index
    %get3A_12 = arith.constant 0 : index
    %get3A_13 = arith.constant 0 : index
    %get3A_14 = arith.constant 0 : index
    %get3A_15 = vector.load %arg1[%get3A_11, %get3A_12, %get3A_13, %get3A_14] : memref<2x2x2000x64xf32, #tpu.memory_space<vmem>>, vector<1x1x2000x64xf32>
    %get3A_16 = vector.shape_cast %get3A_15 : vector<1x1x2000x64xf32> to vector<2000x64xf32>
    %get3A_17 = arith.constant 1 : index
    %get3A_18 = arith.constant 1 : index
    %get3A_19 = arith.constant 0 : index
    %get3A_20 = arith.constant 0 : index
    %get3A_21 = vector.load %arg1[%get3A_17, %get3A_18, %get3A_19, %get3A_20] : memref<2x2x2000x64xf32, #tpu.memory_space<vmem>>, vector<1x1x2000x64xf32>
    %get3A_22 = vector.shape_cast %get3A_21 : vector<1x1x2000x64xf32> to vector<2000x64xf32>
    %concatenate3A = tpu.concatenate %get3A_4, %get3A_10, %get3A_16, %get3A_22 in 1 : vector<2000x64xf32>, vector<2000x64xf32>, vector<2000x64xf32>, vector<2000x64xf32> -> vector<2000x256xf32>
    %get3A_23 = arith.constant 0 : index
    %get3A_24 = arith.constant 0 : index
    %get3A_25 = arith.constant 0 : index
    %get3A_26 = vector.load %arg2[%get3A_23, %get3A_24, %get3A_25] : memref<1x2000x8xf32, #tpu.memory_space<vmem>>, vector<1x2000x8xf32>
    %get3A_27 = vector.shape_cast %get3A_26 : vector<1x2000x8xf32> to vector<2000x8xf32>
    %slice3A = vector.extract_strided_slice %get3A_27 {offsets = [0, 0], sizes = [2000, 1], strides = [1, 1]} : vector<2000x8xf32> to vector<2000x1xf32>
    %gt3A = arith.constant 0.000000e+00 : f32
    %gt3A_28 = vector.broadcast %gt3A : f32 to vector<2000x1xf32>
    %gt3A_29 = arith.cmpf ogt, %slice3A, %gt3A_28 : vector<2000x1xf32>
    %max3A = arith.constant 1.000000e+00 : f32
    %max3A_30 = vector.broadcast %max3A : f32 to vector<2000x1xf32>
    %max3A_31 = arith.maximumf %slice3A, %max3A_30 : vector<2000x1xf32>
    %div3A = vector.broadcast %max3A_31 : vector<2000x1xf32> to vector<2000x256xf32>
    %div3A_32 = arith.divf %concatenate3A, %div3A : vector<2000x256xf32>
    %jit3A = arith.constant 0.000000e+00 : f32
    %broadcast_in_dim3A = vector.shape_cast %gt3A_29 : vector<2000x1xi1> to vector<2000x1xi1>
    %broadcast_in_dim3A_33 = vector.broadcast %broadcast_in_dim3A : vector<2000x1xi1> to vector<2000x256xi1>
    %broadcast_in_dim3A_34 = vector.broadcast %jit3A : f32 to vector<2000x256xf32>
    %select_n3A = arith.select %broadcast_in_dim3A_33, %div3A_32, %broadcast_in_dim3A_34 : vector<2000x256xi1>, vector<2000x256xf32>
    %get3A_35 = arith.constant 0 : index
    %get3A_36 = arith.constant 0 : index
    %get3A_37 = vector.load %arg3[%get3A_35, %get3A_36] : memref<256x256xf32, #tpu.memory_space<vmem>>, vector<256x256xf32>
    %dot_general3A = arith.constant dense<0.000000e+00> : vector<2000x256xf32>
    %dot_general3A_38 = tpu.matmul %select_n3A, %get3A_37, %dot_general3A {dimension_numbers = #tpu.dot_dimension_numbers<[1], [1], [0], [0], [0, 0, 1, 0], [], []>, transpose_lhs_hint = false} : vector<2000x256xf32>, vector<256x256xf32>, vector<2000x256xf32> -> vector<2000x256xf32>
    %get3A_39 = arith.constant 0 : index
    %get3A_40 = arith.constant 0 : index
    %get3A_41 = vector.load %arg4[%get3A_39, %get3A_40] : memref<1x256xf32, #tpu.memory_space<vmem>>, vector<1x256xf32>
    %add3A = vector.broadcast %get3A_41 : vector<1x256xf32> to vector<2000x256xf32>
    %add3A_42 = arith.addf %dot_general3A_38, %add3A : vector<2000x256xf32>
    %max3A_43 = arith.constant 0.000000e+00 : f32
    %max3A_44 = vector.broadcast %max3A_43 : f32 to vector<2000x256xf32>
    %max3A_45 = arith.maximumf %add3A_42, %max3A_44 : vector<2000x256xf32>
    %reduce_sum3A = arith.constant dense<0.000000e+00> : vector<2000xf32>
    %reduce_sum3A_46 = vector.multi_reduction <add>, %max3A_45, %reduce_sum3A [1] : vector<2000x256xf32> to vector<2000xf32>
    %broadcast_in_dim3A_47 = vector.shape_cast %reduce_sum3A_46 : vector<2000xf32> to vector<2000x1xf32>
    %div3A_48 = arith.constant 2.560000e+02 : f32
    %div3A_49 = vector.broadcast %div3A_48 : f32 to vector<2000x1xf32>
    %div3A_50 = arith.divf %broadcast_in_dim3A_47, %div3A_49 : vector<2000x1xf32>
    %sub3A = vector.broadcast %div3A_50 : vector<2000x1xf32> to vector<2000x256xf32>
    %sub3A_51 = arith.subf %max3A_45, %sub3A : vector<2000x256xf32>
    %integer_pow3A = arith.mulf %sub3A_51, %sub3A_51 : vector<2000x256xf32>
    %reduce_sum3A_52 = arith.constant dense<0.000000e+00> : vector<2000xf32>
    %reduce_sum3A_53 = vector.multi_reduction <add>, %integer_pow3A, %reduce_sum3A_52 [1] : vector<2000x256xf32> to vector<2000xf32>
    %broadcast_in_dim3A_54 = vector.shape_cast %reduce_sum3A_53 : vector<2000xf32> to vector<2000x1xf32>
    %div3A_55 = arith.constant 2.560000e+02 : f32
    %div3A_56 = vector.broadcast %div3A_55 : f32 to vector<2000x1xf32>
    %div3A_57 = arith.divf %broadcast_in_dim3A_54, %div3A_56 : vector<2000x1xf32>
    %sub3A_58 = vector.broadcast %div3A_50 : vector<2000x1xf32> to vector<2000x256xf32>
    %sub3A_59 = arith.subf %max3A_45, %sub3A_58 : vector<2000x256xf32>
    %add3A_60 = arith.constant 9.99999974E-6 : f32
    %add3A_61 = vector.broadcast %add3A_60 : f32 to vector<2000x1xf32>
    %add3A_62 = arith.addf %div3A_57, %add3A_61 : vector<2000x1xf32>
    %sqrt3A = math.sqrt %add3A_62 : vector<2000x1xf32>
    %div3A_63 = vector.broadcast %sqrt3A : vector<2000x1xf32> to vector<2000x256xf32>
    %div3A_64 = arith.divf %sub3A_59, %div3A_63 : vector<2000x256xf32>
    %get3A_65 = arith.constant 0 : index
    %get3A_66 = arith.constant 0 : index
    %get3A_67 = vector.load %arg5[%get3A_65, %get3A_66] : memref<1x256xf32, #tpu.memory_space<vmem>>, vector<1x256xf32>
    %mul3A = vector.broadcast %get3A_67 : vector<1x256xf32> to vector<2000x256xf32>
    %mul3A_68 = arith.mulf %div3A_64, %mul3A : vector<2000x256xf32>
    %get3A_69 = arith.constant 0 : index
    %get3A_70 = arith.constant 0 : index
    %get3A_71 = vector.load %arg6[%get3A_69, %get3A_70] : memref<1x256xf32, #tpu.memory_space<vmem>>, vector<1x256xf32>
    %add3A_72 = vector.broadcast %get3A_71 : vector<1x256xf32> to vector<2000x256xf32>
    %add3A_73 = arith.addf %mul3A_68, %add3A_72 : vector<2000x256xf32>
    %swap3A = arith.constant 0 : index
    %swap3A_74 = arith.constant 0 : index
    %swap3A_75 = vector.load %arg7[%swap3A, %swap3A_74] : memref<2000x256xf32, #tpu.memory_space<vmem>>, vector<2000x256xf32>
    tpu.vector_store %arg7[%swap3A, %swap3A_74], %add3A_73 {strides = array<i32>} : memref<2000x256xf32, #tpu.memory_space<vmem>>, vector<2000x256xf32>,
    return
  }
  func.func @transform_0(%arg0: i32) -> (i32, i32, i32, i32) {
    %c0_i32 = arith.constant 0 : i32
    %c0_i32_0 = arith.constant 0 : i32
    %c0_i32_1 = arith.constant 0 : i32
    %c0_i32_2 = arith.constant 0 : i32
    return %c0_i32, %c0_i32_0, %arg0, %c0_i32_1 : i32, i32, i32, i32
  }
  func.func @transform_1(%arg0: i32) -> (i32, i32, i32) {
    %c0_i32 = arith.constant 0 : i32
    %c0_i32_0 = arith.constant 0 : i32
    %c0_i32_1 = arith.constant 0 : i32
    return %c0_i32, %arg0, %c0_i32_0 : i32, i32, i32
  }
  func.func @transform_2(%arg0: i32) -> (i32, i32) {
    %c0_i32 = arith.constant 0 : i32
    %c0_i32_0 = arith.constant 0 : i32
    %c0_i32_1 = arith.constant 0 : i32
    return %c0_i32, %c0_i32_0 : i32, i32
  }
  func.func @transform_3(%arg0: i32) -> (i32, i32) {
    %c0_i32 = arith.constant 0 : i32
    %c0_i32_0 = arith.constant 0 : i32
    %c0_i32_1 = arith.constant 0 : i32
    return %c0_i32, %c0_i32_0 : i32, i32
  }
  func.func @transform_4(%arg0: i32) -> (i32, i32) {
    %c0_i32 = arith.constant 0 : i32
    %c0_i32_0 = arith.constant 0 : i32
    %c0_i32_1 = arith.constant 0 : i32
    return %c0_i32, %c0_i32_0 : i32, i32
  }
  func.func @transform_5(%arg0: i32) -> (i32, i32) {
    %c0_i32 = arith.constant 0 : i32
    %c0_i32_0 = arith.constant 0 : i32
    %c0_i32_1 = arith.constant 0 : i32
    return %c0_i32, %c0_i32_0 : i32, i32
  }
  func.func @transform_6(%arg0: i32) -> (i32, i32) {
    %c0_i32 = arith.constant 0 : i32
    %c0_i32_0 = arith.constant 0 : i32
    return %arg0, %c0_i32 : i32, i32
  }
}

</mosaic_0001>

<sc_bundles>
// kernel: kernel.4.cloned.1.call-start
scs
__scs_entry_jumppad:
0x0: {  	(pc) =	sbr.rel $0x88, $3  }
0x1: {  	(tag) =	ssettag $0x0;
	lr =	simm.s32 $0x1  }
0x2: {  	[smem:$0x3F98] =	sst lr;
	_ =	strace $0xD0000000  }
0x3: {  	_ = 	snop  }
0x4: {  	_ = 	snop  }
0x5: {  	_ = 	snop  }
0x6: {  	_ = 	snop  }
0x7: {  	_ = 	snop  }
__scs_overlays_trampoline_lowered:
0x8: {  	[smem:$0x3FA7] =	sst s0  }
0x9: {  	[smem:$0x3FA8] =	sst s1  }
0xa: {  	[smem:$0x3FA9] =	sst s2  }
0xb: {  	[smem:$0x3FAA] =	sst s3  }
0xc: {  	[smem:$0x3FAB] =	sst s4  }
0xd: {  	[smem:$0x3FAC] =	sst s5  }
0xe: {  	[smem:$0x3FAD] =	sst s6  }
0xf: {  	[smem:$0x3FAE] =	sst s7  }
0x10: {  	[smem:$0x3FAF] =	sst s8  }
0x11: {  	[smem:$0x3FB0] =	sst s9;
	s0 =	simm.s32 @!p0 $0x0  }
0x12: {  	s1 =	sld [smem:$0x3F96];
	s0 =	simm.s32 @p0 $0x1  }
0x13: {  	[smem:$0x3FB1] =	sst s0;
	s0 =	simm.s32 @!p1 $0x0  }
0x14: {  	s2 =	sld [smem:$0x3F95];
	s0 =	simm.s32 @p1 $0x1  }
0x15: {  	[smem:$0x3FB2] =	sst s0;
	s0 =	simm.s32 @!p2 $0x0  }
0x16: {  	s3 =	sld [smem:$0x3FDB];
	s0 =	simm.s32 @p2 $0x1  }
0x17: {  	s4 =	simm.s32 $0x1BF5;
	[smem:$0x3FB4] =	sst s0  }
0x18: {  	s0 =	sld [smem:$0x3F97];
	_ =	swait.ge [sflag:s4], $0x0  }
0x19: {  	s7 =	sld [smem:$0x3F98]  }
0x1a: {  	s8 =	sadd.s32 $0xFFFFE003, lr  }
0x1b: {  	s9 =	sadd.s32 $0xFFFFFEF7, lr;
	s5 =	simm.s32 $0xFFFFFFFF;
	p2 =	slt.u32 s8, $0xFFFFF086  }
0x1c: {  	p1 =	slt.u32 s9, $0xF7A;
	s5 =	simm.s32 @!p2 $0x0  }
0x1d: {  	s5 =	simm.s32 @p1 $0x1;
	p0 =	seq.s32 s7, s2  }
0x1e: {  	s7 =	smul.u32 @!p0 $0xF7A, s2;
	p2 =	seq.s32 @!p0 s5, $0x0  }
0x1f: {  	s9 =	smul.u32 $0xF7A, s1;
	s8 =	simm.s32 @!p0 $0x1BF5;
	p2 =	por !p2, p0  }
0x20: {  	[sflag:s8] =	ssyncset.s32 @!p0 $0xFFFFF086;
	s6 =	sadd.s32 @!p0 s3, s7;
	s7 =	simm.s32 @!p0 $0x108  }
0x21: {  	s3 =	sadd.s32 s3, s9;
	s6 =	sadd.s32 @!p0 $0x88, s6;
	s7 =	simm.s32 @p2 $0x1082  }
0x22: {  	[simem:s7], [sflag:s8] =	dma.local @!p0 [hbm:s6], $0xF7A  }
0x23: {  	s9 =	sor.u32 $0xD0000000, s2;
	s6 =	simm.s32 $0x108;
	_ =	swait.ge @!p0 [sflag:s8], $0x0  }
0x24: {  	s3 =	sadd.s32 $0x88, s3;
	s6 =	simm.s32 @!p1 $0x1082;
	[sflag:s4] =	ssyncset.s32 $0xFFFFF086  }
0x25: {  	[simem:s6], [sflag:s4] =	dma.local [hbm:s3], $0xF7A  }
0x26: {  	[smem:$0x3F98] =	sst s1;
	(tag) =	ssettag s2;
	_ =	strace s9  }
0x27: {  	s1 =	sld [smem:$0x3FA8]  }
0x28: {  	s2 =	sld [smem:$0x3FA9]  }
0x29: {  	s4 =	sld [smem:$0x3FAB]  }
0x2a: {  	p0 =	seq.s32 s5, $0x0;
	s5 =	sld [smem:$0x3FAC]  }
0x2b: {  	s6 =	sld [smem:$0x3FAD]  }
0x2c: {  	s7 =	sld [smem:$0x3FAE]  }
0x2d: {  	s3 =	simm.s32 $0x108;
	s8 =	sld [smem:$0x3FAF]  }
0x2e: {  	s3 =	simm.s32 @!p0 $0x1082;
	s9 =	sld [smem:$0x3FB0]  }
0x2f: {  	lr =	sadd.s32 s0, s3;
	s0 =	sld [smem:$0x3FA7]  }
0x30: {  	s3 =	sld [smem:$0x3FAA]  }
0x31: {  	[smem:$0x3FB3] =	sst s10  }
0x32: {  	s10 =	sld [smem:$0x3FB1];
	_ =	sdelay $0x3  }
0x33: {  	p0 =	seq.s32 s10, $0x1;
	s10 =	sld [smem:$0x3FB3];
	_ =	sdelay $0x3  }
0x34: {  	[smem:$0x3FB3] =	sst s10  }
0x35: {  	s10 =	sld [smem:$0x3FB2];
	_ =	sdelay $0x3  }
0x36: {  	p1 =	seq.s32 s10, $0x1;
	s10 =	sld [smem:$0x3FB3];
	_ =	sdelay $0x3  }
0x37: {  	[smem:$0x3FB3] =	sst s10  }
0x38: {  	s10 =	sld [smem:$0x3FB4]  }
0x39: {  	_ = 	snop;
	(pc) =	sbr.ind lr, $3  }
0x3a: {  	_ = 	snop  }
0x3b: {  	_ = 	snop  }
0x3c: {  	p2 =	seq.s32 s10, $0x1;
	s10 =	sld [smem:$0x3FB3]  }
0x3d: {  	_ =	shalt  }
0x3e: {  	_ =	shalt  }
0x3f: {  	_ =	shalt  }
0x40: {  	_ =	shalt  }
0x41: {  	_ =	shalt  }
0x42: {  	_ =	shalt  }
0x43: {  	_ =	shalt  }
0x44: {  	_ =	shalt  }
0x45: {  	_ =	shalt  }
0x46: {  	_ =	shalt  }
0x47: {  	_ =	shalt  }
0x48: {  	_ =	shalt  }
0x49: {  	_ =	shalt  }
0x4a: {  	_ =	shalt  }
0x4b: {  	_ =	shalt  }
0x4c: {  	_ =	shalt  }
0x4d: {  	_ =	shalt  }
0x4e: {  	_ =	shalt  }
0x4f: {  	_ =	shalt  }
0x50: {  	_ =	shalt  }
0x51: {  	_ =	shalt  }
0x52: {  	_ =	shalt  }
0x53: {  	_ =	shalt  }
0x54: {  	_ =	shalt  }
0x55: {  	_ =	shalt  }
0x56: {  	_ =	shalt  }
0x57: {  	_ =	shalt  }
0x58: {  	_ =	shalt  }
0x59: {  	_ =	shalt  }
0x5a: {  	_ =	shalt  }
0x5b: {  	_ =	shalt  }
0x5c: {  	_ =	shalt  }
0x5d: {  	_ =	shalt  }
0x5e: {  	_ =	shalt  }
0x5f: {  	_ =	shalt  }
0x60: {  	_ =	shalt  }
0x61: {  	_ =	shalt  }
0x62: {  	_ =	shalt  }
0x63: {  	_ =	shalt  }
0x64: {  	_ =	shalt  }
0x65: {  	_ =	shalt  }
0x66: {  	_ =	shalt  }
0x67: {  	_ =	shalt  }
0x68: {  	_ =	shalt  }
0x69: {  	_ =	shalt  }
0x6a: {  	_ =	shalt  }
0x6b: {  	_ =	shalt  }
0x6c: {  	_ =	shalt  }
0x6d: {  	_ =	shalt  }
0x6e: {  	_ =	shalt  }
0x6f: {  	_ =	shalt  }
0x70: {  	_ =	shalt  }
0x71: {  	_ =	shalt  }
0x72: {  	_ =	shalt  }
0x73: {  	_ =	shalt  }
0x74: {  	_ =	shalt  }
0x75: {  	_ =	shalt  }
0x76: {  	_ =	shalt  }
0x77: {  	_ =	shalt  }
0x78: {  	_ =	shalt  }
0x79: {  	_ =	shalt  }
0x7a: {  	_ =	shalt  }
0x7b: {  	_ =	shalt  }
0x7c: {  	_ =	shalt  }
0x7d: {  	_ =	shalt  }
0x7e: {  	_ =	shalt  }
0x7f: {  	_ =	shalt  }
0x80: {  	_ =	shalt  }
0x81: {  	_ =	shalt  }
0x82: {  	_ =	shalt  }
0x83: {  	_ =	shalt  }
0x84: {  	_ =	shalt  }
0x85: {  	_ =	shalt  }
0x86: {  	_ =	shalt  }
0x87: {  	_ =	shalt  }
.Lfunc_end0:
.L_simem_size_0:
called_computation_lowered:
.L_overlay_start_0:
0x88: {  	s2 =	sld [smem:$0x3FD9]  }
0x89: {  	s3 =	sld [smem:$0x3FFE];
	_ =	sdelay $0x1  }
0x8a: {  	s1 =	srdreg.scid  }
0x8b: {  	s0 =	sand.u32 $0x1, s1  }
0x8c: {  	s17 =	sshll.u32 s0, $0xA;
	s2 =	sadd.s32 s3, s2  }
0x8d: {  	s2 =	sadd.s32 s2, s17  }
0x8e: {  	[smem:$0x3FBF] =	sst s2  }
0x8f: {  	_ = 	snop  }
0x90: {  	s2 =	sld [smem:$0x3FC7]  }
0x91: {  	s18 =	sld [smem:$0x3FC6]  }
0x92: {  	s4 =	sld [smem:$0x3FD0];
	(tm) =	ssettm $0x1  }
0x93: {  	s5 =	sld [smem:$0x3FFB];
	_ =	sdelay $0x3  }
0x94: {  	_ =	strace s5  }
0x95: {  	s5 =	sld [smem:$0x3FFC];
	_ =	sdelay $0x3  }
0x96: {  	_ =	strace s5  }
0x97: {  	s5 =	sld [smem:$0x3FFD];
	_ =	sdelay $0x3  }
0x98: {  	_ =	strace s5  }
0x99: {  	_ =	strace $0x8FFFFFFF  }
0x9a: {  	s19 =	sld [smem:$0x3FDB];
	_ =	sdelay $0x1  }
0x9b: {  	s6 =	simm.s32 $_scs_section_size  }
0x9c: {  	s7 =	simm.s32 $_size__tile_overlayer_lowered;
	s8 =	simm.s32 $_tile_overlayer_lowered  }
0x9d: {  	s22 =	simm.s32 $0x1BFF;
	s21 =	sshll.u32 s8, $0x1;
	s5 =	sadd.s32 s6, s19  }
0x9e: {  	s9 =	simm.s32 $0x0;
	s20 =	sshll.u32 s7, $0x1;
	s7 =	sadd.s32 s21, s5  }
0x9f: {  	[timem:s9], [sflag:s22] =	dma.local [hbm:s7], s20  }
0xa0: {  	_ =	swait.ge [sflag:s22], s20  }
0xa1: {  	s6 =	ssub.s32 $0x0, s20;
	[sflag:s22] =	ssyncset.done $0x0  }
0xa2: {  	[sflag:s22] =	ssyncadd.s32 s6;
	_ =	sdelay $0x1  }
0xa3: {  	s23 =	simm.s32 $0x1B8B  }
0xa4: {  	_ =	swait.ge [sflag:s23], $0x1  }
0xa5: {  	[sflag:s23] =	ssyncset.done $0x0  }
0xa6: {  	s25 =	simm.s32 $0x1B8E;
	s24 =	sld [smem:$0x3FFE];
	[sflag:s23] =	ssyncadd.s32 $0xFFFFFFFF  }
0xa7: {  	s26 =	simm.s32 $execute0_lowered;
	[smem:$0x3FD2] =	sst s25  }
0xa8: {  	s7 =	sshll.u32 s26, $0x1;
	_ =	strace $0x80000046;
	[dreg:$0x1] =	wrdreg $0xFFFFFFFF  }
0xa9: {  	s28 =	simm.s32 $_size_execute0_lowered;
	s5 =	sadd.s32 s5, s7;
	[dreg:$0x0] =	wrdreg $0x0  }
0xaa: {  	s7 =	sshll.u32 s28, $0x1;
	[dreg:$0x2] =	wrdreg s5  }
0xab: {  	[dreg:$0x3] =	wrdreg s7  }
0xac: {  	[dreg:$0x4] =	wrdreg $0xC0  }
0xad: {  	_ =	task [dreg:s9], $0x5FFFF  }
0xae: {  	[dreg:$0x1] =	wrdreg $0xFFFFFFFF  }
0xaf: {  	[dreg:$0x0] =	wrdreg $0x60  }
0xb0: {  	[dreg:$0x2] =	wrdreg s4  }
0xb1: {  	[dreg:$0x3] =	wrdreg s24  }
0xb2: {  	[dreg:$0x4] =	wrdreg s18  }
0xb3: {  	[dreg:$0x5] =	wrdreg s2  }
0xb4: {  	[dreg:$0x6] =	wrdreg $0x143F00  }
0xb5: {  	[dreg:$0x7] =	wrdreg $0x1E3F00  }
0xb6: {  	[dreg:$0x8] =	wrdreg $0x9  }
0xb7: {  	_ =	task.clear_ibuf [dreg:s9], $0x9FFFF;
	_ =	strace $0x90000046  }
0xb8: {  	s29 =	simm.s32 $0x9;
	_ =	strace $0x80000048  }
0xb9: {  	_ =	swait.ge [sflag:s29], $0x1  }
0xba: {  	[sflag:s29] =	ssyncadd.s32 $0xFFFFFFFF  }
0xbb: {  	_ =	strace $0x90000048  }
0xbc: {  	_ =	sfence  }
0xbd: {  	s30 =	sld [smem:$0x0];
	_ =	sdelay $0x2  }
0xbe: {  	s31 =	sshll.u32 s1, $0xD;
	s1 =	sshrl.u32 s1, $0x2  }
0xbf: {  	s3 =	sand.u32 $0x4000, s31;
	s1 =	sadd.s32 s1, s30  }
0xc0: {  	s0 =	sor.u32 s3, s0;
	s1 =	sshll.u32 s1, $0x11  }
0xc1: {  	s0 =	sor.u32 s1, s0  }
0xc2: {  	s0 =	sadd.s32 $0x8F2B, s0  }
0xc3: {  	[sflag:s0] =	ssyncadd.remote.s32 $0x1  }
0xc4: {  	_ =	sfence.sel $0xFFFF  }
0xc5: {  	[dreg:$0x0] =	wrdreg $0xFFFFFFFF;
	(pc) =	sbr.abs _section_cstart, $3  }
0xc6: {  	[dreg:$0x1] =	wrdreg $0xFFFFFFFF  }
0xc7: {  	_ =	task.clear_ibuf [dreg:s9], $0x2FFFF;
	_ =	strace $0x9FFFFFFF  }
0xc8: {  	(tm) =	ssettm $0x7FFFFFFF  }
0xc9: {  	_ =	shalt  }
tec
execute0_lowered:
.L_overlay_start_1:
0x0: {  	(tag) =	ssettag $0x1  }
0x1: {  	s1 =	rddreg [dreg:$0x0]  }
0x2: {  	s0 =	rddreg [dreg:$0x1]  }
0x3: {  	s2 =	rddreg [dreg:$0x2]  }
0x4: {  	s4 =	rddreg [dreg:$0x4]  }
0x5: {  	s5 =	rddreg [dreg:$0x5]  }
0x6: {  	s8 =	stileid.u32;
	s7 =	srdreg.scid;
	s6 =	simm.s32 $0x0  }
0x7: {  	s29 =	simm.s32 $0x11970;
	s30 =	simm.s32 $0x12D70;
	s3 =	smul.u32 $0x4E2, s8  }
0x8: {  	s31 =	simm.s32 $0x1;
	s7 =	sand.u32 $0x1, s7;
	s9 =	smul.u32 $0xA000, s8  }
0x9: {  	[smem:$0x7FF] =	sst s6;
	s12 =	smul.u32 $0x1400, s8;
	s15 =	sadd.s32 $0xAC00, s0  }
0xa: {  	s16 =	sadd.s32 $0xC200, s0;
	_ =	strace $0x80000047;
	[dreg:$0x7] =	wrdreg s15  }
0xb: {  	s17 =	sadd.s32 $0xC600, s0;
	s10 =	smul.u32 $0x140000, s7;
	[dreg:$0x8] =	wrdreg s16  }
0xc: {  	s28 =	sadd.s32 $0xAE00, s0;
	s13 =	smul.u32 $0x14000, s7;
	[dreg:$0x9] =	wrdreg s17  }
0xd: {  	s14 =	ssub.s32 $0x2, s7;
	s21 =	sshll.u32 s7, $0x1;
	s11 =	sadd.s32 s3, s0  }
0xe: {  	s15 =	sshrl.u32 s14, $0x1;
	s2 =	sadd.s32 s2, s3;
	s22 =	sadd.s32 s9, s4  }
0xf: {  	s23 =	sadd.s32 s12, s5;
	v0 =	vmov s21;
	s3 =	simm.s32 $0x2;
	s21 =	simm.s32 $0x3  }
0x10: {  	s10 =	sadd.s32 s9, s10;
	s13 =	sadd.s32 s12, s13;
	[dreg:$0xc] =	wrdreg s2  }
0x11: {  	s18 =	ssub.s32 s14, s15;
	s19 =	sadd.s32 $0x5C00, s11;
	[dreg:$0xd] =	wrdreg s22  }
0x12: {  	s20 =	sadd.s32 $0xC00, s11;
	[dreg:$0xe] =	wrdreg s23;
	s23 =	simm.s32 $0x7530  }
0x13: {  	s10 =	sshrl.u32 s10, $0x3;
	s13 =	sshrl.u32 s13, $0x3;
	[dreg:$0xa] =	wrdreg s19  }
0x14: {  	[dreg:$0xb] =	wrdreg s20;
	s26 =	smax.u32 s18, $0x1;
	s10 =	sadd.s32 s10, s0  }
0x15: {  	s0 =	sadd.s32 s13, s0;
	[dreg:$0x12] =	wrdreg s26;
	s24 =	sadd.s32 $0xC800, s10  }
0x16: {  	s22 =	simm.s32 $0x4;
	s0 =	sadd.s32 $0x5C800, s0;
	[dreg:$0xf] =	wrdreg s24  }
0x17: {  	s2 =	simm.s32 $0x0;
	s25 =	sadd.s32 $0x20800, s10;
	[dreg:$0x10] =	wrdreg s0  }
0x18: {  	s20 =	simm.s32 $0x5;
	s26 =	simm.s32 $0x50;
	[dreg:$0x11] =	wrdreg s25  }
0x19: {  	v1 =	vor.u32 $0x1, v0;
	s24 =	simm.s32 $0x9C40;
	s25 =	simm.s32 $0x14170;
	s0 =	simm.s32 $0xA440  }
.LBB2_1:
0x1a: {  	s6 =	simm.s32 $0x0;
	s7 =	rddreg [dreg:$0xa]  }
0x1b: {  	[tilespmem:s6], [sflag:$0x5] =	stream.linear.gather [hbm4b:s7+s6], $0x2710, $0x38;
	[tilespmem:$0x1F7F0] =	vst v63  }
0x1c: {  	_ =	swait.ge [sflag:s20], $0x2710  }
0x1d: {  	[sflag:s20] =	ssyncset.done $0x0  }
0x1e: {  	s8 =	simm.s32 $0x2710;
	s14 =	rddreg [dreg:$0xb];
	[sflag:s20] =	ssyncadd.s32 $0xFFFFD8F0  }
0x1f: {  	[tilespmem:s8], [sflag:$0x5] =	stream.linear.gather [hbm4b:s14+s6], $0x2710, $0x38;
	[tilespmem:$0x1F7F0] =	vst v63  }
0x20: {  	_ =	swait.ge [sflag:s20], $0x2710  }
0x21: {  	[sflag:s20] =	ssyncset.done $0x0  }
0x22: {  	s16 =	simm.s32 $0x4E20;
	s15 =	rddreg [dreg:$0xc];
	[sflag:s20] =	ssyncadd.s32 $0xFFFFD8F0  }
0x23: {  	[tilespmem:s16], [sflag:$0x5] =	stream.linear.gather [hbm4b:s15+s6], $0x2710, $0x38;
	[tilespmem:$0x1F7F0] =	vst v63  }
0x24: {  	_ =	swait.ge [sflag:s20], $0x2710  }
0x25: {  	[sflag:s20] =	ssyncset.done $0x0  }
0x26: {  	[sflag:s20] =	ssyncadd.s32 $0xFFFFD8F0  }
0x27: {  	s17 =	rddreg [dreg:$0x3]  }
0x28: {  	[tilespmem:s23], [sflag:$0x5] =	stream.linear.gather [hbm4b:s17+s6], $0x2710, $0x38;
	[tilespmem:$0x1F7F0] =	vst v63  }
0x29: {  	_ =	swait.ge [sflag:s20], $0x2710  }
0x2a: {  	[sflag:s20] =	ssyncset.done $0x0  }
0x2b: {  	s18 =	rddreg [dreg:$0x7];
	[sflag:s20] =	ssyncadd.s32 $0xFFFFD8F0  }
0x2c: {  	[tilespmem:s24], [sflag:$0x5] =	stream.linear.gather [hbm4b:s18+s6], $0x800, $0x38;
	[tilespmem:$0x1F7F0] =	vst v63  }
0x2d: {  	_ =	swait.ge [sflag:s20], $0x800  }
0x2e: {  	[sflag:s20] =	ssyncset.done $0x0  }
0x2f: {  	s19 =	rddreg [dreg:$0x9];
	[sflag:s20] =	ssyncadd.s32 $0xFFFFF800  }
0x30: {  	[tilespmem:s25], [sflag:$0x5] =	stream.linear.gather [hbm4b:s19+s6], $0x280, $0x38;
	[tilespmem:$0x1F7F0] =	vst v63  }
0x31: {  	_ =	swait.ge [sflag:s20], $0x280  }
0x32: {  	[sflag:s20] =	ssyncset.done $0x0  }
0x33: {  	s7 =	simm.s32 $0x0;
	[sflag:s20] =	ssyncadd.s32 $0xFFFFFD80  }
.LBB2_2:
0x34: {  	s9 =	sshra.s32 s7, $0x2  }
0x35: {  	v2 =	vld [tilespmem:s9+$0x0]  }
0x36: {  	v3 =	vld [tilespmem:s9+$0x2710];
	_ =	sdelay $0x6  }
0x37: {  	v4 =	vld.idx.msk [tilespmem:v2+s23+$0x0], $0xffff  }
0x38: {  	v3 =	vld.idx.msk [tilespmem:v3+s23+$0x0], $0xffff;
	_ =	sdelay $0x4  }
0x39: {  	vm0 =	vgt.s32 v4, $0xFFFFFFFF;
	vm1 =	vlt.s32 v3, $0x0  }
0x3a: {  	vm13 =	vgt.s32 v3, $0xFFFFFFFF;
	vm2 =	vlt.s32 v4, $0x0;
	vm0 =	vmand vm0, vm1  }
0x3b: {  	vm14 =	vmand vm2, vm13;
	v5 =	vnsel vm0, $0x7D1, v4;
	v4 =	vor.u32 v4, v3  }
0x3c: {  	v3 =	vsel vm14, v3, v5;
	vm15 =	vgt.s32 v4, $0xFFFFFFFF  }
0x3d: {  	v3 =	vsel vm15, $0x7D0, v3;
	_ =	sdelay $0x3  }
0x3e: {  	v52 =	vld [tilespmem:s9+$0x4E20]  }
0x3f: {  	v3 =	vld.idx.msk [tilespmem:v3+s24+$0x0], $0xffff;
	_ =	sdelay $0x1  }
0x40: {  	v53 =	vld [tilespmem:s9+$0x10]  }
0x41: {  	v6 =	vld [tilespmem:s9+$0x2720];
	_ =	sdelay $0x1  }
0x42: {  	v3 =	vmul.f32 v52, v3  }
0x43: {  	v2 =	vshll.u32 v2, $0x2  }
0x44: {  	[tilespmem:s9+$0xA440] =	vst v3;
	v3 =	vor.u32 v0, v2  }
0x45: {  	v2 =	vor.u32 v1, v2;
	[tilespmem:s9+$0xCB50] =	vst v3  }
0x46: {  	[tilespmem:s9+$0xF260] =	vst v2  }
0x47: {  	v2 =	vld.idx.msk [tilespmem:v53+s23+$0x0], $0xffff  }
0x48: {  	v3 =	vld.idx.msk [tilespmem:v6+s23+$0x0], $0xffff;
	_ =	sdelay $0x4  }
0x49: {  	vm4 =	vgt.s32 v2, $0xFFFFFFFF;
	vm5 =	vlt.s32 v3, $0x0  }
0x4a: {  	vm6 =	vgt.s32 v3, $0xFFFFFFFF;
	vm7 =	vlt.s32 v2, $0x0;
	vm0 =	vmand vm4, vm5  }
0x4b: {  	vm8 =	vmand vm7, vm6;
	v54 =	vnsel vm0, $0x7D1, v2;
	v2 =	vor.u32 v2, v3  }
0x4c: {  	v3 =	vsel vm8, v3, v54;
	vm9 =	vgt.s32 v2, $0xFFFFFFFF  }
0x4d: {  	v2 =	vsel vm9, $0x7D0, v3;
	_ =	sdelay $0x3  }
0x4e: {  	v3 =	vld [tilespmem:s9+$0x4E30]  }
0x4f: {  	v2 =	vld.idx.msk [tilespmem:v2+s24+$0x0], $0xffff;
	_ =	sdelay $0x1  }
0x50: {  	v55 =	vld [tilespmem:s9+$0x20]  }
0x51: {  	v56 =	vld [tilespmem:s9+$0x2730];
	_ =	sdelay $0x1  }
0x52: {  	v2 =	vmul.f32 v3, v2  }
0x53: {  	v3 =	vshll.u32 v53, $0x2  }
0x54: {  	[tilespmem:s9+$0xA450] =	vst v2;
	v2 =	vor.u32 v0, v3  }
0x55: {  	[tilespmem:s9+$0xCB60] =	vst v2;
	v2 =	vor.u32 v1, v3  }
0x56: {  	[tilespmem:s9+$0xF270] =	vst v2  }
0x57: {  	v2 =	vld.idx.msk [tilespmem:v55+s23+$0x0], $0xffff  }
0x58: {  	v3 =	vld.idx.msk [tilespmem:v56+s23+$0x0], $0xffff;
	_ =	sdelay $0x4  }
0x59: {  	vm10 =	vgt.s32 v2, $0xFFFFFFFF;
	vm11 =	vlt.s32 v3, $0x0  }
0x5a: {  	vm12 =	vgt.s32 v3, $0xFFFFFFFF;
	vm13 =	vlt.s32 v2, $0x0;
	vm0 =	vmand vm10, vm11  }
0x5b: {  	vm14 =	vmand vm13, vm12;
	v57 =	vnsel vm0, $0x7D1, v2;
	v2 =	vor.u32 v2, v3  }
0x5c: {  	v3 =	vsel vm14, v3, v57;
	vm15 =	vgt.s32 v2, $0xFFFFFFFF  }
0x5d: {  	v2 =	vsel vm15, $0x7D0, v3;
	_ =	sdelay $0x3  }
0x5e: {  	v3 =	vld [tilespmem:s9+$0x4E40]  }
0x5f: {  	v2 =	vld.idx.msk [tilespmem:v2+s24+$0x0], $0xffff;
	_ =	sdelay $0x1  }
0x60: {  	v58 =	vld [tilespmem:s9+$0x30]  }
0x61: {  	v59 =	vld [tilespmem:s9+$0x2740];
	_ =	sdelay $0x1  }
0x62: {  	v2 =	vmul.f32 v3, v2  }
0x63: {  	v3 =	vshll.u32 v55, $0x2  }
0x64: {  	[tilespmem:s9+$0xA460] =	vst v2;
	v2 =	vor.u32 v0, v3  }
0x65: {  	[tilespmem:s9+$0xCB70] =	vst v2;
	v2 =	vor.u32 v1, v3  }
0x66: {  	[tilespmem:s9+$0xF280] =	vst v2  }
0x67: {  	v2 =	vld.idx.msk [tilespmem:v58+s23+$0x0], $0xffff  }
0x68: {  	v3 =	vld.idx.msk [tilespmem:v59+s23+$0x0], $0xffff;
	_ =	sdelay $0x4  }
0x69: {  	vm4 =	vgt.s32 v2, $0xFFFFFFFF;
	vm5 =	vlt.s32 v3, $0x0  }
0x6a: {  	vm6 =	vgt.s32 v3, $0xFFFFFFFF;
	vm7 =	vlt.s32 v2, $0x0;
	vm0 =	vmand vm4, vm5  }
0x6b: {  	vm8 =	vmand vm7, vm6;
	v60 =	vnsel vm0, $0x7D1, v2;
	v2 =	vor.u32 v2, v3  }
0x6c: {  	v3 =	vsel vm8, v3, v60;
	vm9 =	vgt.s32 v2, $0xFFFFFFFF  }
0x6d: {  	v2 =	vsel vm9, $0x7D0, v3;
	_ =	sdelay $0x3  }
0x6e: {  	v3 =	vld [tilespmem:s9+$0x4E50]  }
0x6f: {  	v2 =	vld.idx.msk [tilespmem:v2+s24+$0x0], $0xffff;
	_ =	sdelay $0x1  }
0x70: {  	v61 =	vld [tilespmem:s9+$0x40]  }
0x71: {  	v62 =	vld [tilespmem:s9+$0x2750];
	_ =	sdelay $0x1  }
0x72: {  	v2 =	vmul.f32 v3, v2  }
0x73: {  	v3 =	vshll.u32 v58, $0x2  }
0x74: {  	[tilespmem:s9+$0xA470] =	vst v2;
	v2 =	vor.u32 v0, v3  }
0x75: {  	[tilespmem:s9+$0xCB80] =	vst v2;
	v2 =	vor.u32 v1, v3  }
0x76: {  	[tilespmem:s9+$0xF290] =	vst v2  }
0x77: {  	v2 =	vld.idx.msk [tilespmem:v61+s23+$0x0], $0xffff  }
0x78: {  	v3 =	vld.idx.msk [tilespmem:v62+s23+$0x0], $0xffff;
	_ =	sdelay $0x4  }
0x79: {  	vm10 =	vgt.s32 v2, $0xFFFFFFFF;
	vm11 =	vlt.s32 v3, $0x0  }
0x7a: {  	vm12 =	vgt.s32 v3, $0xFFFFFFFF;
	vm13 =	vlt.s32 v2, $0x0;
	vm0 =	vmand vm10, vm11  }
0x7b: {  	vm14 =	vmand vm13, vm12;
	v63 =	vnsel vm0, $0x7D1, v2;
	v2 =	vor.u32 v2, v3  }
0x7c: {  	v3 =	vsel vm14, v3, v63;
	vm15 =	vgt.s32 v2, $0xFFFFFFFF  }
0x7d: {  	v2 =	vsel vm15, $0x7D0, v3;
	_ =	sdelay $0x3  }
0x7e: {  	v3 =	vld [tilespmem:s9+$0x4E60]  }
0x7f: {  	v2 =	vld.idx.msk [tilespmem:v2+s24+$0x0], $0xffff;
	_ =	sdelay $0x3  }
0x80: {  	p0 =	sne.s32 s7, $0x9B00  }
.Ltmp0:
0x81: {  	v2 =	vmul.f32 v3, v2;
	(pc) =	sbr.rel @p0 .LBB2_2-.Ltmp0, $4  }
0x82: {  	v3 =	vshll.u32 v61, $0x2  }
0x83: {  	[tilespmem:s9+$0xA480] =	vst v2;
	v2 =	vor.u32 v0, v3  }
0x84: {  	[tilespmem:s9+$0xCB90] =	vst v2;
	v2 =	vor.u32 v1, v3  }
0x85: {  	s7 =	sadd.s32 $0x140, s7;
	[tilespmem:s9+$0xF2A0] =	vst v2  }
0x86: {  	s7 =	stileid.u32  }
0x87: {  	s6 =	rddreg [dreg:$0xd];
	s7 =	sshll.u32 s7, $0x6  }
0x88: {  	s9 =	sshrl.u32 s6, $0x3;
	s7 =	sor.u32 $0x1C05, s7  }
0x89: {  	[spmem:s9], [sflag:s7] =	dma.local [hbm:s28], $0x1400  }
0x8a: {  	_ =	swait.ge [sflag:s20], $0x1400  }
0x8b: {  	[sflag:s20] =	ssyncset.done $0x0;
	s8 =	rddreg [dreg:$0xe]  }
0x8c: {  	s19 =	rddreg [dreg:$0x8];
	[sflag:s20] =	ssyncadd.s32 $0xFFFFEC00;
	s10 =	sshrl.u32 s8, $0x3  }
0x8d: {  	[spmem:s10], [sflag:s7] =	dma.local [hbm:s19], $0x280  }
0x8e: {  	_ =	swait.ge [sflag:s20], $0x280  }
0x8f: {  	[sflag:s20] =	ssyncset.done $0x0  }
0x90: {  	s11 =	simm.s32 $0x0;
	s12 =	simm.s32 $0x0;
	[sflag:s20] =	ssyncadd.s32 $0xFFFFFD80  }
0x91: {  	s6 =	smov.u32 s28;
	s28 =	simm.s32 $0xCB50;
	[bflag:$0x0] =	sbarrier.arrive $0xFFFF  }
0x92: {  	[tilespmem:s29], [sflag:$0x1] =	stream.indirect.gather [hbm4b:s1+s26], $0x40, s28, s26, $0xb8;
	[tilespmem:$0x1F7F0] =	vst v63  }
.LBB2_4:
0x93: {  	p0 =	seq.s32 s12, $0x0  }
0x94: {  	s13 =	simm.s32 @!p0 $0x3  }
0x95: {  	_ =	swait.ge @!p0 [sflag:s13], $0x1400  }
0x96: {  	[sflag:s13] =	ssyncset.done @!p0 $0x0  }
0x97: {  	s14 =	sadd.s32 $0x0, s11;
	[sflag:s13] =	ssyncadd.s32 @!p0 $0xFFFFEC00;
	s13 =	simm.s32 @!p0 $0x4  }
0x98: {  	s16 =	smul.u32 $0xA0, s12;
	v2 =	vmov s14;
	_ =	swait.ge @!p0 [sflag:s13], $0x280  }
0x99: {  	v2 =	vand.u32 $0xFFFFFFFC, v2;
	[sflag:s13] =	ssyncset.done @!p0 $0x0  }
0x9a: {  	s18 =	sadd.s32 $0xCBA0, s16;
	v2 =	vbroadcast v2, $0x0;
	[sflag:s13] =	ssyncadd.s32 @!p0 $0xFFFFFD80  }
0x9b: {  	[tilespmem:s30], [sflag:$0x2] =	stream.indirect.gather [hbm4b:s1+s26], $0x40, s18, s26, $0xb8;
	[tilespmem:$0x1F7F0] =	vst v63  }
0x9c: {  	_ =	swait.ge [sflag:s31], $0x1400  }
0x9d: {  	[sflag:s31] =	ssyncset.done $0x0  }
0x9e: {  	s15 =	simm.s32 $0x119F0;
	[sflag:s31] =	ssyncadd.s32 $0xFFFFEC00  }
0x9f: {  	v3 =	vld [tilespmem:s15+$0xFFFFFFB0]  }
0xa0: {  	v2 =	vld.idx.msk [tilespmem:v2+s0+$0x0], $0xffff  }
0xa1: {  	v4 =	vld [tilespmem:s15+$0xFFFFFF80]  }
0xa2: {  	s19 =	sadd.s32 $0x1, s14;
	v5 =	vld [tilespmem:s15+$0xFFFFFF90]  }
0xa3: {  	v6 =	vmov s19;
	v7 =	vld [tilespmem:s15+$0xFFFFFFA0]  }
0xa4: {  	v6 =	vand.u32 $0xFFFFFFFD, v6  }
0xa5: {  	v6 =	vbroadcast v6, $0x0;
	v3 =	vmul.f32 v3, v2  }
0xa6: {  	v4 =	vmul.f32 v4, v2  }
0xa7: {  	v5 =	vmul.f32 v5, v2;
	[tilespmem:s15+$0xFFFFFFB0] =	vst v3  }
0xa8: {  	v2 =	vmul.f32 v7, v2;
	[tilespmem:s15+$0xFFFFFF80] =	vst v4  }
0xa9: {  	[tilespmem:s15+$0xFFFFFF90] =	vst v5  }
0xaa: {  	[tilespmem:s15+$0xFFFFFFA0] =	vst v2;
	v3 =	vld [tilespmem:s15+$0xFFFFFFC0]  }
0xab: {  	v2 =	vld.idx.msk [tilespmem:v6+s0+$0x0], $0xffff  }
0xac: {  	v4 =	vld [tilespmem:s15+$0xFFFFFFF0]  }
0xad: {  	s28 =	sadd.s32 $0x2, s14;
	v5 =	vld [tilespmem:s15+$0xFFFFFFD0]  }
0xae: {  	v62 =	vmov s28;
	v61 =	vld [tilespmem:s15+$0xFFFFFFE0]  }
0xaf: {  	v7 =	vand.u32 $0xFFFFFFFE, v62  }
0xb0: {  	v7 =	vbroadcast v7, $0x0;
	v3 =	vmul.f32 v3, v2  }
0xb1: {  	v4 =	vmul.f32 v4, v2  }
0xb2: {  	v5 =	vmul.f32 v5, v2;
	[tilespmem:s15+$0xFFFFFFC0] =	vst v3  }
0xb3: {  	v2 =	vmul.f32 v61, v2;
	[tilespmem:s15+$0xFFFFFFF0] =	vst v4  }
0xb4: {  	[tilespmem:s15+$0xFFFFFFD0] =	vst v5  }
0xb5: {  	[tilespmem:s15+$0xFFFFFFE0] =	vst v2;
	v2 =	vld [tilespmem:s15+$0x0]  }
0xb6: {  	v3 =	vld.idx.msk [tilespmem:v7+s0+$0x0], $0xffff  }
0xb7: {  	v4 =	vld [tilespmem:s15+$0x30]  }
0xb8: {  	v5 =	vld [tilespmem:s15+$0x20];
	_ =	sdelay $0x1  }
0xb9: {  	v63 =	vld [tilespmem:s15+$0x10]  }
0xba: {  	v2 =	vmul.f32 v2, v3  }
0xbb: {  	s17 =	sadd.s32 $0x3, s14;
	v4 =	vmul.f32 v4, v3  }
0xbc: {  	v5 =	vmul.f32 v5, v3;
	[tilespmem:s15+$0x0] =	vst v2;
	v2 =	vmov s17  }
0xbd: {  	[tilespmem:s15+$0x30] =	vst v4  }
0xbe: {  	s14 =	simm.s32 $0x4;
	s13 =	sadd.s32 $0x50, s16;
	s16 =	simm.s32 $0x119F0;
	v3 =	vmul.f32 v63, v3;
	[tilespmem:s15+$0x20] =	vst v5  }
.LBB2_5:
0xbf: {  	p0 =	sne.s32 s14, $0x4C  }
0xc0: {  	[tilespmem:s15+$0x10] =	vst v3;
	v3 =	vld [tilespmem:s15+$0x70];
	s16 =	sadd.s32 $0x100, s16;
	s17 =	smov.u32 s14;
	s14 =	sadd.s32 $0x4, s14  }
0xc1: {  	v2 =	vld.idx.msk [tilespmem:v2+s0+$0x0], $0xffff  }
0xc2: {  	v4 =	vld [tilespmem:s15+$0x40]  }
0xc3: {  	v5 =	vld [tilespmem:s15+$0x50]  }
0xc4: {  	s17 =	sadd.s32 s17, s11;
	v6 =	vld [tilespmem:s15+$0x60]  }
0xc5: {  	v7 =	vmov s17;
	s18 =	sadd.s32 $0x1, s17;
	s19 =	sadd.s32 $0x2, s17;
	s17 =	sadd.s32 $0x3, s17  }
0xc6: {  	v7 =	vand.u32 $0xFFFFFFFC, v7;
	v8 =	vmov s18;
	v9 =	vmov s19  }
0xc7: {  	v7 =	vbroadcast v7, $0x0;
	v8 =	vand.u32 $0xFFFFFFFD, v8;
	v4 =	vmul.f32 v4, v2  }
0xc8: {  	v9 =	vand.u32 $0xFFFFFFFE, v9;
	v3 =	vmul.f32 v3, v2;
	v5 =	vmul.f32 v5, v2  }
0xc9: {  	[tilespmem:s15+$0x40] =	vst v4;
	v2 =	vmul.f32 v6, v2  }
0xca: {  	[tilespmem:s15+$0x70] =	vst v3  }
0xcb: {  	v3 =	vld [tilespmem:s16+$0xFFFFFFA0];
	[tilespmem:s15+$0x50] =	vst v5  }
0xcc: {  	v4 =	vld [tilespmem:s16+$0xFFFFFFB0];
	[tilespmem:s15+$0x60] =	vst v2;
	s15 =	smov.u32 s16  }
0xcd: {  	v2 =	vld.idx.msk [tilespmem:v7+s0+$0x0], $0xffff  }
0xce: {  	v5 =	vld [tilespmem:s16+$0xFFFFFF80]  }
0xcf: {  	v6 =	vld [tilespmem:s16+$0xFFFFFF90];
	_ =	sdelay $0x2  }
0xd0: {  	v7 =	vbroadcast v8, $0x0  }
0xd1: {  	v4 =	vmul.f32 v4, v2;
	v5 =	vmul.f32 v5, v2  }
0xd2: {  	v6 =	vmul.f32 v6, v2;
	v2 =	vmul.f32 v3, v2  }
0xd3: {  	[tilespmem:s16+$0xFFFFFFB0] =	vst v4  }
0xd4: {  	[tilespmem:s16+$0xFFFFFF80] =	vst v5  }
0xd5: {  	[tilespmem:s16+$0xFFFFFF90] =	vst v6;
	v3 =	vld [tilespmem:s16+$0xFFFFFFF0]  }
0xd6: {  	[tilespmem:s16+$0xFFFFFFA0] =	vst v2;
	v2 =	vld [tilespmem:s16+$0xFFFFFFD0]  }
0xd7: {  	v4 =	vld.idx.msk [tilespmem:v7+s0+$0x0], $0xffff  }
0xd8: {  	v5 =	vld [tilespmem:s16+$0xFFFFFFC0]  }
0xd9: {  	v6 =	vld [tilespmem:s16+$0xFFFFFFE0];
	_ =	sdelay $0x2  }
0xda: {  	v7 =	vbroadcast v9, $0x0  }
0xdb: {  	v2 =	vmul.f32 v2, v4;
	v5 =	vmul.f32 v5, v4  }
0xdc: {  	v3 =	vmul.f32 v3, v4;
	v6 =	vmul.f32 v6, v4  }
0xdd: {  	[tilespmem:s16+$0xFFFFFFC0] =	vst v5  }
0xde: {  	[tilespmem:s16+$0xFFFFFFF0] =	vst v3  }
0xdf: {  	[tilespmem:s16+$0xFFFFFFD0] =	vst v2;
	v2 =	vld [tilespmem:s16+$0x30]  }
0xe0: {  	[tilespmem:s16+$0xFFFFFFE0] =	vst v6;
	v3 =	vld [tilespmem:s16+$0x0]  }
0xe1: {  	v4 =	vld.idx.msk [tilespmem:v7+s0+$0x0], $0xffff  }
0xe2: {  	v5 =	vld [tilespmem:s16+$0x10]  }
0xe3: {  	v6 =	vld [tilespmem:s16+$0x20];
	_ =	sdelay $0x3  }
.Ltmp1:
0xe4: {  	v7 =	vmul.f32 v3, v4;
	v3 =	vmul.f32 v5, v4;
	(pc) =	sbr.rel @p0 .LBB2_5-.Ltmp1, $4  }
0xe5: {  	v5 =	vmul.f32 v6, v4;
	v4 =	vmul.f32 v2, v4;
	v2 =	vmov s17  }
0xe6: {  	[tilespmem:s16+$0x0] =	vst v7  }
0xe7: {  	[tilespmem:s16+$0x30] =	vst v4  }
0xe8: {  	[tilespmem:s16+$0x20] =	vst v5  }
0xe9: {  	_ =	sdelay $0x2  }
0xea: {  	[tilespmem:s15+$0x10] =	vst v3;
	v3 =	vld [tilespmem:s15+$0x40]  }
0xeb: {  	v2 =	vld.idx.msk [tilespmem:v2+s0+$0x0], $0xffff  }
0xec: {  	v4 =	vld [tilespmem:s15+$0x70]  }
0xed: {  	v5 =	vld [tilespmem:s15+$0x50]  }
0xee: {  	v6 =	vld [tilespmem:s15+$0x60];
	_ =	sdelay $0x1  }
0xef: {  	v3 =	vmul.f32 v3, v2  }
0xf0: {  	v4 =	vmul.f32 v4, v2  }
0xf1: {  	s14 =	smul.u32 $0x280, s12;
	v5 =	vmul.f32 v5, v2;
	[tilespmem:s15+$0x40] =	vst v3  }
0xf2: {  	s16 =	sadd.s32 $0xFFFFFFB0, s11;
	v2 =	vmul.f32 v6, v2;
	[tilespmem:s15+$0x70] =	vst v4  }
0xf3: {  	s17 =	sadd.s32 $0xA0, s16;
	s14 =	sshra.s32 s14, $0x2;
	[tilespmem:s15+$0x50] =	vst v5  }
0xf4: {  	s8 =	sadd.s32 $0x2710, s14;
	[tilespmem:s15+$0x60] =	vst v2;
	v2 =	vmov s17  }
0xf5: {  	[spmem:s4] =	stream.indirect.scatter.add.f32 [tilespmem:s29], [sflag:$0x3], $0x40, s8, s26, $0xb8;
	v2 =	vand.u32 $0xFFFFFFFC, v2;
	[tilespmem:$0x1F7F0] =	vst v63  }
0xf6: {  	v2 =	vbroadcast v2, $0x0  }
0xf7: {  	[spmem:s5] =	stream.indirect.scatter.add.f32 [tilespmem:s25], [sflag:$0x4], $0x8, s8, s26, $0xb8;
	[tilespmem:$0x1F7F0] =	vst v63  }
0xf8: {  	_ =	swait.ge [sflag:s3], $0x1400  }
0xf9: {  	[sflag:s3] =	ssyncset.done $0x0  }
0xfa: {  	s15 =	simm.s32 $0x12DF0;
	[sflag:s3] =	ssyncadd.s32 $0xFFFFEC00  }
0xfb: {  	v3 =	vld [tilespmem:s15+$0xFFFFFFB0]  }
0xfc: {  	v2 =	vld.idx.msk [tilespmem:v2+s0+$0x0], $0xffff  }
0xfd: {  	v4 =	vld [tilespmem:s15+$0xFFFFFF80]  }
0xfe: {  	s18 =	sadd.s32 $0xA1, s16;
	v5 =	vld [tilespmem:s15+$0xFFFFFF90]  }
0xff: {  	v60 =	vmov s18;
	v7 =	vld [tilespmem:s15+$0xFFFFFFA0]  }
0x100: {  	v6 =	vand.u32 $0xFFFFFFFD, v60  }
0x101: {  	v6 =	vbroadcast v6, $0x0;
	v3 =	vmul.f32 v3, v2  }
0x102: {  	v4 =	vmul.f32 v4, v2  }
0x103: {  	v5 =	vmul.f32 v5, v2;
	[tilespmem:s15+$0xFFFFFFB0] =	vst v3  }
0x104: {  	v2 =	vmul.f32 v7, v2;
	[tilespmem:s15+$0xFFFFFF80] =	vst v4  }
0x105: {  	[tilespmem:s15+$0xFFFFFF90] =	vst v5  }
0x106: {  	[tilespmem:s15+$0xFFFFFFA0] =	vst v2;
	v3 =	vld [tilespmem:s15+$0xFFFFFFC0]  }
0x107: {  	v2 =	vld.idx.msk [tilespmem:v6+s0+$0x0], $0xffff  }
0x108: {  	v4 =	vld [tilespmem:s15+$0xFFFFFFF0]  }
0x109: {  	s19 =	sadd.s32 $0xA2, s16;
	v5 =	vld [tilespmem:s15+$0xFFFFFFD0]  }
0x10a: {  	v62 =	vmov s19;
	v61 =	vld [tilespmem:s15+$0xFFFFFFE0]  }
0x10b: {  	v7 =	vand.u32 $0xFFFFFFFE, v62  }
0x10c: {  	v7 =	vbroadcast v7, $0x0;
	v3 =	vmul.f32 v3, v2  }
0x10d: {  	v4 =	vmul.f32 v4, v2  }
0x10e: {  	v5 =	vmul.f32 v5, v2;
	[tilespmem:s15+$0xFFFFFFC0] =	vst v3  }
0x10f: {  	v2 =	vmul.f32 v61, v2;
	[tilespmem:s15+$0xFFFFFFF0] =	vst v4  }
0x110: {  	[tilespmem:s15+$0xFFFFFFD0] =	vst v5  }
0x111: {  	[tilespmem:s15+$0xFFFFFFE0] =	vst v2;
	v2 =	vld [tilespmem:s15+$0x0]  }
0x112: {  	v3 =	vld.idx.msk [tilespmem:v7+s0+$0x0], $0xffff  }
0x113: {  	v4 =	vld [tilespmem:s15+$0x30]  }
0x114: {  	v5 =	vld [tilespmem:s15+$0x20];
	_ =	sdelay $0x1  }
0x115: {  	v63 =	vld [tilespmem:s15+$0x10]  }
0x116: {  	v2 =	vmul.f32 v2, v3  }
0x117: {  	s28 =	sadd.s32 $0xA3, s16;
	v4 =	vmul.f32 v4, v3  }
0x118: {  	v5 =	vmul.f32 v5, v3;
	[tilespmem:s15+$0x0] =	vst v2;
	v2 =	vmov s28  }
0x119: {  	[tilespmem:s15+$0x30] =	vst v4  }
0x11a: {  	s16 =	simm.s32 $0xFFFFFFB4;
	s17 =	simm.s32 $0x12DF0;
	v3 =	vmul.f32 v63, v3;
	[tilespmem:s15+$0x20] =	vst v5  }
.LBB2_7:
0x11b: {  	p0 =	sne.s32 s16, $0xFFFFFFFC  }
0x11c: {  	[tilespmem:s15+$0x10] =	vst v3;
	v3 =	vld [tilespmem:s15+$0x70];
	s17 =	sadd.s32 $0x100, s17;
	s18 =	smov.u32 s16;
	s16 =	sadd.s32 $0x4, s16  }
0x11d: {  	v2 =	vld.idx.msk [tilespmem:v2+s0+$0x0], $0xffff  }
0x11e: {  	v4 =	vld [tilespmem:s15+$0x40]  }
0x11f: {  	s18 =	sadd.s32 s18, s11;
	v5 =	vld [tilespmem:s15+$0x50]  }
0x120: {  	s19 =	sadd.s32 $0xA0, s18;
	s28 =	sadd.s32 $0xA1, s18;
	s8 =	sadd.s32 $0xA2, s18;
	v6 =	vld [tilespmem:s15+$0x60]  }
0x121: {  	s18 =	sadd.s32 $0xA3, s18;
	v7 =	vmov s19;
	v8 =	vmov s28;
	v9 =	vmov s8  }
0x122: {  	v7 =	vand.u32 $0xFFFFFFFC, v7;
	v8 =	vand.u32 $0xFFFFFFFD, v8;
	v9 =	vand.u32 $0xFFFFFFFE, v9  }
0x123: {  	v7 =	vbroadcast v7, $0x0;
	v4 =	vmul.f32 v4, v2  }
0x124: {  	v3 =	vmul.f32 v3, v2;
	v5 =	vmul.f32 v5, v2  }
0x125: {  	[tilespmem:s15+$0x40] =	vst v4;
	v2 =	vmul.f32 v6, v2  }
0x126: {  	[tilespmem:s15+$0x70] =	vst v3  }
0x127: {  	v3 =	vld [tilespmem:s17+$0xFFFFFFA0];
	[tilespmem:s15+$0x50] =	vst v5  }
0x128: {  	v4 =	vld [tilespmem:s17+$0xFFFFFFB0];
	[tilespmem:s15+$0x60] =	vst v2;
	s15 =	smov.u32 s17  }
0x129: {  	v2 =	vld.idx.msk [tilespmem:v7+s0+$0x0], $0xffff  }
0x12a: {  	v5 =	vld [tilespmem:s17+$0xFFFFFF80]  }
0x12b: {  	v6 =	vld [tilespmem:s17+$0xFFFFFF90];
	_ =	sdelay $0x2  }
0x12c: {  	v7 =	vbroadcast v8, $0x0  }
0x12d: {  	v4 =	vmul.f32 v4, v2;
	v5 =	vmul.f32 v5, v2  }
0x12e: {  	v6 =	vmul.f32 v6, v2;
	v2 =	vmul.f32 v3, v2  }
0x12f: {  	[tilespmem:s17+$0xFFFFFFB0] =	vst v4  }
0x130: {  	[tilespmem:s17+$0xFFFFFF80] =	vst v5  }
0x131: {  	[tilespmem:s17+$0xFFFFFF90] =	vst v6;
	v3 =	vld [tilespmem:s17+$0xFFFFFFF0]  }
0x132: {  	[tilespmem:s17+$0xFFFFFFA0] =	vst v2;
	v2 =	vld [tilespmem:s17+$0xFFFFFFD0]  }
0x133: {  	v4 =	vld.idx.msk [tilespmem:v7+s0+$0x0], $0xffff  }
0x134: {  	v5 =	vld [tilespmem:s17+$0xFFFFFFC0]  }
0x135: {  	v6 =	vld [tilespmem:s17+$0xFFFFFFE0];
	_ =	sdelay $0x2  }
0x136: {  	v7 =	vbroadcast v9, $0x0  }
0x137: {  	v2 =	vmul.f32 v2, v4;
	v5 =	vmul.f32 v5, v4  }
0x138: {  	v3 =	vmul.f32 v3, v4;
	v6 =	vmul.f32 v6, v4  }
0x139: {  	[tilespmem:s17+$0xFFFFFFC0] =	vst v5  }
0x13a: {  	[tilespmem:s17+$0xFFFFFFF0] =	vst v3  }
0x13b: {  	[tilespmem:s17+$0xFFFFFFD0] =	vst v2;
	v2 =	vld [tilespmem:s17+$0x30]  }
0x13c: {  	[tilespmem:s17+$0xFFFFFFE0] =	vst v6;
	v3 =	vld [tilespmem:s17+$0x0]  }
0x13d: {  	v4 =	vld.idx.msk [tilespmem:v7+s0+$0x0], $0xffff  }
0x13e: {  	v5 =	vld [tilespmem:s17+$0x10]  }
0x13f: {  	v6 =	vld [tilespmem:s17+$0x20];
	_ =	sdelay $0x3  }
.Ltmp2:
0x140: {  	v7 =	vmul.f32 v3, v4;
	v3 =	vmul.f32 v5, v4;
	(pc) =	sbr.rel @p0 .LBB2_7-.Ltmp2, $4  }
0x141: {  	v5 =	vmul.f32 v6, v4;
	v4 =	vmul.f32 v2, v4;
	v2 =	vmov s18  }
0x142: {  	[tilespmem:s17+$0x0] =	vst v7  }
0x143: {  	[tilespmem:s17+$0x30] =	vst v4  }
0x144: {  	[tilespmem:s17+$0x20] =	vst v5  }
0x145: {  	_ =	sdelay $0x2  }
0x146: {  	[tilespmem:s15+$0x10] =	vst v3;
	v3 =	vld [tilespmem:s15+$0x40]  }
0x147: {  	v2 =	vld.idx.msk [tilespmem:v2+s0+$0x0], $0xffff  }
0x148: {  	v4 =	vld [tilespmem:s15+$0x70]  }
0x149: {  	v5 =	vld [tilespmem:s15+$0x50]  }
0x14a: {  	v6 =	vld [tilespmem:s15+$0x60];
	_ =	sdelay $0x1  }
0x14b: {  	v3 =	vmul.f32 v3, v2  }
0x14c: {  	v4 =	vmul.f32 v4, v2  }
0x14d: {  	v5 =	vmul.f32 v5, v2;
	[tilespmem:s15+$0x40] =	vst v3  }
0x14e: {  	v2 =	vmul.f32 v6, v2;
	[tilespmem:s15+$0x70] =	vst v4  }
0x14f: {  	[tilespmem:s15+$0x50] =	vst v5  }
0x150: {  	[tilespmem:s15+$0x60] =	vst v2  }
0x151: {  	_ =	swait.ge [sflag:s21], $0x1400  }
0x152: {  	[sflag:s21] =	ssyncset.done $0x0  }
0x153: {  	[sflag:s21] =	ssyncadd.s32 $0xFFFFEC00  }
0x154: {  	_ =	swait.ge [sflag:s22], $0x280  }
0x155: {  	s12 =	sadd.s32 $0x1, s12;
	[sflag:s22] =	ssyncset.done $0x0  }
0x156: {  	s8 =	sadd.s32 $0xCBF0, s14;
	p0 =	sne.s32 s12, $0x3E;
	[sflag:s22] =	ssyncadd.s32 $0xFFFFFD80  }
0x157: {  	[tilespmem:s29], [sflag:$0x1] =	stream.indirect.gather [hbm4b:s1+s26], $0x40, s8, s26, $0xb8;
	[tilespmem:$0x1F7F0] =	vst v63  }
.Ltmp3:
0x158: {  	_ = 	snop;
	(pc) =	sbr.rel @p0 .LBB2_4-.Ltmp3, $4  }
0x159: {  	s28 =	sadd.s32 $0x2710, s13  }
0x15a: {  	[spmem:s4] =	stream.indirect.scatter.add.f32 [tilespmem:s30], [sflag:$0x3], $0x40, s28, s26, $0xb8;
	[tilespmem:$0x1F7F0] =	vst v63  }
0x15b: {  	s11 =	sadd.s32 $0xA0, s11  }
0x15c: {  	[spmem:s5] =	stream.indirect.scatter.add.f32 [tilespmem:s25], [sflag:$0x4], $0x8, s28, s26, $0xb8;
	[tilespmem:$0x1F7F0] =	vst v63  }
0x15d: {  	s8 =	simm.s32 $0x26C0  }
0x15e: {  	v2 =	vmov s8  }
0x15f: {  	v2 =	vand.u32 $0xFFFFFFFC, v2  }
0x160: {  	v2 =	vbroadcast v2, $0x0;
	_ =	sdelay $0x1  }
0x161: {  	_ =	swait.ge [sflag:s31], $0x1400  }
0x162: {  	[sflag:s31] =	ssyncset.done $0x0  }
0x163: {  	s12 =	simm.s32 $0x119F0;
	[sflag:s31] =	ssyncadd.s32 $0xFFFFEC00  }
0x164: {  	v3 =	vld [tilespmem:s12+$0xFFFFFF80]  }
0x165: {  	v2 =	vld.idx.msk [tilespmem:v2+s0+$0x0], $0xffff  }
0x166: {  	v4 =	vld [tilespmem:s12+$0xFFFFFFA0]  }
0x167: {  	s16 =	simm.s32 $0x26C1;
	v5 =	vld [tilespmem:s12+$0xFFFFFF90]  }
0x168: {  	v6 =	vmov s16;
	v7 =	vld [tilespmem:s12+$0xFFFFFFB0]  }
0x169: {  	v6 =	vand.u32 $0xFFFFFFFD, v6  }
0x16a: {  	v6 =	vbroadcast v6, $0x0;
	v3 =	vmul.f32 v3, v2  }
0x16b: {  	v4 =	vmul.f32 v4, v2  }
0x16c: {  	[tilespmem:s12+$0xFFFFFF80] =	vst v3;
	v3 =	vmul.f32 v5, v2  }
0x16d: {  	s11 =	simm.s32 $0x11AF0;
	[tilespmem:s12+$0xFFFFFFA0] =	vst v4;
	v4 =	vmul.f32 v7, v2  }
0x16e: {  	v2 =	vld [tilespmem:s11+$0xFFFFFFA0];
	[tilespmem:s12+$0xFFFFFF90] =	vst v3  }
0x16f: {  	v3 =	vld [tilespmem:s12+$0xFFFFFFF0];
	[tilespmem:s12+$0xFFFFFFB0] =	vst v4  }
0x170: {  	v4 =	vld.idx.msk [tilespmem:v6+s0+$0x0], $0xffff  }
0x171: {  	v5 =	vld [tilespmem:s12+$0xFFFFFFD0]  }
0x172: {  	s17 =	simm.s32 $0x26C2;
	v6 =	vld [tilespmem:s12+$0xFFFFFFC0]  }
0x173: {  	v8 =	vld [tilespmem:s12+$0xFFFFFFE0];
	v7 =	vmov s17  }
0x174: {  	v7 =	vand.u32 $0xFFFFFFFE, v7  }
0x175: {  	v7 =	vbroadcast v7, $0x0;
	v3 =	vmul.f32 v3, v4  }
0x176: {  	v5 =	vmul.f32 v5, v4  }
0x177: {  	v6 =	vmul.f32 v6, v4;
	[tilespmem:s12+$0xFFFFFFF0] =	vst v3  }
0x178: {  	v4 =	vmul.f32 v8, v4;
	[tilespmem:s12+$0xFFFFFFD0] =	vst v5  }
0x179: {  	v3 =	vld [tilespmem:s11+$0xFFFFFF90];
	[tilespmem:s12+$0xFFFFFFC0] =	vst v6  }
0x17a: {  	v5 =	vld [tilespmem:s12+$0x0];
	[tilespmem:s12+$0xFFFFFFE0] =	vst v4  }
0x17b: {  	v4 =	vld.idx.msk [tilespmem:v7+s0+$0x0], $0xffff  }
0x17c: {  	v6 =	vld [tilespmem:s12+$0x10]  }
0x17d: {  	v7 =	vld [tilespmem:s12+$0x30]  }
0x17e: {  	v8 =	vld [tilespmem:s12+$0x20];
	_ =	sdelay $0x1  }
0x17f: {  	s18 =	simm.s32 $0x26C3;
	v5 =	vmul.f32 v5, v4  }
0x180: {  	v9 =	vmov s18;
	v6 =	vmul.f32 v6, v4  }
0x181: {  	v7 =	vmul.f32 v7, v4;
	[tilespmem:s12+$0x0] =	vst v5  }
0x182: {  	v4 =	vmul.f32 v8, v4;
	[tilespmem:s12+$0x10] =	vst v6  }
0x183: {  	[tilespmem:s12+$0x30] =	vst v7;
	v5 =	vld [tilespmem:s12+$0x40]  }
0x184: {  	[tilespmem:s12+$0x20] =	vst v4;
	v4 =	vld [tilespmem:s12+$0x50]  }
0x185: {  	v7 =	vld.idx.msk [tilespmem:v9+s0+$0x0], $0xffff  }
0x186: {  	v6 =	vld [tilespmem:s12+$0x70];
	_ =	sdelay $0x1  }
0x187: {  	s13 =	simm.s32 $0x26C4;
	v8 =	vld [tilespmem:s12+$0x60]  }
0x188: {  	v62 =	vmov s13  }
0x189: {  	v9 =	vand.u32 $0xFFFFFFFC, v62;
	v5 =	vmul.f32 v5, v7;
	v11 =	vmul.f32 v4, v7  }
0x18a: {  	s19 =	simm.s32 $0x26C5;
	s28 =	simm.s32 $0x26C6;
	v12 =	vmul.f32 v6, v7;
	v6 =	vbroadcast v9, $0x0  }
0x18b: {  	v10 =	vmov s19;
	v63 =	vmov s28;
	[tilespmem:s12+$0x40] =	vst v5  }
0x18c: {  	v4 =	vand.u32 $0xFFFFFFFD, v10;
	v7 =	vmul.f32 v8, v7;
	v5 =	vand.u32 $0xFFFFFFFE, v63;
	[tilespmem:s12+$0x50] =	vst v11  }
0x18d: {  	s14 =	simm.s32 $0x26C8;
	v4 =	vbroadcast v4, $0x0;
	[tilespmem:s12+$0x70] =	vst v12;
	v5 =	vbroadcast v5, $0x0  }
.LBB2_10:
0x18e: {  	p0 =	sne.s32 s14, $0x270C;
	s15 =	smov.u32 s14  }
0x18f: {  	[tilespmem:s12+$0x60] =	vst v7;
	s14 =	sadd.s32 $0x4, s14;
	s12 =	smov.u32 s11;
	s11 =	sadd.s32 $0x100, s11  }
0x190: {  	v7 =	vld.idx.msk [tilespmem:v6+s0+$0x0], $0xffff  }
0x191: {  	v8 =	vld [tilespmem:s12+$0xFFFFFF80];
	_ =	sdelay $0x1  }
0x192: {  	v9 =	vld [tilespmem:s12+$0xFFFFFFB0]  }
0x193: {  	v6 =	vmov s15  }
0x194: {  	v6 =	vand.u32 $0xFFFFFFFC, v6  }
0x195: {  	v6 =	vbroadcast v6, $0x0;
	v8 =	vmul.f32 v8, v7  }
0x196: {  	v3 =	vmul.f32 v3, v7;
	v2 =	vmul.f32 v2, v7  }
0x197: {  	[tilespmem:s12+$0xFFFFFF80] =	vst v8;
	v7 =	vmul.f32 v9, v7  }
0x198: {  	[tilespmem:s12+$0xFFFFFFA0] =	vst v2;
	v8 =	vld [tilespmem:s12+$0xFFFFFFF0]  }
0x199: {  	v2 =	vld [tilespmem:s11+$0xFFFFFFA0];
	[tilespmem:s12+$0xFFFFFF90] =	vst v3  }
0x19a: {  	[tilespmem:s12+$0xFFFFFFB0] =	vst v7;
	v7 =	vld [tilespmem:s12+$0xFFFFFFC0]  }
0x19b: {  	v9 =	vld.idx.msk [tilespmem:v4+s0+$0x0], $0xffff  }
0x19c: {  	v10 =	vld [tilespmem:s12+$0xFFFFFFD0]  }
0x19d: {  	v11 =	vld [tilespmem:s12+$0xFFFFFFE0]  }
0x19e: {  	s8 =	sadd.s32 $0x1, s15;
	v3 =	vld [tilespmem:s11+$0xFFFFFF90]  }
0x19f: {  	v4 =	vmov s8  }
0x1a0: {  	v4 =	vand.u32 $0xFFFFFFFD, v4  }
0x1a1: {  	v4 =	vbroadcast v4, $0x0;
	v8 =	vmul.f32 v8, v9  }
0x1a2: {  	v10 =	vmul.f32 v10, v9;
	v11 =	vmul.f32 v11, v9  }
0x1a3: {  	v7 =	vmul.f32 v7, v9;
	[tilespmem:s12+$0xFFFFFFF0] =	vst v8  }
0x1a4: {  	[tilespmem:s12+$0xFFFFFFD0] =	vst v10  }
0x1a5: {  	[tilespmem:s12+$0xFFFFFFC0] =	vst v7;
	v7 =	vld [tilespmem:s12+$0x0]  }
0x1a6: {  	[tilespmem:s12+$0xFFFFFFE0] =	vst v11;
	v8 =	vld [tilespmem:s12+$0x30]  }
0x1a7: {  	v5 =	vld.idx.msk [tilespmem:v5+s0+$0x0], $0xffff  }
0x1a8: {  	v9 =	vld [tilespmem:s12+$0x10]  }
0x1a9: {  	v10 =	vld [tilespmem:s12+$0x20];
	_ =	sdelay $0x3  }
0x1aa: {  	s8 =	sadd.s32 $0x3, s13;
	s13 =	smov.u32 s15;
	v7 =	vmul.f32 v7, v5;
	v9 =	vmul.f32 v9, v5  }
0x1ab: {  	s15 =	sadd.s32 $0x2, s13;
	v10 =	vmul.f32 v10, v5;
	v5 =	vmul.f32 v8, v5;
	v8 =	vmov s8  }
0x1ac: {  	v11 =	vmov s15;
	[tilespmem:s12+$0x0] =	vst v7  }
0x1ad: {  	v7 =	vand.u32 $0xFFFFFFFE, v11;
	[tilespmem:s12+$0x10] =	vst v9  }
0x1ae: {  	[tilespmem:s12+$0x30] =	vst v5;
	v9 =	vld [tilespmem:s12+$0x40]  }
0x1af: {  	v5 =	vbroadcast v7, $0x0;
	[tilespmem:s12+$0x20] =	vst v10;
	v10 =	vld [tilespmem:s12+$0x70]  }
0x1b0: {  	v8 =	vld.idx.msk [tilespmem:v8+s0+$0x0], $0xffff  }
0x1b1: {  	v7 =	vld [tilespmem:s12+$0x50]  }
0x1b2: {  	v11 =	vld [tilespmem:s12+$0x60];
	_ =	sdelay $0x3  }
.Ltmp4:
0x1b3: {  	v9 =	vmul.f32 v9, v8;
	v12 =	vmul.f32 v7, v8;
	(pc) =	sbr.rel @p0 .LBB2_10-.Ltmp4, $4  }
0x1b4: {  	v7 =	vmul.f32 v11, v8;
	v8 =	vmul.f32 v10, v8  }
0x1b5: {  	[tilespmem:s12+$0x40] =	vst v9  }
0x1b6: {  	[tilespmem:s12+$0x50] =	vst v12  }
0x1b7: {  	[tilespmem:s12+$0x70] =	vst v8  }
0x1b8: {  	_ =	sdelay $0x2  }
0x1b9: {  	[tilespmem:s12+$0x60] =	vst v7;
	v53 =	vld [tilespmem:s11+$0xFFFFFF80]  }
0x1ba: {  	v6 =	vld.idx.msk [tilespmem:v6+s0+$0x0], $0xffff;
	_ =	sdelay $0x2  }
0x1bb: {  	v8 =	vld [tilespmem:s11+$0xFFFFFFB0];
	_ =	sdelay $0x1  }
0x1bc: {  	v7 =	vmul.f32 v53, v6  }
0x1bd: {  	v2 =	vmul.f32 v2, v6  }
0x1be: {  	v3 =	vmul.f32 v3, v6;
	[tilespmem:s11+$0xFFFFFF80] =	vst v7  }
0x1bf: {  	v6 =	vmul.f32 v8, v6;
	[tilespmem:s11+$0xFFFFFFA0] =	vst v2  }
0x1c0: {  	[tilespmem:s11+$0xFFFFFF90] =	vst v3  }
0x1c1: {  	v2 =	vld [tilespmem:s11+$0xFFFFFFF0];
	[tilespmem:s11+$0xFFFFFFB0] =	vst v6  }
0x1c2: {  	v3 =	vld.idx.msk [tilespmem:v4+s0+$0x0], $0xffff  }
0x1c3: {  	v54 =	vld [tilespmem:s11+$0xFFFFFFD0]  }
0x1c4: {  	v55 =	vld [tilespmem:s11+$0xFFFFFFC0]  }
0x1c5: {  	v56 =	vld [tilespmem:s11+$0xFFFFFFE0];
	_ =	sdelay $0x1  }
0x1c6: {  	v2 =	vmul.f32 v2, v3  }
0x1c7: {  	v4 =	vmul.f32 v54, v3  }
0x1c8: {  	v6 =	vmul.f32 v55, v3;
	[tilespmem:s11+$0xFFFFFFF0] =	vst v2  }
0x1c9: {  	v2 =	vmul.f32 v56, v3;
	[tilespmem:s11+$0xFFFFFFD0] =	vst v4  }
0x1ca: {  	[tilespmem:s11+$0xFFFFFFC0] =	vst v6  }
0x1cb: {  	v3 =	vld [tilespmem:s11+$0x0];
	[tilespmem:s11+$0xFFFFFFE0] =	vst v2  }
0x1cc: {  	v2 =	vld.idx.msk [tilespmem:v5+s0+$0x0], $0xffff  }
0x1cd: {  	v57 =	vld [tilespmem:s11+$0x10]  }
0x1ce: {  	v58 =	vld [tilespmem:s11+$0x30]  }
0x1cf: {  	v59 =	vld [tilespmem:s11+$0x20];
	_ =	sdelay $0x1  }
0x1d0: {  	s8 =	sadd.s32 $0x3, s13;
	v3 =	vmul.f32 v3, v2  }
0x1d1: {  	v60 =	vmov s8;
	v4 =	vmul.f32 v57, v2  }
0x1d2: {  	v5 =	vmul.f32 v58, v2;
	[tilespmem:s11+$0x0] =	vst v3  }
0x1d3: {  	v2 =	vmul.f32 v59, v2;
	[tilespmem:s11+$0x10] =	vst v4  }
0x1d4: {  	[tilespmem:s11+$0x30] =	vst v5  }
0x1d5: {  	v3 =	vld [tilespmem:s11+$0x40];
	[tilespmem:s11+$0x20] =	vst v2  }
0x1d6: {  	v2 =	vld.idx.msk [tilespmem:v60+s0+$0x0], $0xffff  }
0x1d7: {  	v61 =	vld [tilespmem:s11+$0x50]  }
0x1d8: {  	v62 =	vld [tilespmem:s11+$0x70]  }
0x1d9: {  	v63 =	vld [tilespmem:s11+$0x60];
	_ =	sdelay $0x1  }
0x1da: {  	v3 =	vmul.f32 v3, v2  }
0x1db: {  	v4 =	vmul.f32 v61, v2  }
0x1dc: {  	v5 =	vmul.f32 v62, v2;
	[tilespmem:s11+$0x40] =	vst v3  }
0x1dd: {  	v2 =	vmul.f32 v63, v2;
	[tilespmem:s11+$0x50] =	vst v4  }
0x1de: {  	[tilespmem:s11+$0x70] =	vst v5  }
0x1df: {  	[tilespmem:s11+$0x60] =	vst v2  }
0x1e0: {  	_ =	swait.ge [sflag:s21], $0x1400  }
0x1e1: {  	[sflag:s21] =	ssyncset.done $0x0  }
0x1e2: {  	[sflag:s21] =	ssyncadd.s32 $0xFFFFEC00  }
0x1e3: {  	_ =	swait.ge [sflag:s22], $0x280  }
0x1e4: {  	[sflag:s22] =	ssyncset.done $0x0  }
0x1e5: {  	s16 =	simm.s32 $0x4DD0;
	[sflag:s22] =	ssyncadd.s32 $0xFFFFFD80  }
0x1e6: {  	[spmem:s4] =	stream.indirect.scatter.add.f32 [tilespmem:s29], [sflag:$0x3], $0x40, s16, s26, $0xb8;
	[tilespmem:$0x1F7F0] =	vst v63  }
0x1e7: {  	_ = 	snop  }
0x1e8: {  	[spmem:s5] =	stream.indirect.scatter.add.f32 [tilespmem:s25], [sflag:$0x4], $0x8, s16, s26, $0xb8;
	[tilespmem:$0x1F7F0] =	vst v63  }
0x1e9: {  	_ =	swait.ge [sflag:s21], $0x1400  }
0x1ea: {  	[sflag:s21] =	ssyncset.done $0x0  }
0x1eb: {  	[sflag:s21] =	ssyncadd.s32 $0xFFFFEC00  }
0x1ec: {  	_ =	swait.ge [sflag:s22], $0x280  }
0x1ed: {  	[sflag:s22] =	ssyncset.done $0x0  }
0x1ee: {  	[sflag:s22] =	ssyncadd.s32 $0xFFFFFD80  }
0x1ef: {  	[bflag:$0x0] =	sbarrier.arrive $0xFFFF  }
0x1f0: {  	s17 =	rddreg [dreg:$0xf]  }
0x1f1: {  	[hbm:s17], [sflag:s7] =	dma.local [spmem:s9], $0x1400  }
0x1f2: {  	_ =	swait.ge [sflag:s20], $0x1400  }
0x1f3: {  	[sflag:s20] =	ssyncset.done $0x0  }
0x1f4: {  	s18 =	rddreg [dreg:$0x10];
	[sflag:s20] =	ssyncadd.s32 $0xFFFFEC00  }
0x1f5: {  	[hbm:s18], [sflag:s7] =	dma.local [spmem:s10], $0x280  }
0x1f6: {  	_ =	swait.ge [sflag:s20], $0x280  }
0x1f7: {  	[sflag:s20] =	ssyncset.done $0x0  }
0x1f8: {  	[sflag:s20] =	ssyncadd.s32 $0xFFFFFD80  }
0x1f9: {  	[spmem:s9], [sflag:s7] =	dma.local [hbm:s6], $0x1400  }
0x1fa: {  	_ =	swait.ge [sflag:s20], $0x1400  }
0x1fb: {  	[sflag:s20] =	ssyncset.done $0x0  }
0x1fc: {  	s28 =	smov.u32 s6;
	s19 =	simm.s32 $0xF260;
	[sflag:s20] =	ssyncadd.s32 $0xFFFFEC00  }
0x1fd: {  	s11 =	simm.s32 $0x0;
	s10 =	simm.s32 $0x0;
	[bflag:$0x0] =	sbarrier.arrive $0xFFFF  }
0x1fe: {  	[tilespmem:s29], [sflag:$0x1] =	stream.indirect.gather [hbm4b:s1+s26], $0x40, s19, s26, $0xb8;
	[tilespmem:$0x1F7F0] =	vst v63  }
.LBB2_12:
0x1ff: {  	p0 =	seq.s32 s11, $0x0  }
0x200: {  	s12 =	sadd.s32 $0x0, s10;
	s8 =	simm.s32 @!p0 $0x3  }
0x201: {  	s13 =	smul.u32 $0xA0, s11;
	v2 =	vmov s12;
	_ =	swait.ge @!p0 [sflag:s8], $0x1400  }
0x202: {  	v2 =	vand.u32 $0xFFFFFFFC, v2;
	[sflag:s8] =	ssyncset.done @!p0 $0x0  }
0x203: {  	s16 =	sadd.s32 $0xF2B0, s13;
	v2 =	vbroadcast v2, $0x0;
	[sflag:s8] =	ssyncadd.s32 @!p0 $0xFFFFEC00  }
0x204: {  	[tilespmem:s30], [sflag:$0x2] =	stream.indirect.gather [hbm4b:s1+s26], $0x40, s16, s26, $0xb8;
	[tilespmem:$0x1F7F0] =	vst v63  }
0x205: {  	_ =	swait.ge [sflag:s31], $0x1400  }
0x206: {  	[sflag:s31] =	ssyncset.done $0x0  }
0x207: {  	s14 =	simm.s32 $0x119F0;
	[sflag:s31] =	ssyncadd.s32 $0xFFFFEC00  }
0x208: {  	v3 =	vld [tilespmem:s14+$0xFFFFFFB0]  }
0x209: {  	v2 =	vld.idx.msk [tilespmem:v2+s0+$0x0], $0xffff  }
0x20a: {  	v4 =	vld [tilespmem:s14+$0xFFFFFF80]  }
0x20b: {  	s17 =	sadd.s32 $0x1, s12;
	v5 =	vld [tilespmem:s14+$0xFFFFFF90]  }
0x20c: {  	v6 =	vmov s17;
	v7 =	vld [tilespmem:s14+$0xFFFFFFA0]  }
0x20d: {  	v6 =	vand.u32 $0xFFFFFFFD, v6  }
0x20e: {  	v6 =	vbroadcast v6, $0x0;
	v3 =	vmul.f32 v3, v2  }
0x20f: {  	v4 =	vmul.f32 v4, v2  }
0x210: {  	v5 =	vmul.f32 v5, v2;
	[tilespmem:s14+$0xFFFFFFB0] =	vst v3  }
0x211: {  	v2 =	vmul.f32 v7, v2;
	[tilespmem:s14+$0xFFFFFF80] =	vst v4  }
0x212: {  	[tilespmem:s14+$0xFFFFFF90] =	vst v5  }
0x213: {  	[tilespmem:s14+$0xFFFFFFA0] =	vst v2;
	v3 =	vld [tilespmem:s14+$0xFFFFFFC0]  }
0x214: {  	v2 =	vld.idx.msk [tilespmem:v6+s0+$0x0], $0xffff  }
0x215: {  	v4 =	vld [tilespmem:s14+$0xFFFFFFF0]  }
0x216: {  	s18 =	sadd.s32 $0x2, s12;
	v5 =	vld [tilespmem:s14+$0xFFFFFFD0]  }
0x217: {  	v62 =	vmov s18;
	v61 =	vld [tilespmem:s14+$0xFFFFFFE0]  }
0x218: {  	v7 =	vand.u32 $0xFFFFFFFE, v62  }
0x219: {  	v7 =	vbroadcast v7, $0x0;
	v3 =	vmul.f32 v3, v2  }
0x21a: {  	v4 =	vmul.f32 v4, v2  }
0x21b: {  	v5 =	vmul.f32 v5, v2;
	[tilespmem:s14+$0xFFFFFFC0] =	vst v3  }
0x21c: {  	v2 =	vmul.f32 v61, v2;
	[tilespmem:s14+$0xFFFFFFF0] =	vst v4  }
0x21d: {  	[tilespmem:s14+$0xFFFFFFD0] =	vst v5  }
0x21e: {  	[tilespmem:s14+$0xFFFFFFE0] =	vst v2;
	v2 =	vld [tilespmem:s14+$0x0]  }
0x21f: {  	v3 =	vld.idx.msk [tilespmem:v7+s0+$0x0], $0xffff  }
0x220: {  	v4 =	vld [tilespmem:s14+$0x30]  }
0x221: {  	v5 =	vld [tilespmem:s14+$0x20];
	_ =	sdelay $0x1  }
0x222: {  	v63 =	vld [tilespmem:s14+$0x10]  }
0x223: {  	v2 =	vmul.f32 v2, v3  }
0x224: {  	s19 =	sadd.s32 $0x3, s12;
	v4 =	vmul.f32 v4, v3  }
0x225: {  	v5 =	vmul.f32 v5, v3;
	[tilespmem:s14+$0x0] =	vst v2;
	v2 =	vmov s19  }
0x226: {  	[tilespmem:s14+$0x30] =	vst v4  }
0x227: {  	s15 =	simm.s32 $0x119F0;
	s12 =	sadd.s32 $0x50, s13;
	s13 =	simm.s32 $0x4;
	v3 =	vmul.f32 v63, v3;
	[tilespmem:s14+$0x20] =	vst v5  }
.LBB2_13:
0x228: {  	p0 =	sne.s32 s13, $0x4C  }
0x229: {  	[tilespmem:s14+$0x10] =	vst v3;
	v3 =	vld [tilespmem:s14+$0x70];
	s15 =	sadd.s32 $0x100, s15;
	s8 =	smov.u32 s13;
	s13 =	sadd.s32 $0x4, s13  }
0x22a: {  	v2 =	vld.idx.msk [tilespmem:v2+s0+$0x0], $0xffff  }
0x22b: {  	v4 =	vld [tilespmem:s14+$0x40]  }
0x22c: {  	v5 =	vld [tilespmem:s14+$0x50]  }
0x22d: {  	s8 =	sadd.s32 s8, s10;
	v6 =	vld [tilespmem:s14+$0x60]  }
0x22e: {  	v7 =	vmov s8;
	s17 =	sadd.s32 $0x1, s8;
	s18 =	sadd.s32 $0x2, s8;
	s16 =	sadd.s32 $0x3, s8  }
0x22f: {  	v7 =	vand.u32 $0xFFFFFFFC, v7;
	v8 =	vmov s17;
	v9 =	vmov s18  }
0x230: {  	v7 =	vbroadcast v7, $0x0;
	v8 =	vand.u32 $0xFFFFFFFD, v8;
	v4 =	vmul.f32 v4, v2  }
0x231: {  	v9 =	vand.u32 $0xFFFFFFFE, v9;
	v3 =	vmul.f32 v3, v2;
	v5 =	vmul.f32 v5, v2  }
0x232: {  	[tilespmem:s14+$0x40] =	vst v4;
	v2 =	vmul.f32 v6, v2  }
0x233: {  	[tilespmem:s14+$0x70] =	vst v3  }
0x234: {  	v3 =	vld [tilespmem:s15+$0xFFFFFFA0];
	[tilespmem:s14+$0x50] =	vst v5  }
0x235: {  	v4 =	vld [tilespmem:s15+$0xFFFFFFB0];
	[tilespmem:s14+$0x60] =	vst v2;
	s14 =	smov.u32 s15  }
0x236: {  	v2 =	vld.idx.msk [tilespmem:v7+s0+$0x0], $0xffff  }
0x237: {  	v5 =	vld [tilespmem:s15+$0xFFFFFF80]  }
0x238: {  	v6 =	vld [tilespmem:s15+$0xFFFFFF90];
	_ =	sdelay $0x2  }
0x239: {  	v7 =	vbroadcast v8, $0x0  }
0x23a: {  	v4 =	vmul.f32 v4, v2;
	v5 =	vmul.f32 v5, v2  }
0x23b: {  	v6 =	vmul.f32 v6, v2;
	v2 =	vmul.f32 v3, v2  }
0x23c: {  	[tilespmem:s15+$0xFFFFFFB0] =	vst v4  }
0x23d: {  	[tilespmem:s15+$0xFFFFFF80] =	vst v5  }
0x23e: {  	[tilespmem:s15+$0xFFFFFF90] =	vst v6;
	v3 =	vld [tilespmem:s15+$0xFFFFFFF0]  }
0x23f: {  	[tilespmem:s15+$0xFFFFFFA0] =	vst v2;
	v2 =	vld [tilespmem:s15+$0xFFFFFFD0]  }
0x240: {  	v4 =	vld.idx.msk [tilespmem:v7+s0+$0x0], $0xffff  }
0x241: {  	v5 =	vld [tilespmem:s15+$0xFFFFFFC0]  }
0x242: {  	v6 =	vld [tilespmem:s15+$0xFFFFFFE0];
	_ =	sdelay $0x2  }
0x243: {  	v7 =	vbroadcast v9, $0x0  }
0x244: {  	v2 =	vmul.f32 v2, v4;
	v5 =	vmul.f32 v5, v4  }
0x245: {  	v3 =	vmul.f32 v3, v4;
	v6 =	vmul.f32 v6, v4  }
0x246: {  	[tilespmem:s15+$0xFFFFFFC0] =	vst v5  }
0x247: {  	[tilespmem:s15+$0xFFFFFFF0] =	vst v3  }
0x248: {  	[tilespmem:s15+$0xFFFFFFD0] =	vst v2;
	v2 =	vld [tilespmem:s15+$0x30]  }
0x249: {  	[tilespmem:s15+$0xFFFFFFE0] =	vst v6;
	v3 =	vld [tilespmem:s15+$0x0]  }
0x24a: {  	v4 =	vld.idx.msk [tilespmem:v7+s0+$0x0], $0xffff  }
0x24b: {  	v5 =	vld [tilespmem:s15+$0x10]  }
0x24c: {  	v6 =	vld [tilespmem:s15+$0x20];
	_ =	sdelay $0x3  }
.Ltmp5:
0x24d: {  	v7 =	vmul.f32 v3, v4;
	v3 =	vmul.f32 v5, v4;
	(pc) =	sbr.rel @p0 .LBB2_13-.Ltmp5, $4  }
0x24e: {  	v5 =	vmul.f32 v6, v4;
	v4 =	vmul.f32 v2, v4;
	v2 =	vmov s16  }
0x24f: {  	[tilespmem:s15+$0x0] =	vst v7  }
0x250: {  	[tilespmem:s15+$0x30] =	vst v4  }
0x251: {  	[tilespmem:s15+$0x20] =	vst v5  }
0x252: {  	_ =	sdelay $0x2  }
0x253: {  	[tilespmem:s14+$0x10] =	vst v3;
	v3 =	vld [tilespmem:s14+$0x40]  }
0x254: {  	v2 =	vld.idx.msk [tilespmem:v2+s0+$0x0], $0xffff  }
0x255: {  	v4 =	vld [tilespmem:s14+$0x70]  }
0x256: {  	v5 =	vld [tilespmem:s14+$0x50]  }
0x257: {  	v6 =	vld [tilespmem:s14+$0x60];
	_ =	sdelay $0x1  }
0x258: {  	v3 =	vmul.f32 v3, v2  }
0x259: {  	s8 =	sadd.s32 $0xFFFFFFB0, s10;
	v4 =	vmul.f32 v4, v2  }
0x25a: {  	s13 =	smul.u32 $0x280, s11;
	s15 =	sadd.s32 $0xA0, s8;
	v5 =	vmul.f32 v5, v2;
	[tilespmem:s14+$0x40] =	vst v3  }
0x25b: {  	v2 =	vmul.f32 v6, v2;
	[tilespmem:s14+$0x70] =	vst v4;
	v3 =	vmov s15  }
0x25c: {  	s13 =	sshra.s32 s13, $0x2;
	[tilespmem:s14+$0x50] =	vst v5;
	v3 =	vand.u32 $0xFFFFFFFC, v3  }
0x25d: {  	s17 =	sadd.s32 $0x2710, s13;
	[tilespmem:s14+$0x60] =	vst v2;
	v2 =	vbroadcast v3, $0x0  }
0x25e: {  	[spmem:s4] =	stream.indirect.scatter.add.f32 [tilespmem:s29], [sflag:$0x3], $0x40, s17, s26, $0xb8;
	[tilespmem:$0x1F7F0] =	vst v63  }
0x25f: {  	_ =	swait.ge [sflag:s3], $0x1400  }
0x260: {  	[sflag:s3] =	ssyncset.done $0x0  }
0x261: {  	s14 =	simm.s32 $0x12DF0;
	[sflag:s3] =	ssyncadd.s32 $0xFFFFEC00  }
0x262: {  	v3 =	vld [tilespmem:s14+$0xFFFFFFB0]  }
0x263: {  	v2 =	vld.idx.msk [tilespmem:v2+s0+$0x0], $0xffff  }
0x264: {  	v4 =	vld [tilespmem:s14+$0xFFFFFF80]  }
0x265: {  	s18 =	sadd.s32 $0xA1, s8;
	v5 =	vld [tilespmem:s14+$0xFFFFFF90]  }
0x266: {  	v60 =	vmov s18;
	v7 =	vld [tilespmem:s14+$0xFFFFFFA0]  }
0x267: {  	v6 =	vand.u32 $0xFFFFFFFD, v60  }
0x268: {  	v6 =	vbroadcast v6, $0x0;
	v3 =	vmul.f32 v3, v2  }
0x269: {  	v4 =	vmul.f32 v4, v2  }
0x26a: {  	v5 =	vmul.f32 v5, v2;
	[tilespmem:s14+$0xFFFFFFB0] =	vst v3  }
0x26b: {  	v2 =	vmul.f32 v7, v2;
	[tilespmem:s14+$0xFFFFFF80] =	vst v4  }
0x26c: {  	[tilespmem:s14+$0xFFFFFF90] =	vst v5  }
0x26d: {  	[tilespmem:s14+$0xFFFFFFA0] =	vst v2;
	v3 =	vld [tilespmem:s14+$0xFFFFFFC0]  }
0x26e: {  	v2 =	vld.idx.msk [tilespmem:v6+s0+$0x0], $0xffff  }
0x26f: {  	v4 =	vld [tilespmem:s14+$0xFFFFFFF0]  }
0x270: {  	s19 =	sadd.s32 $0xA2, s8;
	v5 =	vld [tilespmem:s14+$0xFFFFFFD0]  }
0x271: {  	v62 =	vmov s19;
	v61 =	vld [tilespmem:s14+$0xFFFFFFE0]  }
0x272: {  	v7 =	vand.u32 $0xFFFFFFFE, v62  }
0x273: {  	v7 =	vbroadcast v7, $0x0;
	v3 =	vmul.f32 v3, v2  }
0x274: {  	v4 =	vmul.f32 v4, v2  }
0x275: {  	v5 =	vmul.f32 v5, v2;
	[tilespmem:s14+$0xFFFFFFC0] =	vst v3  }
0x276: {  	v2 =	vmul.f32 v61, v2;
	[tilespmem:s14+$0xFFFFFFF0] =	vst v4  }
0x277: {  	[tilespmem:s14+$0xFFFFFFD0] =	vst v5  }
0x278: {  	[tilespmem:s14+$0xFFFFFFE0] =	vst v2;
	v2 =	vld [tilespmem:s14+$0x0]  }
0x279: {  	v3 =	vld.idx.msk [tilespmem:v7+s0+$0x0], $0xffff  }
0x27a: {  	v4 =	vld [tilespmem:s14+$0x30]  }
0x27b: {  	v5 =	vld [tilespmem:s14+$0x20];
	_ =	sdelay $0x1  }
0x27c: {  	v63 =	vld [tilespmem:s14+$0x10]  }
0x27d: {  	v2 =	vmul.f32 v2, v3  }
0x27e: {  	s8 =	sadd.s32 $0xA3, s8;
	v4 =	vmul.f32 v4, v3  }
0x27f: {  	v5 =	vmul.f32 v5, v3;
	[tilespmem:s14+$0x0] =	vst v2;
	v2 =	vmov s8  }
0x280: {  	[tilespmem:s14+$0x30] =	vst v4  }
0x281: {  	s16 =	simm.s32 $0x12DF0;
	s15 =	simm.s32 $0xFFFFFFB4;
	v3 =	vmul.f32 v63, v3;
	[tilespmem:s14+$0x20] =	vst v5  }
.LBB2_15:
0x282: {  	p0 =	sne.s32 s15, $0xFFFFFFFC  }
0x283: {  	[tilespmem:s14+$0x10] =	vst v3;
	v3 =	vld [tilespmem:s14+$0x70];
	s16 =	sadd.s32 $0x100, s16;
	s8 =	smov.u32 s15;
	s15 =	sadd.s32 $0x4, s15  }
0x284: {  	v2 =	vld.idx.msk [tilespmem:v2+s0+$0x0], $0xffff  }
0x285: {  	v4 =	vld [tilespmem:s14+$0x40]  }
0x286: {  	s8 =	sadd.s32 s8, s10;
	v5 =	vld [tilespmem:s14+$0x50]  }
0x287: {  	s17 =	sadd.s32 $0xA0, s8;
	s18 =	sadd.s32 $0xA1, s8;
	s19 =	sadd.s32 $0xA2, s8;
	v6 =	vld [tilespmem:s14+$0x60]  }
0x288: {  	v7 =	vmov s17;
	v8 =	vmov s18;
	v9 =	vmov s19;
	s17 =	sadd.s32 $0xA3, s8  }
0x289: {  	v7 =	vand.u32 $0xFFFFFFFC, v7;
	v8 =	vand.u32 $0xFFFFFFFD, v8;
	v9 =	vand.u32 $0xFFFFFFFE, v9  }
0x28a: {  	v7 =	vbroadcast v7, $0x0;
	v4 =	vmul.f32 v4, v2  }
0x28b: {  	v3 =	vmul.f32 v3, v2;
	v5 =	vmul.f32 v5, v2  }
0x28c: {  	[tilespmem:s14+$0x40] =	vst v4;
	v2 =	vmul.f32 v6, v2  }
0x28d: {  	[tilespmem:s14+$0x70] =	vst v3  }
0x28e: {  	v3 =	vld [tilespmem:s16+$0xFFFFFFA0];
	[tilespmem:s14+$0x50] =	vst v5  }
0x28f: {  	v4 =	vld [tilespmem:s16+$0xFFFFFFB0];
	[tilespmem:s14+$0x60] =	vst v2;
	s14 =	smov.u32 s16  }
0x290: {  	v2 =	vld.idx.msk [tilespmem:v7+s0+$0x0], $0xffff  }
0x291: {  	v5 =	vld [tilespmem:s16+$0xFFFFFF80]  }
0x292: {  	v6 =	vld [tilespmem:s16+$0xFFFFFF90];
	_ =	sdelay $0x2  }
0x293: {  	v7 =	vbroadcast v8, $0x0  }
0x294: {  	v4 =	vmul.f32 v4, v2;
	v5 =	vmul.f32 v5, v2  }
0x295: {  	v6 =	vmul.f32 v6, v2;
	v2 =	vmul.f32 v3, v2  }
0x296: {  	[tilespmem:s16+$0xFFFFFFB0] =	vst v4  }
0x297: {  	[tilespmem:s16+$0xFFFFFF80] =	vst v5  }
0x298: {  	[tilespmem:s16+$0xFFFFFF90] =	vst v6;
	v3 =	vld [tilespmem:s16+$0xFFFFFFF0]  }
0x299: {  	[tilespmem:s16+$0xFFFFFFA0] =	vst v2;
	v2 =	vld [tilespmem:s16+$0xFFFFFFD0]  }
0x29a: {  	v4 =	vld.idx.msk [tilespmem:v7+s0+$0x0], $0xffff  }
0x29b: {  	v5 =	vld [tilespmem:s16+$0xFFFFFFC0]  }
0x29c: {  	v6 =	vld [tilespmem:s16+$0xFFFFFFE0];
	_ =	sdelay $0x2  }
0x29d: {  	v7 =	vbroadcast v9, $0x0  }
0x29e: {  	v2 =	vmul.f32 v2, v4;
	v5 =	vmul.f32 v5, v4  }
0x29f: {  	v3 =	vmul.f32 v3, v4;
	v6 =	vmul.f32 v6, v4  }
0x2a0: {  	[tilespmem:s16+$0xFFFFFFC0] =	vst v5  }
0x2a1: {  	[tilespmem:s16+$0xFFFFFFF0] =	vst v3  }
0x2a2: {  	[tilespmem:s16+$0xFFFFFFD0] =	vst v2;
	v2 =	vld [tilespmem:s16+$0x30]  }
0x2a3: {  	[tilespmem:s16+$0xFFFFFFE0] =	vst v6;
	v3 =	vld [tilespmem:s16+$0x0]  }
0x2a4: {  	v4 =	vld.idx.msk [tilespmem:v7+s0+$0x0], $0xffff  }
0x2a5: {  	v5 =	vld [tilespmem:s16+$0x10]  }
0x2a6: {  	v6 =	vld [tilespmem:s16+$0x20];
	_ =	sdelay $0x3  }
.Ltmp6:
0x2a7: {  	v7 =	vmul.f32 v3, v4;
	v3 =	vmul.f32 v5, v4;
	(pc) =	sbr.rel @p0 .LBB2_15-.Ltmp6, $4  }
0x2a8: {  	v5 =	vmul.f32 v6, v4;
	v4 =	vmul.f32 v2, v4;
	v2 =	vmov s17  }
0x2a9: {  	[tilespmem:s16+$0x0] =	vst v7  }
0x2aa: {  	[tilespmem:s16+$0x30] =	vst v4  }
0x2ab: {  	[tilespmem:s16+$0x20] =	vst v5  }
0x2ac: {  	_ =	sdelay $0x2  }
0x2ad: {  	[tilespmem:s14+$0x10] =	vst v3;
	v3 =	vld [tilespmem:s14+$0x40]  }
0x2ae: {  	v2 =	vld.idx.msk [tilespmem:v2+s0+$0x0], $0xffff  }
0x2af: {  	v4 =	vld [tilespmem:s14+$0x70]  }
0x2b0: {  	v5 =	vld [tilespmem:s14+$0x50]  }
0x2b1: {  	v6 =	vld [tilespmem:s14+$0x60];
	_ =	sdelay $0x1  }
0x2b2: {  	v3 =	vmul.f32 v3, v2  }
0x2b3: {  	v4 =	vmul.f32 v4, v2  }
0x2b4: {  	v5 =	vmul.f32 v5, v2;
	[tilespmem:s14+$0x40] =	vst v3  }
0x2b5: {  	v2 =	vmul.f32 v6, v2;
	[tilespmem:s14+$0x70] =	vst v4  }
0x2b6: {  	[tilespmem:s14+$0x50] =	vst v5  }
0x2b7: {  	s11 =	sadd.s32 $0x1, s11;
	[tilespmem:s14+$0x60] =	vst v2  }
0x2b8: {  	p0 =	sne.s32 s11, $0x3E;
	_ =	swait.ge [sflag:s21], $0x1400  }
.Ltmp7:
0x2b9: {  	[sflag:s21] =	ssyncset.done $0x0;
	(pc) =	sbr.rel @p0 .LBB2_12-.Ltmp7, $4  }
0x2ba: {  	s8 =	sadd.s32 $0xF300, s13;
	[sflag:s21] =	ssyncadd.s32 $0xFFFFEC00  }
0x2bb: {  	[tilespmem:s29], [sflag:$0x1] =	stream.indirect.gather [hbm4b:s1+s26], $0x40, s8, s26, $0xb8;
	[tilespmem:$0x1F7F0] =	vst v63  }
0x2bc: {  	s19 =	sadd.s32 $0x2710, s12;
	s10 =	sadd.s32 $0xA0, s10  }
0x2bd: {  	[spmem:s4] =	stream.indirect.scatter.add.f32 [tilespmem:s30], [sflag:$0x3], $0x40, s19, s26, $0xb8;
	[tilespmem:$0x1F7F0] =	vst v63  }
0x2be: {  	s8 =	simm.s32 $0x26C0  }
0x2bf: {  	v2 =	vmov s8  }
0x2c0: {  	v2 =	vand.u32 $0xFFFFFFFC, v2  }
0x2c1: {  	v2 =	vbroadcast v2, $0x0;
	_ =	sdelay $0x1  }
0x2c2: {  	_ =	swait.ge [sflag:s31], $0x1400  }
0x2c3: {  	[sflag:s31] =	ssyncset.done $0x0  }
0x2c4: {  	s11 =	simm.s32 $0x119F0;
	[sflag:s31] =	ssyncadd.s32 $0xFFFFEC00  }
0x2c5: {  	v3 =	vld [tilespmem:s11+$0xFFFFFF80]  }
0x2c6: {  	v2 =	vld.idx.msk [tilespmem:v2+s0+$0x0], $0xffff  }
0x2c7: {  	v4 =	vld [tilespmem:s11+$0xFFFFFFA0]  }
0x2c8: {  	s15 =	simm.s32 $0x26C1;
	v5 =	vld [tilespmem:s11+$0xFFFFFF90]  }
0x2c9: {  	v6 =	vmov s15;
	v7 =	vld [tilespmem:s11+$0xFFFFFFB0]  }
0x2ca: {  	v6 =	vand.u32 $0xFFFFFFFD, v6  }
0x2cb: {  	v6 =	vbroadcast v6, $0x0;
	v3 =	vmul.f32 v3, v2  }
0x2cc: {  	v4 =	vmul.f32 v4, v2  }
0x2cd: {  	[tilespmem:s11+$0xFFFFFF80] =	vst v3;
	v3 =	vmul.f32 v5, v2  }
0x2ce: {  	s10 =	simm.s32 $0x11AF0;
	[tilespmem:s11+$0xFFFFFFA0] =	vst v4;
	v4 =	vmul.f32 v7, v2  }
0x2cf: {  	v2 =	vld [tilespmem:s10+$0xFFFFFFA0];
	[tilespmem:s11+$0xFFFFFF90] =	vst v3  }
0x2d0: {  	v3 =	vld [tilespmem:s11+$0xFFFFFFF0];
	[tilespmem:s11+$0xFFFFFFB0] =	vst v4  }
0x2d1: {  	v4 =	vld.idx.msk [tilespmem:v6+s0+$0x0], $0xffff  }
0x2d2: {  	v5 =	vld [tilespmem:s11+$0xFFFFFFD0]  }
0x2d3: {  	s16 =	simm.s32 $0x26C2;
	v6 =	vld [tilespmem:s11+$0xFFFFFFC0]  }
0x2d4: {  	v8 =	vld [tilespmem:s11+$0xFFFFFFE0];
	v7 =	vmov s16  }
0x2d5: {  	v7 =	vand.u32 $0xFFFFFFFE, v7  }
0x2d6: {  	v7 =	vbroadcast v7, $0x0;
	v3 =	vmul.f32 v3, v4  }
0x2d7: {  	v5 =	vmul.f32 v5, v4  }
0x2d8: {  	v6 =	vmul.f32 v6, v4;
	[tilespmem:s11+$0xFFFFFFF0] =	vst v3  }
0x2d9: {  	v4 =	vmul.f32 v8, v4;
	[tilespmem:s11+$0xFFFFFFD0] =	vst v5  }
0x2da: {  	v3 =	vld [tilespmem:s10+$0xFFFFFF90];
	[tilespmem:s11+$0xFFFFFFC0] =	vst v6  }
0x2db: {  	v5 =	vld [tilespmem:s11+$0x0];
	[tilespmem:s11+$0xFFFFFFE0] =	vst v4  }
0x2dc: {  	v4 =	vld.idx.msk [tilespmem:v7+s0+$0x0], $0xffff  }
0x2dd: {  	v6 =	vld [tilespmem:s11+$0x10]  }
0x2de: {  	v7 =	vld [tilespmem:s11+$0x30]  }
0x2df: {  	v8 =	vld [tilespmem:s11+$0x20];
	_ =	sdelay $0x1  }
0x2e0: {  	s17 =	simm.s32 $0x26C3;
	v5 =	vmul.f32 v5, v4  }
0x2e1: {  	v9 =	vmov s17;
	v6 =	vmul.f32 v6, v4  }
0x2e2: {  	v7 =	vmul.f32 v7, v4;
	[tilespmem:s11+$0x0] =	vst v5  }
0x2e3: {  	v4 =	vmul.f32 v8, v4;
	[tilespmem:s11+$0x10] =	vst v6  }
0x2e4: {  	[tilespmem:s11+$0x30] =	vst v7;
	v5 =	vld [tilespmem:s11+$0x40]  }
0x2e5: {  	[tilespmem:s11+$0x20] =	vst v4;
	v4 =	vld [tilespmem:s11+$0x50]  }
0x2e6: {  	v7 =	vld.idx.msk [tilespmem:v9+s0+$0x0], $0xffff  }
0x2e7: {  	v6 =	vld [tilespmem:s11+$0x70];
	_ =	sdelay $0x1  }
0x2e8: {  	s12 =	simm.s32 $0x26C4;
	v8 =	vld [tilespmem:s11+$0x60]  }
0x2e9: {  	v62 =	vmov s12  }
0x2ea: {  	v9 =	vand.u32 $0xFFFFFFFC, v62;
	v5 =	vmul.f32 v5, v7;
	v11 =	vmul.f32 v4, v7  }
0x2eb: {  	s18 =	simm.s32 $0x26C5;
	s19 =	simm.s32 $0x26C6;
	v12 =	vmul.f32 v6, v7;
	v6 =	vbroadcast v9, $0x0  }
0x2ec: {  	v10 =	vmov s18;
	v63 =	vmov s19;
	[tilespmem:s11+$0x40] =	vst v5  }
0x2ed: {  	v4 =	vand.u32 $0xFFFFFFFD, v10;
	v7 =	vmul.f32 v8, v7;
	v5 =	vand.u32 $0xFFFFFFFE, v63;
	[tilespmem:s11+$0x50] =	vst v11  }
0x2ee: {  	s13 =	simm.s32 $0x26C8;
	v4 =	vbroadcast v4, $0x0;
	[tilespmem:s11+$0x70] =	vst v12;
	v5 =	vbroadcast v5, $0x0  }
.LBB2_18:
0x2ef: {  	p0 =	sne.s32 s13, $0x270C;
	s14 =	smov.u32 s13  }
0x2f0: {  	[tilespmem:s11+$0x60] =	vst v7;
	s13 =	sadd.s32 $0x4, s13;
	s11 =	smov.u32 s10;
	s10 =	sadd.s32 $0x100, s10  }
0x2f1: {  	v7 =	vld.idx.msk [tilespmem:v6+s0+$0x0], $0xffff  }
0x2f2: {  	v8 =	vld [tilespmem:s11+$0xFFFFFF80];
	_ =	sdelay $0x1  }
0x2f3: {  	v9 =	vld [tilespmem:s11+$0xFFFFFFB0]  }
0x2f4: {  	v6 =	vmov s14  }
0x2f5: {  	v6 =	vand.u32 $0xFFFFFFFC, v6  }
0x2f6: {  	v6 =	vbroadcast v6, $0x0;
	v8 =	vmul.f32 v8, v7  }
0x2f7: {  	v3 =	vmul.f32 v3, v7;
	v2 =	vmul.f32 v2, v7  }
0x2f8: {  	[tilespmem:s11+$0xFFFFFF80] =	vst v8;
	v7 =	vmul.f32 v9, v7  }
0x2f9: {  	[tilespmem:s11+$0xFFFFFFA0] =	vst v2;
	v8 =	vld [tilespmem:s11+$0xFFFFFFF0]  }
0x2fa: {  	v2 =	vld [tilespmem:s10+$0xFFFFFFA0];
	[tilespmem:s11+$0xFFFFFF90] =	vst v3  }
0x2fb: {  	[tilespmem:s11+$0xFFFFFFB0] =	vst v7;
	v7 =	vld [tilespmem:s11+$0xFFFFFFC0]  }
0x2fc: {  	v9 =	vld.idx.msk [tilespmem:v4+s0+$0x0], $0xffff  }
0x2fd: {  	v10 =	vld [tilespmem:s11+$0xFFFFFFD0]  }
0x2fe: {  	v11 =	vld [tilespmem:s11+$0xFFFFFFE0]  }
0x2ff: {  	s8 =	sadd.s32 $0x1, s14;
	v3 =	vld [tilespmem:s10+$0xFFFFFF90]  }
0x300: {  	v4 =	vmov s8  }
0x301: {  	v4 =	vand.u32 $0xFFFFFFFD, v4  }
0x302: {  	v4 =	vbroadcast v4, $0x0;
	v8 =	vmul.f32 v8, v9  }
0x303: {  	v10 =	vmul.f32 v10, v9;
	v11 =	vmul.f32 v11, v9  }
0x304: {  	v7 =	vmul.f32 v7, v9;
	[tilespmem:s11+$0xFFFFFFF0] =	vst v8  }
0x305: {  	[tilespmem:s11+$0xFFFFFFD0] =	vst v10  }
0x306: {  	[tilespmem:s11+$0xFFFFFFC0] =	vst v7;
	v7 =	vld [tilespmem:s11+$0x0]  }
0x307: {  	[tilespmem:s11+$0xFFFFFFE0] =	vst v11;
	v8 =	vld [tilespmem:s11+$0x30]  }
0x308: {  	v5 =	vld.idx.msk [tilespmem:v5+s0+$0x0], $0xffff  }
0x309: {  	v9 =	vld [tilespmem:s11+$0x10]  }
0x30a: {  	v10 =	vld [tilespmem:s11+$0x20];
	_ =	sdelay $0x3  }
0x30b: {  	s8 =	sadd.s32 $0x3, s12;
	s12 =	smov.u32 s14;
	v7 =	vmul.f32 v7, v5;
	v9 =	vmul.f32 v9, v5  }
0x30c: {  	s14 =	sadd.s32 $0x2, s12;
	v10 =	vmul.f32 v10, v5;
	v5 =	vmul.f32 v8, v5;
	v8 =	vmov s8  }
0x30d: {  	v11 =	vmov s14;
	[tilespmem:s11+$0x0] =	vst v7  }
0x30e: {  	v7 =	vand.u32 $0xFFFFFFFE, v11;
	[tilespmem:s11+$0x10] =	vst v9  }
0x30f: {  	[tilespmem:s11+$0x30] =	vst v5;
	v9 =	vld [tilespmem:s11+$0x40]  }
0x310: {  	v5 =	vbroadcast v7, $0x0;
	[tilespmem:s11+$0x20] =	vst v10;
	v10 =	vld [tilespmem:s11+$0x70]  }
0x311: {  	v8 =	vld.idx.msk [tilespmem:v8+s0+$0x0], $0xffff  }
0x312: {  	v7 =	vld [tilespmem:s11+$0x50]  }
0x313: {  	v11 =	vld [tilespmem:s11+$0x60];
	_ =	sdelay $0x3  }
.Ltmp8:
0x314: {  	v9 =	vmul.f32 v9, v8;
	v12 =	vmul.f32 v7, v8;
	(pc) =	sbr.rel @p0 .LBB2_18-.Ltmp8, $4  }
0x315: {  	v7 =	vmul.f32 v11, v8;
	v8 =	vmul.f32 v10, v8  }
0x316: {  	[tilespmem:s11+$0x40] =	vst v9  }
0x317: {  	[tilespmem:s11+$0x50] =	vst v12  }
0x318: {  	[tilespmem:s11+$0x70] =	vst v8  }
0x319: {  	_ =	sdelay $0x2  }
0x31a: {  	[tilespmem:s11+$0x60] =	vst v7;
	v53 =	vld [tilespmem:s10+$0xFFFFFF80]  }
0x31b: {  	v6 =	vld.idx.msk [tilespmem:v6+s0+$0x0], $0xffff;
	_ =	sdelay $0x2  }
0x31c: {  	v8 =	vld [tilespmem:s10+$0xFFFFFFB0];
	_ =	sdelay $0x1  }
0x31d: {  	v7 =	vmul.f32 v53, v6  }
0x31e: {  	v2 =	vmul.f32 v2, v6  }
0x31f: {  	v3 =	vmul.f32 v3, v6;
	[tilespmem:s10+$0xFFFFFF80] =	vst v7  }
0x320: {  	v6 =	vmul.f32 v8, v6;
	[tilespmem:s10+$0xFFFFFFA0] =	vst v2  }
0x321: {  	[tilespmem:s10+$0xFFFFFF90] =	vst v3  }
0x322: {  	v2 =	vld [tilespmem:s10+$0xFFFFFFF0];
	[tilespmem:s10+$0xFFFFFFB0] =	vst v6  }
0x323: {  	v3 =	vld.idx.msk [tilespmem:v4+s0+$0x0], $0xffff  }
0x324: {  	v54 =	vld [tilespmem:s10+$0xFFFFFFD0]  }
0x325: {  	v55 =	vld [tilespmem:s10+$0xFFFFFFC0]  }
0x326: {  	v56 =	vld [tilespmem:s10+$0xFFFFFFE0];
	_ =	sdelay $0x1  }
0x327: {  	v2 =	vmul.f32 v2, v3  }
0x328: {  	v4 =	vmul.f32 v54, v3  }
0x329: {  	v6 =	vmul.f32 v55, v3;
	[tilespmem:s10+$0xFFFFFFF0] =	vst v2  }
0x32a: {  	v2 =	vmul.f32 v56, v3;
	[tilespmem:s10+$0xFFFFFFD0] =	vst v4  }
0x32b: {  	[tilespmem:s10+$0xFFFFFFC0] =	vst v6  }
0x32c: {  	v3 =	vld [tilespmem:s10+$0x0];
	[tilespmem:s10+$0xFFFFFFE0] =	vst v2  }
0x32d: {  	v2 =	vld.idx.msk [tilespmem:v5+s0+$0x0], $0xffff  }
0x32e: {  	v57 =	vld [tilespmem:s10+$0x10]  }
0x32f: {  	v58 =	vld [tilespmem:s10+$0x30]  }
0x330: {  	v59 =	vld [tilespmem:s10+$0x20];
	_ =	sdelay $0x1  }
0x331: {  	s8 =	sadd.s32 $0x3, s12;
	v3 =	vmul.f32 v3, v2  }
0x332: {  	v60 =	vmov s8;
	v4 =	vmul.f32 v57, v2  }
0x333: {  	v5 =	vmul.f32 v58, v2;
	[tilespmem:s10+$0x0] =	vst v3  }
0x334: {  	v2 =	vmul.f32 v59, v2;
	[tilespmem:s10+$0x10] =	vst v4  }
0x335: {  	[tilespmem:s10+$0x30] =	vst v5  }
0x336: {  	v3 =	vld [tilespmem:s10+$0x40];
	[tilespmem:s10+$0x20] =	vst v2  }
0x337: {  	v2 =	vld.idx.msk [tilespmem:v60+s0+$0x0], $0xffff  }
0x338: {  	v61 =	vld [tilespmem:s10+$0x50]  }
0x339: {  	v62 =	vld [tilespmem:s10+$0x70]  }
0x33a: {  	v63 =	vld [tilespmem:s10+$0x60];
	_ =	sdelay $0x1  }
0x33b: {  	v3 =	vmul.f32 v3, v2  }
0x33c: {  	v4 =	vmul.f32 v61, v2  }
0x33d: {  	v5 =	vmul.f32 v62, v2;
	[tilespmem:s10+$0x40] =	vst v3  }
0x33e: {  	v2 =	vmul.f32 v63, v2;
	[tilespmem:s10+$0x50] =	vst v4  }
0x33f: {  	[tilespmem:s10+$0x70] =	vst v5  }
0x340: {  	[tilespmem:s10+$0x60] =	vst v2  }
0x341: {  	_ =	swait.ge [sflag:s21], $0x1400  }
0x342: {  	[sflag:s21] =	ssyncset.done $0x0  }
0x343: {  	s6 =	simm.s32 $0x4DD0;
	[sflag:s21] =	ssyncadd.s32 $0xFFFFEC00  }
0x344: {  	[spmem:s4] =	stream.indirect.scatter.add.f32 [tilespmem:s29], [sflag:$0x3], $0x40, s6, s26, $0xb8;
	[tilespmem:$0x1F7F0] =	vst v63  }
0x345: {  	_ =	swait.ge [sflag:s21], $0x1400  }
0x346: {  	[sflag:s21] =	ssyncset.done $0x0  }
0x347: {  	[sflag:s21] =	ssyncadd.s32 $0xFFFFEC00  }
0x348: {  	[bflag:$0x0] =	sbarrier.arrive $0xFFFF  }
0x349: {  	s18 =	rddreg [dreg:$0x11]  }
0x34a: {  	[hbm:s18], [sflag:s7] =	dma.local [spmem:s9], $0x1400  }
0x34b: {  	_ =	swait.ge [sflag:s20], $0x1400  }
0x34c: {  	s2 =	sadd.s32 $0x1, s2;
	s19 =	rddreg [dreg:$0x12]  }
0x34d: {  	p0 =	sne.s32 s2, s19  }
.Ltmp9:
0x34e: {  	_ = 	snop;
	(pc) =	sbr.rel @p0 .LBB2_1-.Ltmp9, $3  }
0x34f: {  	_ =	sdelay $0x1  }
0x350: {  	[sflag:s20] =	ssyncset.done $0x0  }
0x351: {  	[sflag:s20] =	ssyncadd.s32 $0xFFFFEC00  }
0x352: {  	_ =	sfence.sel $0x180000  }
0x353: {  	[bflag:$0x0] =	sbarrier.arrive $0xFFFF  }
0x354: {  	_ =	strace $0x90000047  }
0x355: {  	s0 =	stileid.u32;
	[bflag:$0x2] =	sbarrier.arrive $0xFFFF  }
0x356: {  	p0 =	sne.s32 s0, $0x0;
	s0 =	rddreg [dreg:$0x6]  }
0x357: {  	s0 =	sadd.s32 @!p0 $0x100000, s0  }
0x358: {  	[sflag:s0] =	ssyncadd.tile.s32 @!p0 $0x1;
	_ =	shalt  }
.Lfunc_end2:
_tile_overlayer_lowered:
.L_overlay_start_2:
0x359: {  	(tag) =	ssettag $0x2  }
0x35a: {  	s0 =	rddreg [dreg:$0x0];
	s2 =	stileid.u32  }
0x35b: {  	s1 =	rddreg [dreg:$0x1];
	p0 =	sne.s32 s2, $0x0  }
0x35c: {  	s3 =	rddreg [dreg:$0x2];
	[bflag:$0x3] =	sbarrier.arrive $0xFFFF;
	s2 =	simm.s32 @!p0 $0x1C05  }
0x35d: {  	[timem:s3], [sflag:s2] =	dma.local @!p0 [hbm:s0], s1  }
0x35e: {  	s0 =	simm.s32 @!p0 $0x5  }
0x35f: {  	_ =	swait.ge @!p0 [sflag:s0], s1  }
0x360: {  	s1 =	ssub.s32 @!p0 $0x0, s1;
	[sflag:s0] =	ssyncset.done @!p0 $0x0  }
0x361: {  	[sflag:s0] =	ssyncadd.s32 @!p0 s1  }
0x362: {  	[bflag:$0x3] =	sbarrier.arrive $0xFFFF  }
0x363: {  	_ =	shalt  }

</sc_bundles>
